<compile_context>
chip_gen: v7x
topology: tpu7x:2x2x1
jax: 0.10.2.dev20260603
libtpu: 0.0.44.dev20260713+nightly
codegen_flags: <defaults>
</compile_context>

<pallas_src>
import functools

import jax
import jax.numpy as jnp
from jax import lax
from jax.experimental import pallas as pl
from jax.experimental.pallas import tpu as pltpu
from jax.experimental.pallas import tpu_sc as plsc

D_MODEL = 64
D_PAD = 128
SCALE = 8.0

NUM_CORES = 2
NUM_SUBCORES = 16
NUM_WORKERS = NUM_CORES * NUM_SUBCORES
LANES = 16

CHUNK = 128
CHUNKS_PER_GROUP = 1
GROUP = CHUNK * CHUNKS_PER_GROUP
NBUF = 5
LOOKAHEAD = NBUF - 1


def _emb_body(n_groups, chunks_per_worker, x_hbm, table_hbm, out_hbm,
              idx_v, rows_v, *sems):
    gsems = sems[:NBUF]
    wsems = sems[NBUF:]

    wid = lax.axis_index("s") * NUM_CORES + lax.axis_index("c")
    chunk_row0 = wid * chunks_per_worker
    row0 = wid * (chunks_per_worker * CHUNK)

    pltpu.sync_copy(x_hbm.at[pl.ds(chunk_row0, chunks_per_worker)], idx_v)

    def fire_gather(g, b):
        for j in range(CHUNKS_PER_GROUP):
            pltpu.async_copy(
                table_hbm.at[idx_v.at[g * CHUNKS_PER_GROUP + j]],
                rows_v.at[b, pl.ds(j * CHUNK, CHUNK)],
                gsems[b],
            )

    def wait_gather(b):
        pltpu.make_async_copy(
            table_hbm.at[pl.ds(0, GROUP)], rows_v.at[b], gsems[b]
        ).wait()

    def fire_writeback(g, b):
        pltpu.async_copy(rows_v.at[b],
                         out_hbm.at[pl.ds(row0 + g * GROUP, GROUP)],
                         wsems[b])

    def wait_writeback(b):
        pltpu.make_async_copy(
            rows_v.at[b], out_hbm.at[pl.ds(0, GROUP)], wsems[b]
        ).wait()

    def scale_rows(b):
        @plsc.parallel_loop(0, GROUP, step=4, unroll=2)
        def _scale(r):
            for rr in range(4):
                for c in range(D_MODEL // LANES):
                    sl = pl.ds(c * LANES, LANES)
                    rows_v[b, r + rr, sl] = rows_v[b, r + rr, sl] * SCALE

    for g in range(LOOKAHEAD):
        fire_gather(g, g % NBUF)

    @pl.loop(0, n_groups, step=NBUF)
    def _ring(t):
        for b0 in range(NBUF):
            g = t + b0
            gf = g + LOOKAHEAD
            bf = (b0 + LOOKAHEAD) % NBUF

            @pl.when(gf < n_groups)
            def _():
                @pl.when(g >= 1)
                def _():
                    wait_writeback(bf)
                fire_gather(gf, bf)

            wait_gather(b0)
            scale_rows(b0)
            fire_writeback(g, b0)

    for b in range(NBUF):
        wait_writeback(b)


def kernel(x, table):
    rows, cols = x.shape
    n = x.size
    assert n % (NUM_WORKERS * GROUP * NBUF) == 0
    chunks_per_worker = n // (NUM_WORKERS * CHUNK)
    n_groups = chunks_per_worker // CHUNKS_PER_GROUP

    x2d = x.T.reshape(n // CHUNK, CHUNK).astype(jnp.int32)

    table_p = jnp.pad(table, ((0, 0), (0, D_PAD - D_MODEL)))

    mesh = plsc.VectorSubcoreMesh(core_axis_name="c", subcore_axis_name="s")
    out = pl.kernel(
        functools.partial(_emb_body, n_groups, chunks_per_worker),
        out_type=jax.ShapeDtypeStruct((n, D_PAD), jnp.float32),
        mesh=mesh,
        compiler_params=pltpu.CompilerParams(use_tc_tiling_on_sc=True),
        scratch_types=[
            pltpu.VMEM((chunks_per_worker, CHUNK), jnp.int32),
            pltpu.VMEM((NBUF, GROUP, D_PAD), jnp.float32),
        ] + [pltpu.SemaphoreType.DMA] * (2 * NBUF),
    )(x2d, table_p)
    out = out.reshape(cols, rows, D_PAD)[:, :, :D_MODEL]
    return out.transpose(1, 0, 2)

# --- scband reference (transcript-rebuilt; emitter-appended) ---
"""Pipeline reference for scband-embedding-31473520345428 (READ-ONLY COPY).

The authoritative reference and input builder live on the scoring server;
editing this copy changes nothing except your own understanding.
"""

import jax, jax.numpy as jnp
import numpy as np
import math

VOCAB_SIZE = 1000000
D_MODEL = 64

def setup_inputs(seed: int = 0) -> dict:
    key = jax.random.key(seed)
    k1, k2 = jax.random.split(key)
    x = jax.random.randint(k1, (4096, 200), 0, VOCAB_SIZE, dtype=jnp.int64 if jax.config.jax_enable_x64 else jnp.int32)
    table = jax.random.normal(k2, (VOCAB_SIZE, D_MODEL), dtype=jnp.float32)
    return {"x": x, "table": table}

def reference(x, table):
    sqrt_d_model = math.sqrt(D_MODEL)
    out = jnp.take(table, x, axis=0) * sqrt_d_model
    return out

if __name__ == "__main__":
    import jax
    _d = setup_inputs()
    print(jax.jit(kernel)(*tuple(_d.values())))

</pallas_src>

<mosaic_0001>
#map = affine_map<(d0, d1) -> (0, 0)>
module attributes {stable_mosaic.version = 14 : i64} {
  func.func @_emb_body(%arg0: i32, %arg1: i32, %arg2: memref<6400x128xi32, #tpu.memory_space<hbm>>, %arg3: memref<1000000x128xf32, #tpu.memory_space<hbm>>, %arg4: memref<819200x128xf32, #tpu.memory_space<hbm>>, %arg5: memref<200x128xi32, #tpu.memory_space<vmem>>, %arg6: memref<5x128x128xf32, #tpu.memory_space<vmem>>, %arg7: memref<!tpu.dma_semaphore, #tpu.memory_space<semaphore_mem>>, %arg8: memref<!tpu.dma_semaphore, #tpu.memory_space<semaphore_mem>>, %arg9: memref<!tpu.dma_semaphore, #tpu.memory_space<semaphore_mem>>, %arg10: memref<!tpu.dma_semaphore, #tpu.memory_space<semaphore_mem>>, %arg11: memref<!tpu.dma_semaphore, #tpu.memory_space<semaphore_mem>>, %arg12: memref<!tpu.dma_semaphore, #tpu.memory_space<semaphore_mem>>, %arg13: memref<!tpu.dma_semaphore, #tpu.memory_space<semaphore_mem>>, %arg14: memref<!tpu.dma_semaphore, #tpu.memory_space<semaphore_mem>>, %arg15: memref<!tpu.dma_semaphore, #tpu.memory_space<semaphore_mem>>, %arg16: memref<!tpu.dma_semaphore, #tpu.memory_space<semaphore_mem>>) attributes {dimension_semantics = [#tpu.dimension_semantics<core_parallel>, #tpu.dimension_semantics<subcore_parallel>], iteration_bounds = array<i64: 2, 16>, scalar_prefetch = 0 : i64, scratch_operands = 12 : i64, tpu.core_type = #tpu.core_type<sc_vector_subcore>, window_params = [{transform_indices = #map}, {transform_indices = #map}, {transform_indices = #map}]} {
    %mul3A = arith.constant 2 : i32
    %mul3A_0 = arith.muli %arg1, %mul3A : i32
    %add3A = arith.addi %mul3A_0, %arg0 : i32
    %mul3A_1 = arith.constant 200 : i32
    %mul3A_2 = arith.muli %add3A, %mul3A_1 : i32
    %mul3A_3 = arith.constant 25600 : i32
    %mul3A_4 = arith.muli %add3A, %mul3A_3 : i32
    "tpu.region"() ({
      %run_scoped3A = tpu.sem_alloc : memref<!tpu.dma_semaphore, #tpu.memory_space<semaphore_mem>>
      %dma_start3A_130 = arith.constant 0 : i32
      %dma_start3A_131 = tpu.memref_slice %arg2[%mul3A_2, %dma_start3A_130] : memref<6400x128xi32, #tpu.memory_space<hbm>> -> memref<200x128xi32, #tpu.memory_space<hbm>>
      %dma_start3A_132 = arith.constant 0 : i32
      %dma_start3A_133 = tpu.memref_slice %arg2[%mul3A_2, %dma_start3A_132] : memref<6400x128xi32, #tpu.memory_space<hbm>> -> memref<200x128xi32, #tpu.memory_space<hbm>>
      tpu.enqueue_dma source(%dma_start3A_133 : memref<200x128xi32, #tpu.memory_space<hbm>>) target(%arg5 : memref<200x128xi32, #tpu.memory_space<vmem>>) target_semaphore(%run_scoped3A : memref<!tpu.dma_semaphore, #tpu.memory_space<semaphore_mem>>)
      %dma_wait3A_134 = arith.constant 0 : i32
      %dma_wait3A_135 = tpu.memref_slice %arg2[%mul3A_2, %dma_wait3A_134] : memref<6400x128xi32, #tpu.memory_space<hbm>> -> memref<200x128xi32, #tpu.memory_space<hbm>>
      %dma_wait3A_136 = arith.constant 0 : i32
      %dma_wait3A_137 = tpu.memref_slice %arg2[%mul3A_2, %dma_wait3A_136] : memref<6400x128xi32, #tpu.memory_space<hbm>> -> memref<200x128xi32, #tpu.memory_space<hbm>>
      tpu.wait_dma2 semaphore(%run_scoped3A : memref<!tpu.dma_semaphore, #tpu.memory_space<semaphore_mem>>) src(%dma_wait3A_137 : memref<200x128xi32, #tpu.memory_space<hbm>>) dst(%arg5 : memref<200x128xi32, #tpu.memory_space<vmem>>)
      tpu.yield
    }) : () -> ()
    %dma_start3A = arith.constant 0 : i32
    %dma_start3A_5 = arith.constant 0 : i32
    %dma_start3A_6 = arith.constant 0 : i32
    %dma_start3A_7 = arith.constant 0 : i32
    %dma_start3A_8 = tpu.memref_slice %arg6[%dma_start3A_5, %dma_start3A_6, %dma_start3A_7] : memref<5x128x128xf32, #tpu.memory_space<vmem>> -> memref<1x128x128xf32, #tpu.memory_space<vmem>>
    %dma_start3A_9 = tpu.memref_squeeze %dma_start3A_8 : memref<1x128x128xf32, #tpu.memory_space<vmem>> -> memref<128x128xf32, #tpu.memory_space<vmem>>
    %dma_start3A_10 = arith.constant 0 : i32
    %dma_start3A_11 = tpu.memref_slice %arg5[%dma_start3A, %dma_start3A_10] : memref<200x128xi32, #tpu.memory_space<vmem>> -> memref<1x128xi32, #tpu.memory_space<vmem>>
    %dma_start3A_12 = tpu.memref_squeeze %dma_start3A_11 : memref<1x128xi32, #tpu.memory_space<vmem>> -> memref<128xi32, #tpu.memory_space<vmem>>
    %dma_start3A_13 = arith.constant 0 : i32
    %dma_start3A_14 = arith.constant 0 : i32
    %dma_start3A_15 = tpu.memref_slice %arg3[%dma_start3A_13, %dma_start3A_14] : memref<1000000x128xf32, #tpu.memory_space<hbm>> -> memref<1000000x128xf32, #tpu.memory_space<hbm>>
    tpu.enqueue_indirect_dma source(%dma_start3A_15 : memref<1000000x128xf32, #tpu.memory_space<hbm>>) target(%dma_start3A_9 : memref<128x128xf32, #tpu.memory_space<vmem>>) offsets(%dma_start3A_12 : memref<128xi32, #tpu.memory_space<vmem>>) semaphore(%arg7 : memref<!tpu.dma_semaphore, #tpu.memory_space<semaphore_mem>>)
    %dma_start3A_16 = arith.constant 1 : i32
    %dma_start3A_17 = arith.constant 1 : i32
    %dma_start3A_18 = arith.constant 0 : i32
    %dma_start3A_19 = arith.constant 0 : i32
    %dma_start3A_20 = tpu.memref_slice %arg6[%dma_start3A_17, %dma_start3A_18, %dma_start3A_19] : memref<5x128x128xf32, #tpu.memory_space<vmem>> -> memref<1x128x128xf32, #tpu.memory_space<vmem>>
    %dma_start3A_21 = tpu.memref_squeeze %dma_start3A_20 : memref<1x128x128xf32, #tpu.memory_space<vmem>> -> memref<128x128xf32, #tpu.memory_space<vmem>>
    %dma_start3A_22 = arith.constant 0 : i32
    %dma_start3A_23 = tpu.memref_slice %arg5[%dma_start3A_16, %dma_start3A_22] : memref<200x128xi32, #tpu.memory_space<vmem>> -> memref<1x128xi32, #tpu.memory_space<vmem>>
    %dma_start3A_24 = tpu.memref_squeeze %dma_start3A_23 : memref<1x128xi32, #tpu.memory_space<vmem>> -> memref<128xi32, #tpu.memory_space<vmem>>
    %dma_start3A_25 = arith.constant 0 : i32
    %dma_start3A_26 = arith.constant 0 : i32
    %dma_start3A_27 = tpu.memref_slice %arg3[%dma_start3A_25, %dma_start3A_26] : memref<1000000x128xf32, #tpu.memory_space<hbm>> -> memref<1000000x128xf32, #tpu.memory_space<hbm>>
    tpu.enqueue_indirect_dma source(%dma_start3A_27 : memref<1000000x128xf32, #tpu.memory_space<hbm>>) target(%dma_start3A_21 : memref<128x128xf32, #tpu.memory_space<vmem>>) offsets(%dma_start3A_24 : memref<128xi32, #tpu.memory_space<vmem>>) semaphore(%arg8 : memref<!tpu.dma_semaphore, #tpu.memory_space<semaphore_mem>>)
    %dma_start3A_28 = arith.constant 2 : i32
    %dma_start3A_29 = arith.constant 2 : i32
    %dma_start3A_30 = arith.constant 0 : i32
    %dma_start3A_31 = arith.constant 0 : i32
    %dma_start3A_32 = tpu.memref_slice %arg6[%dma_start3A_29, %dma_start3A_30, %dma_start3A_31] : memref<5x128x128xf32, #tpu.memory_space<vmem>> -> memref<1x128x128xf32, #tpu.memory_space<vmem>>
    %dma_start3A_33 = tpu.memref_squeeze %dma_start3A_32 : memref<1x128x128xf32, #tpu.memory_space<vmem>> -> memref<128x128xf32, #tpu.memory_space<vmem>>
    %dma_start3A_34 = arith.constant 0 : i32
    %dma_start3A_35 = tpu.memref_slice %arg5[%dma_start3A_28, %dma_start3A_34] : memref<200x128xi32, #tpu.memory_space<vmem>> -> memref<1x128xi32, #tpu.memory_space<vmem>>
    %dma_start3A_36 = tpu.memref_squeeze %dma_start3A_35 : memref<1x128xi32, #tpu.memory_space<vmem>> -> memref<128xi32, #tpu.memory_space<vmem>>
    %dma_start3A_37 = arith.constant 0 : i32
    %dma_start3A_38 = arith.constant 0 : i32
    %dma_start3A_39 = tpu.memref_slice %arg3[%dma_start3A_37, %dma_start3A_38] : memref<1000000x128xf32, #tpu.memory_space<hbm>> -> memref<1000000x128xf32, #tpu.memory_space<hbm>>
    tpu.enqueue_indirect_dma source(%dma_start3A_39 : memref<1000000x128xf32, #tpu.memory_space<hbm>>) target(%dma_start3A_33 : memref<128x128xf32, #tpu.memory_space<vmem>>) offsets(%dma_start3A_36 : memref<128xi32, #tpu.memory_space<vmem>>) semaphore(%arg9 : memref<!tpu.dma_semaphore, #tpu.memory_space<semaphore_mem>>)
    %dma_start3A_40 = arith.constant 3 : i32
    %dma_start3A_41 = arith.constant 3 : i32
    %dma_start3A_42 = arith.constant 0 : i32
    %dma_start3A_43 = arith.constant 0 : i32
    %dma_start3A_44 = tpu.memref_slice %arg6[%dma_start3A_41, %dma_start3A_42, %dma_start3A_43] : memref<5x128x128xf32, #tpu.memory_space<vmem>> -> memref<1x128x128xf32, #tpu.memory_space<vmem>>
    %dma_start3A_45 = tpu.memref_squeeze %dma_start3A_44 : memref<1x128x128xf32, #tpu.memory_space<vmem>> -> memref<128x128xf32, #tpu.memory_space<vmem>>
    %dma_start3A_46 = arith.constant 0 : i32
    %dma_start3A_47 = tpu.memref_slice %arg5[%dma_start3A_40, %dma_start3A_46] : memref<200x128xi32, #tpu.memory_space<vmem>> -> memref<1x128xi32, #tpu.memory_space<vmem>>
    %dma_start3A_48 = tpu.memref_squeeze %dma_start3A_47 : memref<1x128xi32, #tpu.memory_space<vmem>> -> memref<128xi32, #tpu.memory_space<vmem>>
    %dma_start3A_49 = arith.constant 0 : i32
    %dma_start3A_50 = arith.constant 0 : i32
    %dma_start3A_51 = tpu.memref_slice %arg3[%dma_start3A_49, %dma_start3A_50] : memref<1000000x128xf32, #tpu.memory_space<hbm>> -> memref<1000000x128xf32, #tpu.memory_space<hbm>>
    tpu.enqueue_indirect_dma source(%dma_start3A_51 : memref<1000000x128xf32, #tpu.memory_space<hbm>>) target(%dma_start3A_45 : memref<128x128xf32, #tpu.memory_space<vmem>>) offsets(%dma_start3A_48 : memref<128xi32, #tpu.memory_space<vmem>>) semaphore(%arg10 : memref<!tpu.dma_semaphore, #tpu.memory_space<semaphore_mem>>)
    %scan3A = arith.constant 0 : i32
    %scan3A_52 = arith.constant 40 : i32
    %scan3A_53 = arith.addi %scan3A, %scan3A_52 : i32
    %scan3A_54 = arith.constant 1 : i32
    scf.for %scan3A_130 = %scan3A to %scan3A_53 step %scan3A_54  : i32 {
      %mul3A_131 = arith.constant 5 : i32
      %mul3A_132 = arith.muli %scan3A_130, %mul3A_131 : i32
      %add3A_133 = arith.constant 0 : i32
      %add3A_134 = arith.addi %add3A_133, %mul3A_132 : i32
      %add3A_135 = arith.constant 0 : i32
      %add3A_136 = arith.addi %add3A_134, %add3A_135 : i32
      %add3A_137 = arith.constant 4 : i32
      %add3A_138 = arith.addi %add3A_136, %add3A_137 : i32
      %lt3A = arith.constant 200 : i32
      %lt3A_139 = arith.cmpi slt, %add3A_138, %lt3A : i32
      %convert_element_type3A = arith.extui %lt3A_139 : i1 to i32
      %cond3A = arith.constant 0 : i32
      %cond3A_140 = arith.cmpi ne, %convert_element_type3A, %cond3A : i32
      scf.if %cond3A_140 {
        %ge3A = arith.constant 1 : i32
        %ge3A_346 = arith.cmpi sge, %add3A_136, %ge3A : i32
        %convert_element_type3A_347 = arith.extui %ge3A_346 : i1 to i32
        %cond3A_348 = arith.constant 0 : i32
        %cond3A_349 = arith.cmpi ne, %convert_element_type3A_347, %cond3A_348 : i32
        scf.if %cond3A_349 {
          %dma_wait3A_365 = arith.constant 4 : i32
          %dma_wait3A_366 = arith.constant 0 : i32
          %dma_wait3A_367 = arith.constant 0 : i32
          %dma_wait3A_368 = tpu.memref_slice %arg6[%dma_wait3A_365, %dma_wait3A_366, %dma_wait3A_367] : memref<5x128x128xf32, #tpu.memory_space<vmem>> -> memref<1x128x128xf32, #tpu.memory_space<vmem>>
          %dma_wait3A_369 = tpu.memref_squeeze %dma_wait3A_368 : memref<1x128x128xf32, #tpu.memory_space<vmem>> -> memref<128x128xf32, #tpu.memory_space<vmem>>
          %dma_wait3A_370 = arith.constant 0 : i32
          %dma_wait3A_371 = arith.constant 0 : i32
          %dma_wait3A_372 = tpu.memref_slice %arg4[%dma_wait3A_370, %dma_wait3A_371] : memref<819200x128xf32, #tpu.memory_space<hbm>> -> memref<128x128xf32, #tpu.memory_space<hbm>>
          %dma_wait3A_373 = arith.constant 0 : i32
          %dma_wait3A_374 = arith.constant 0 : i32
          %dma_wait3A_375 = tpu.memref_slice %arg4[%dma_wait3A_373, %dma_wait3A_374] : memref<819200x128xf32, #tpu.memory_space<hbm>> -> memref<128x128xf32, #tpu.memory_space<hbm>>
          %dma_wait3A_376 = arith.constant 0 : i32
          %dma_wait3A_377 = arith.constant 0 : i32
          %dma_wait3A_378 = tpu.memref_slice %arg6[%dma_wait3A_365, %dma_wait3A_376, %dma_wait3A_377] : memref<5x128x128xf32, #tpu.memory_space<vmem>> -> memref<1x128x128xf32, #tpu.memory_space<vmem>>
          %dma_wait3A_379 = tpu.memref_squeeze %dma_wait3A_378 : memref<1x128x128xf32, #tpu.memory_space<vmem>> -> memref<128x128xf32, #tpu.memory_space<vmem>>
          tpu.wait_dma2 semaphore(%arg16 : memref<!tpu.dma_semaphore, #tpu.memory_space<semaphore_mem>>) src(%dma_wait3A_379 : memref<128x128xf32, #tpu.memory_space<vmem>>) dst(%dma_wait3A_375 : memref<128x128xf32, #tpu.memory_space<hbm>>)
        } else {
        }
        %mul3A_350 = arith.constant 1 : i32
        %mul3A_351 = arith.muli %add3A_138, %mul3A_350 : i32
        %add3A_352 = arith.constant 0 : i32
        %add3A_353 = arith.addi %mul3A_351, %add3A_352 : i32
        %dma_start3A_354 = arith.constant 4 : i32
        %dma_start3A_355 = arith.constant 0 : i32
        %dma_start3A_356 = arith.constant 0 : i32
        %dma_start3A_357 = tpu.memref_slice %arg6[%dma_start3A_354, %dma_start3A_355, %dma_start3A_356] : memref<5x128x128xf32, #tpu.memory_space<vmem>> -> memref<1x128x128xf32, #tpu.memory_space<vmem>>
        %dma_start3A_358 = tpu.memref_squeeze %dma_start3A_357 : memref<1x128x128xf32, #tpu.memory_space<vmem>> -> memref<128x128xf32, #tpu.memory_space<vmem>>
        %dma_start3A_359 = arith.constant 0 : i32
        %dma_start3A_360 = tpu.memref_slice %arg5[%add3A_353, %dma_start3A_359] : memref<200x128xi32, #tpu.memory_space<vmem>> -> memref<1x128xi32, #tpu.memory_space<vmem>>
        %dma_start3A_361 = tpu.memref_squeeze %dma_start3A_360 : memref<1x128xi32, #tpu.memory_space<vmem>> -> memref<128xi32, #tpu.memory_space<vmem>>
        %dma_start3A_362 = arith.constant 0 : i32
        %dma_start3A_363 = arith.constant 0 : i32
        %dma_start3A_364 = tpu.memref_slice %arg3[%dma_start3A_362, %dma_start3A_363] : memref<1000000x128xf32, #tpu.memory_space<hbm>> -> memref<1000000x128xf32, #tpu.memory_space<hbm>>
        tpu.enqueue_indirect_dma source(%dma_start3A_364 : memref<1000000x128xf32, #tpu.memory_space<hbm>>) target(%dma_start3A_358 : memref<128x128xf32, #tpu.memory_space<vmem>>) offsets(%dma_start3A_361 : memref<128xi32, #tpu.memory_space<vmem>>) semaphore(%arg11 : memref<!tpu.dma_semaphore, #tpu.memory_space<semaphore_mem>>)
      } else {
      }
      %dma_wait3A_141 = arith.constant 0 : i32
      %dma_wait3A_142 = arith.constant 0 : i32
      %dma_wait3A_143 = arith.constant 0 : i32
      %dma_wait3A_144 = tpu.memref_slice %arg6[%dma_wait3A_141, %dma_wait3A_142, %dma_wait3A_143] : memref<5x128x128xf32, #tpu.memory_space<vmem>> -> memref<1x128x128xf32, #tpu.memory_space<vmem>>
      %dma_wait3A_145 = tpu.memref_squeeze %dma_wait3A_144 : memref<1x128x128xf32, #tpu.memory_space<vmem>> -> memref<128x128xf32, #tpu.memory_space<vmem>>
      %dma_wait3A_146 = arith.constant 0 : i32
      %dma_wait3A_147 = arith.constant 0 : i32
      %dma_wait3A_148 = tpu.memref_slice %arg3[%dma_wait3A_146, %dma_wait3A_147] : memref<1000000x128xf32, #tpu.memory_space<hbm>> -> memref<128x128xf32, #tpu.memory_space<hbm>>
      %dma_wait3A_149 = arith.constant 0 : i32
      %dma_wait3A_150 = arith.constant 0 : i32
      %dma_wait3A_151 = tpu.memref_slice %arg6[%dma_wait3A_141, %dma_wait3A_149, %dma_wait3A_150] : memref<5x128x128xf32, #tpu.memory_space<vmem>> -> memref<1x128x128xf32, #tpu.memory_space<vmem>>
      %dma_wait3A_152 = tpu.memref_squeeze %dma_wait3A_151 : memref<1x128x128xf32, #tpu.memory_space<vmem>> -> memref<128x128xf32, #tpu.memory_space<vmem>>
      %dma_wait3A_153 = arith.constant 0 : i32
      %dma_wait3A_154 = arith.constant 0 : i32
      %dma_wait3A_155 = tpu.memref_slice %arg3[%dma_wait3A_153, %dma_wait3A_154] : memref<1000000x128xf32, #tpu.memory_space<hbm>> -> memref<128x128xf32, #tpu.memory_space<hbm>>
      tpu.wait_dma2 semaphore(%arg7 : memref<!tpu.dma_semaphore, #tpu.memory_space<semaphore_mem>>) src(%dma_wait3A_155 : memref<128x128xf32, #tpu.memory_space<hbm>>) dst(%dma_wait3A_152 : memref<128x128xf32, #tpu.memory_space<vmem>>)
      %parallel_loop3A = arith.constant 0 : i32
      %parallel_loop3A_156 = arith.constant 128 : i32
      %parallel_loop3A_157 = arith.constant 4 : i32
      scf.for %parallel_loop3A_346 = %parallel_loop3A to %parallel_loop3A_156 step %parallel_loop3A_157  : i32 {
        %parallel_loop3A_347 = arith.constant 0 : i32
        %parallel_loop3A_348 = arith.addi %parallel_loop3A_346, %parallel_loop3A_347 : i32
        %parallel_loop3A_349 = arith.constant 0 : i32
        %parallel_loop3A_350 = arith.index_cast %parallel_loop3A_349 : i32 to index
        %parallel_loop3A_351 = arith.index_cast %parallel_loop3A_348 : i32 to index
        %parallel_loop3A_352 = arith.constant 0 : index
        %parallel_loop3A_353 = tpu.vector_load %arg6[%parallel_loop3A_350, %parallel_loop3A_351, %parallel_loop3A_352] {strides = array<i32>} : memref<5x128x128xf32, #tpu.memory_space<vmem>>, vector<1x1x16xf32>,
        %parallel_loop3A_354 = vector.shape_cast %parallel_loop3A_353 : vector<1x1x16xf32> to vector<16xf32>
        %parallel_loop3A_355 = arith.constant 8.000000e+00 : f32
        %parallel_loop3A_356 = vector.broadcast %parallel_loop3A_355 : f32 to vector<16xf32>
        %parallel_loop3A_357 = arith.mulf %parallel_loop3A_354, %parallel_loop3A_356 : vector<16xf32>
        %parallel_loop3A_358 = arith.constant 0 : i32
        %parallel_loop3A_359 = arith.addi %parallel_loop3A_346, %parallel_loop3A_358 : i32
        %parallel_loop3A_360 = arith.constant 0 : i32
        %parallel_loop3A_361 = arith.index_cast %parallel_loop3A_360 : i32 to index
        %parallel_loop3A_362 = arith.index_cast %parallel_loop3A_359 : i32 to index
        %parallel_loop3A_363 = arith.constant 0 : index
        %parallel_loop3A_364 = tpu.vector_load %arg6[%parallel_loop3A_361, %parallel_loop3A_362, %parallel_loop3A_363] {strides = array<i32>} : memref<5x128x128xf32, #tpu.memory_space<vmem>>, vector<1x1x16xf32>,
        %parallel_loop3A_365 = vector.shape_cast %parallel_loop3A_364 : vector<1x1x16xf32> to vector<16xf32>
        %parallel_loop3A_366 = vector.shape_cast %parallel_loop3A_357 : vector<16xf32> to vector<1x1x16xf32>
        tpu.vector_store %arg6[%parallel_loop3A_361, %parallel_loop3A_362, %parallel_loop3A_363], %parallel_loop3A_366 {strides = array<i32>} : memref<5x128x128xf32, #tpu.memory_space<vmem>>, vector<1x1x16xf32>,
        %parallel_loop3A_367 = arith.constant 0 : i32
        %parallel_loop3A_368 = arith.addi %parallel_loop3A_346, %parallel_loop3A_367 : i32
        %parallel_loop3A_369 = arith.constant 0 : i32
        %parallel_loop3A_370 = arith.index_cast %parallel_loop3A_369 : i32 to index
        %parallel_loop3A_371 = arith.index_cast %parallel_loop3A_368 : i32 to index
        %parallel_loop3A_372 = arith.constant 16 : index
        %parallel_loop3A_373 = tpu.vector_load %arg6[%parallel_loop3A_370, %parallel_loop3A_371, %parallel_loop3A_372] {strides = array<i32>} : memref<5x128x128xf32, #tpu.memory_space<vmem>>, vector<1x1x16xf32>,
        %parallel_loop3A_374 = vector.shape_cast %parallel_loop3A_373 : vector<1x1x16xf32> to vector<16xf32>
        %parallel_loop3A_375 = arith.constant 8.000000e+00 : f32
        %parallel_loop3A_376 = vector.broadcast %parallel_loop3A_375 : f32 to vector<16xf32>
        %parallel_loop3A_377 = arith.mulf %parallel_loop3A_374, %parallel_loop3A_376 : vector<16xf32>
        %parallel_loop3A_378 = arith.constant 0 : i32
        %parallel_loop3A_379 = arith.addi %parallel_loop3A_346, %parallel_loop3A_378 : i32
        %parallel_loop3A_380 = arith.constant 0 : i32
        %parallel_loop3A_381 = arith.index_cast %parallel_loop3A_380 : i32 to index
        %parallel_loop3A_382 = arith.index_cast %parallel_loop3A_379 : i32 to index
        %parallel_loop3A_383 = arith.constant 16 : index
        %parallel_loop3A_384 = tpu.vector_load %arg6[%parallel_loop3A_381, %parallel_loop3A_382, %parallel_loop3A_383] {strides = array<i32>} : memref<5x128x128xf32, #tpu.memory_space<vmem>>, vector<1x1x16xf32>,
        %parallel_loop3A_385 = vector.shape_cast %parallel_loop3A_384 : vector<1x1x16xf32> to vector<16xf32>
        %parallel_loop3A_386 = vector.shape_cast %parallel_loop3A_377 : vector<16xf32> to vector<1x1x16xf32>
        tpu.vector_store %arg6[%parallel_loop3A_381, %parallel_loop3A_382, %parallel_loop3A_383], %parallel_loop3A_386 {strides = array<i32>} : memref<5x128x128xf32, #tpu.memory_space<vmem>>, vector<1x1x16xf32>,
        %parallel_loop3A_387 = arith.constant 0 : i32
        %parallel_loop3A_388 = arith.addi %parallel_loop3A_346, %parallel_loop3A_387 : i32
        %parallel_loop3A_389 = arith.constant 0 : i32
        %parallel_loop3A_390 = arith.index_cast %parallel_loop3A_389 : i32 to index
        %parallel_loop3A_391 = arith.index_cast %parallel_loop3A_388 : i32 to index
        %parallel_loop3A_392 = arith.constant 32 : index
        %parallel_loop3A_393 = tpu.vector_load %arg6[%parallel_loop3A_390, %parallel_loop3A_391, %parallel_loop3A_392] {strides = array<i32>} : memref<5x128x128xf32, #tpu.memory_space<vmem>>, vector<1x1x16xf32>,
        %parallel_loop3A_394 = vector.shape_cast %parallel_loop3A_393 : vector<1x1x16xf32> to vector<16xf32>
        %parallel_loop3A_395 = arith.constant 8.000000e+00 : f32
        %parallel_loop3A_396 = vector.broadcast %parallel_loop3A_395 : f32 to vector<16xf32>
        %parallel_loop3A_397 = arith.mulf %parallel_loop3A_394, %parallel_loop3A_396 : vector<16xf32>
        %parallel_loop3A_398 = arith.constant 0 : i32
        %parallel_loop3A_399 = arith.addi %parallel_loop3A_346, %parallel_loop3A_398 : i32
        %parallel_loop3A_400 = arith.constant 0 : i32
        %parallel_loop3A_401 = arith.index_cast %parallel_loop3A_400 : i32 to index
        %parallel_loop3A_402 = arith.index_cast %parallel_loop3A_399 : i32 to index
        %parallel_loop3A_403 = arith.constant 32 : index
        %parallel_loop3A_404 = tpu.vector_load %arg6[%parallel_loop3A_401, %parallel_loop3A_402, %parallel_loop3A_403] {strides = array<i32>} : memref<5x128x128xf32, #tpu.memory_space<vmem>>, vector<1x1x16xf32>,
        %parallel_loop3A_405 = vector.shape_cast %parallel_loop3A_404 : vector<1x1x16xf32> to vector<16xf32>
        %parallel_loop3A_406 = vector.shape_cast %parallel_loop3A_397 : vector<16xf32> to vector<1x1x16xf32>
        tpu.vector_store %arg6[%parallel_loop3A_401, %parallel_loop3A_402, %parallel_loop3A_403], %parallel_loop3A_406 {strides = array<i32>} : memref<5x128x128xf32, #tpu.memory_space<vmem>>, vector<1x1x16xf32>,
        %parallel_loop3A_407 = arith.constant 0 : i32
        %parallel_loop3A_408 = arith.addi %parallel_loop3A_346, %parallel_loop3A_407 : i32
        %parallel_loop3A_409 = arith.constant 0 : i32
        %parallel_loop3A_410 = arith.index_cast %parallel_loop3A_409 : i32 to index
        %parallel_loop3A_411 = arith.index_cast %parallel_loop3A_408 : i32 to index
        %parallel_loop3A_412 = arith.constant 48 : index
        %parallel_loop3A_413 = tpu.vector_load %arg6[%parallel_loop3A_410, %parallel_loop3A_411, %parallel_loop3A_412] {strides = array<i32>} : memref<5x128x128xf32, #tpu.memory_space<vmem>>, vector<1x1x16xf32>,
        %parallel_loop3A_414 = vector.shape_cast %parallel_loop3A_413 : vector<1x1x16xf32> to vector<16xf32>
        %parallel_loop3A_415 = arith.constant 8.000000e+00 : f32
        %parallel_loop3A_416 = vector.broadcast %parallel_loop3A_415 : f32 to vector<16xf32>
        %parallel_loop3A_417 = arith.mulf %parallel_loop3A_414, %parallel_loop3A_416 : vector<16xf32>
        %parallel_loop3A_418 = arith.constant 0 : i32
        %parallel_loop3A_419 = arith.addi %parallel_loop3A_346, %parallel_loop3A_418 : i32
        %parallel_loop3A_420 = arith.constant 0 : i32
        %parallel_loop3A_421 = arith.index_cast %parallel_loop3A_420 : i32 to index
        %parallel_loop3A_422 = arith.index_cast %parallel_loop3A_419 : i32 to index
        %parallel_loop3A_423 = arith.constant 48 : index
        %parallel_loop3A_424 = tpu.vector_load %arg6[%parallel_loop3A_421, %parallel_loop3A_422, %parallel_loop3A_423] {strides = array<i32>} : memref<5x128x128xf32, #tpu.memory_space<vmem>>, vector<1x1x16xf32>,
        %parallel_loop3A_425 = vector.shape_cast %parallel_loop3A_424 : vector<1x1x16xf32> to vector<16xf32>
        %parallel_loop3A_426 = vector.shape_cast %parallel_loop3A_417 : vector<16xf32> to vector<1x1x16xf32>
        tpu.vector_store %arg6[%parallel_loop3A_421, %parallel_loop3A_422, %parallel_loop3A_423], %parallel_loop3A_426 {strides = array<i32>} : memref<5x128x128xf32, #tpu.memory_space<vmem>>, vector<1x1x16xf32>,
        %parallel_loop3A_427 = arith.constant 1 : i32
        %parallel_loop3A_428 = arith.addi %parallel_loop3A_346, %parallel_loop3A_427 : i32
        %parallel_loop3A_429 = arith.constant 0 : i32
        %parallel_loop3A_430 = arith.index_cast %parallel_loop3A_429 : i32 to index
        %parallel_loop3A_431 = arith.index_cast %parallel_loop3A_428 : i32 to index
        %parallel_loop3A_432 = arith.constant 0 : index
        %parallel_loop3A_433 = tpu.vector_load %arg6[%parallel_loop3A_430, %parallel_loop3A_431, %parallel_loop3A_432] {strides = array<i32>} : memref<5x128x128xf32, #tpu.memory_space<vmem>>, vector<1x1x16xf32>,
        %parallel_loop3A_434 = vector.shape_cast %parallel_loop3A_433 : vector<1x1x16xf32> to vector<16xf32>
        %parallel_loop3A_435 = arith.constant 8.000000e+00 : f32
        %parallel_loop3A_436 = vector.broadcast %parallel_loop3A_435 : f32 to vector<16xf32>
        %parallel_loop3A_437 = arith.mulf %parallel_loop3A_434, %parallel_loop3A_436 : vector<16xf32>
        %parallel_loop3A_438 = arith.constant 1 : i32
        %parallel_loop3A_439 = arith.addi %parallel_loop3A_346, %parallel_loop3A_438 : i32
        %parallel_loop3A_440 = arith.constant 0 : i32
        %parallel_loop3A_441 = arith.index_cast %parallel_loop3A_440 : i32 to index
        %parallel_loop3A_442 = arith.index_cast %parallel_loop3A_439 : i32 to index
        %parallel_loop3A_443 = arith.constant 0 : index
        %parallel_loop3A_444 = tpu.vector_load %arg6[%parallel_loop3A_441, %parallel_loop3A_442, %parallel_loop3A_443] {strides = array<i32>} : memref<5x128x128xf32, #tpu.memory_space<vmem>>, vector<1x1x16xf32>,
        %parallel_loop3A_445 = vector.shape_cast %parallel_loop3A_444 : vector<1x1x16xf32> to vector<16xf32>
        %parallel_loop3A_446 = vector.shape_cast %parallel_loop3A_437 : vector<16xf32> to vector<1x1x16xf32>
        tpu.vector_store %arg6[%parallel_loop3A_441, %parallel_loop3A_442, %parallel_loop3A_443], %parallel_loop3A_446 {strides = array<i32>} : memref<5x128x128xf32, #tpu.memory_space<vmem>>, vector<1x1x16xf32>,
        %parallel_loop3A_447 = arith.constant 1 : i32
        %parallel_loop3A_448 = arith.addi %parallel_loop3A_346, %parallel_loop3A_447 : i32
        %parallel_loop3A_449 = arith.constant 0 : i32
        %parallel_loop3A_450 = arith.index_cast %parallel_loop3A_449 : i32 to index
        %parallel_loop3A_451 = arith.index_cast %parallel_loop3A_448 : i32 to index
        %parallel_loop3A_452 = arith.constant 16 : index
        %parallel_loop3A_453 = tpu.vector_load %arg6[%parallel_loop3A_450, %parallel_loop3A_451, %parallel_loop3A_452] {strides = array<i32>} : memref<5x128x128xf32, #tpu.memory_space<vmem>>, vector<1x1x16xf32>,
        %parallel_loop3A_454 = vector.shape_cast %parallel_loop3A_453 : vector<1x1x16xf32> to vector<16xf32>
        %parallel_loop3A_455 = arith.constant 8.000000e+00 : f32
        %parallel_loop3A_456 = vector.broadcast %parallel_loop3A_455 : f32 to vector<16xf32>
        %parallel_loop3A_457 = arith.mulf %parallel_loop3A_454, %parallel_loop3A_456 : vector<16xf32>
        %parallel_loop3A_458 = arith.constant 1 : i32
        %parallel_loop3A_459 = arith.addi %parallel_loop3A_346, %parallel_loop3A_458 : i32
        %parallel_loop3A_460 = arith.constant 0 : i32
        %parallel_loop3A_461 = arith.index_cast %parallel_loop3A_460 : i32 to index
        %parallel_loop3A_462 = arith.index_cast %parallel_loop3A_459 : i32 to index
        %parallel_loop3A_463 = arith.constant 16 : index
        %parallel_loop3A_464 = tpu.vector_load %arg6[%parallel_loop3A_461, %parallel_loop3A_462, %parallel_loop3A_463] {strides = array<i32>} : memref<5x128x128xf32, #tpu.memory_space<vmem>>, vector<1x1x16xf32>,
        %parallel_loop3A_465 = vector.shape_cast %parallel_loop3A_464 : vector<1x1x16xf32> to vector<16xf32>
        %parallel_loop3A_466 = vector.shape_cast %parallel_loop3A_457 : vector<16xf32> to vector<1x1x16xf32>
        tpu.vector_store %arg6[%parallel_loop3A_461, %parallel_loop3A_462, %parallel_loop3A_463], %parallel_loop3A_466 {strides = array<i32>} : memref<5x128x128xf32, #tpu.memory_space<vmem>>, vector<1x1x16xf32>,
        %parallel_loop3A_467 = arith.constant 1 : i32
        %parallel_loop3A_468 = arith.addi %parallel_loop3A_346, %parallel_loop3A_467 : i32
        %parallel_loop3A_469 = arith.constant 0 : i32
        %parallel_loop3A_470 = arith.index_cast %parallel_loop3A_469 : i32 to index
        %parallel_loop3A_471 = arith.index_cast %parallel_loop3A_468 : i32 to index
        %parallel_loop3A_472 = arith.constant 32 : index
        %parallel_loop3A_473 = tpu.vector_load %arg6[%parallel_loop3A_470, %parallel_loop3A_471, %parallel_loop3A_472] {strides = array<i32>} : memref<5x128x128xf32, #tpu.memory_space<vmem>>, vector<1x1x16xf32>,
        %parallel_loop3A_474 = vector.shape_cast %parallel_loop3A_473 : vector<1x1x16xf32> to vector<16xf32>
        %parallel_loop3A_475 = arith.constant 8.000000e+00 : f32
        %parallel_loop3A_476 = vector.broadcast %parallel_loop3A_475 : f32 to vector<16xf32>
        %parallel_loop3A_477 = arith.mulf %parallel_loop3A_474, %parallel_loop3A_476 : vector<16xf32>
        %parallel_loop3A_478 = arith.constant 1 : i32
        %parallel_loop3A_479 = arith.addi %parallel_loop3A_346, %parallel_loop3A_478 : i32
        %parallel_loop3A_480 = arith.constant 0 : i32
        %parallel_loop3A_481 = arith.index_cast %parallel_loop3A_480 : i32 to index
        %parallel_loop3A_482 = arith.index_cast %parallel_loop3A_479 : i32 to index
        %parallel_loop3A_483 = arith.constant 32 : index
        %parallel_loop3A_484 = tpu.vector_load %arg6[%parallel_loop3A_481, %parallel_loop3A_482, %parallel_loop3A_483] {strides = array<i32>} : memref<5x128x128xf32, #tpu.memory_space<vmem>>, vector<1x1x16xf32>,
        %parallel_loop3A_485 = vector.shape_cast %parallel_loop3A_484 : vector<1x1x16xf32> to vector<16xf32>
        %parallel_loop3A_486 = vector.shape_cast %parallel_loop3A_477 : vector<16xf32> to vector<1x1x16xf32>
        tpu.vector_store %arg6[%parallel_loop3A_481, %parallel_loop3A_482, %parallel_loop3A_483], %parallel_loop3A_486 {strides = array<i32>} : memref<5x128x128xf32, #tpu.memory_space<vmem>>, vector<1x1x16xf32>,
        %parallel_loop3A_487 = arith.constant 1 : i32
        %parallel_loop3A_488 = arith.addi %parallel_loop3A_346, %parallel_loop3A_487 : i32
        %parallel_loop3A_489 = arith.constant 0 : i32
        %parallel_loop3A_490 = arith.index_cast %parallel_loop3A_489 : i32 to index
        %parallel_loop3A_491 = arith.index_cast %parallel_loop3A_488 : i32 to index
        %parallel_loop3A_492 = arith.constant 48 : index
        %parallel_loop3A_493 = tpu.vector_load %arg6[%parallel_loop3A_490, %parallel_loop3A_491, %parallel_loop3A_492] {strides = array<i32>} : memref<5x128x128xf32, #tpu.memory_space<vmem>>, vector<1x1x16xf32>,
        %parallel_loop3A_494 = vector.shape_cast %parallel_loop3A_493 : vector<1x1x16xf32> to vector<16xf32>
        %parallel_loop3A_495 = arith.constant 8.000000e+00 : f32
        %parallel_loop3A_496 = vector.broadcast %parallel_loop3A_495 : f32 to vector<16xf32>
        %parallel_loop3A_497 = arith.mulf %parallel_loop3A_494, %parallel_loop3A_496 : vector<16xf32>
        %parallel_loop3A_498 = arith.constant 1 : i32
        %parallel_loop3A_499 = arith.addi %parallel_loop3A_346, %parallel_loop3A_498 : i32
        %parallel_loop3A_500 = arith.constant 0 : i32
        %parallel_loop3A_501 = arith.index_cast %parallel_loop3A_500 : i32 to index
        %parallel_loop3A_502 = arith.index_cast %parallel_loop3A_499 : i32 to index
        %parallel_loop3A_503 = arith.constant 48 : index
        %parallel_loop3A_504 = tpu.vector_load %arg6[%parallel_loop3A_501, %parallel_loop3A_502, %parallel_loop3A_503] {strides = array<i32>} : memref<5x128x128xf32, #tpu.memory_space<vmem>>, vector<1x1x16xf32>,
        %parallel_loop3A_505 = vector.shape_cast %parallel_loop3A_504 : vector<1x1x16xf32> to vector<16xf32>
        %parallel_loop3A_506 = vector.shape_cast %parallel_loop3A_497 : vector<16xf32> to vector<1x1x16xf32>
        tpu.vector_store %arg6[%parallel_loop3A_501, %parallel_loop3A_502, %parallel_loop3A_503], %parallel_loop3A_506 {strides = array<i32>} : memref<5x128x128xf32, #tpu.memory_space<vmem>>, vector<1x1x16xf32>,
        %parallel_loop3A_507 = arith.constant 2 : i32
        %parallel_loop3A_508 = arith.addi %parallel_loop3A_346, %parallel_loop3A_507 : i32
        %parallel_loop3A_509 = arith.constant 0 : i32
        %parallel_loop3A_510 = arith.index_cast %parallel_loop3A_509 : i32 to index
        %parallel_loop3A_511 = arith.index_cast %parallel_loop3A_508 : i32 to index
        %parallel_loop3A_512 = arith.constant 0 : index
        %parallel_loop3A_513 = tpu.vector_load %arg6[%parallel_loop3A_510, %parallel_loop3A_511, %parallel_loop3A_512] {strides = array<i32>} : memref<5x128x128xf32, #tpu.memory_space<vmem>>, vector<1x1x16xf32>,
        %parallel_loop3A_514 = vector.shape_cast %parallel_loop3A_513 : vector<1x1x16xf32> to vector<16xf32>
        %parallel_loop3A_515 = arith.constant 8.000000e+00 : f32
        %parallel_loop3A_516 = vector.broadcast %parallel_loop3A_515 : f32 to vector<16xf32>
        %parallel_loop3A_517 = arith.mulf %parallel_loop3A_514, %parallel_loop3A_516 : vector<16xf32>
        %parallel_loop3A_518 = arith.constant 2 : i32
        %parallel_loop3A_519 = arith.addi %parallel_loop3A_346, %parallel_loop3A_518 : i32
        %parallel_loop3A_520 = arith.constant 0 : i32
        %parallel_loop3A_521 = arith.index_cast %parallel_loop3A_520 : i32 to index
        %parallel_loop3A_522 = arith.index_cast %parallel_loop3A_519 : i32 to index
        %parallel_loop3A_523 = arith.constant 0 : index
        %parallel_loop3A_524 = tpu.vector_load %arg6[%parallel_loop3A_521, %parallel_loop3A_522, %parallel_loop3A_523] {strides = array<i32>} : memref<5x128x128xf32, #tpu.memory_space<vmem>>, vector<1x1x16xf32>,
        %parallel_loop3A_525 = vector.shape_cast %parallel_loop3A_524 : vector<1x1x16xf32> to vector<16xf32>
        %parallel_loop3A_526 = vector.shape_cast %parallel_loop3A_517 : vector<16xf32> to vector<1x1x16xf32>
        tpu.vector_store %arg6[%parallel_loop3A_521, %parallel_loop3A_522, %parallel_loop3A_523], %parallel_loop3A_526 {strides = array<i32>} : memref<5x128x128xf32, #tpu.memory_space<vmem>>, vector<1x1x16xf32>,
        %parallel_loop3A_527 = arith.constant 2 : i32
        %parallel_loop3A_528 = arith.addi %parallel_loop3A_346, %parallel_loop3A_527 : i32
        %parallel_loop3A_529 = arith.constant 0 : i32
        %parallel_loop3A_530 = arith.index_cast %parallel_loop3A_529 : i32 to index
        %parallel_loop3A_531 = arith.index_cast %parallel_loop3A_528 : i32 to index
        %parallel_loop3A_532 = arith.constant 16 : index
        %parallel_loop3A_533 = tpu.vector_load %arg6[%parallel_loop3A_530, %parallel_loop3A_531, %parallel_loop3A_532] {strides = array<i32>} : memref<5x128x128xf32, #tpu.memory_space<vmem>>, vector<1x1x16xf32>,
        %parallel_loop3A_534 = vector.shape_cast %parallel_loop3A_533 : vector<1x1x16xf32> to vector<16xf32>
        %parallel_loop3A_535 = arith.constant 8.000000e+00 : f32
        %parallel_loop3A_536 = vector.broadcast %parallel_loop3A_535 : f32 to vector<16xf32>
        %parallel_loop3A_537 = arith.mulf %parallel_loop3A_534, %parallel_loop3A_536 : vector<16xf32>
        %parallel_loop3A_538 = arith.constant 2 : i32
        %parallel_loop3A_539 = arith.addi %parallel_loop3A_346, %parallel_loop3A_538 : i32
        %parallel_loop3A_540 = arith.constant 0 : i32
        %parallel_loop3A_541 = arith.index_cast %parallel_loop3A_540 : i32 to index
        %parallel_loop3A_542 = arith.index_cast %parallel_loop3A_539 : i32 to index
        %parallel_loop3A_543 = arith.constant 16 : index
        %parallel_loop3A_544 = tpu.vector_load %arg6[%parallel_loop3A_541, %parallel_loop3A_542, %parallel_loop3A_543] {strides = array<i32>} : memref<5x128x128xf32, #tpu.memory_space<vmem>>, vector<1x1x16xf32>,
        %parallel_loop3A_545 = vector.shape_cast %parallel_loop3A_544 : vector<1x1x16xf32> to vector<16xf32>
        %parallel_loop3A_546 = vector.shape_cast %parallel_loop3A_537 : vector<16xf32> to vector<1x1x16xf32>
        tpu.vector_store %arg6[%parallel_loop3A_541, %parallel_loop3A_542, %parallel_loop3A_543], %parallel_loop3A_546 {strides = array<i32>} : memref<5x128x128xf32, #tpu.memory_space<vmem>>, vector<1x1x16xf32>,
        %parallel_loop3A_547 = arith.constant 2 : i32
        %parallel_loop3A_548 = arith.addi %parallel_loop3A_346, %parallel_loop3A_547 : i32
        %parallel_loop3A_549 = arith.constant 0 : i32
        %parallel_loop3A_550 = arith.index_cast %parallel_loop3A_549 : i32 to index
        %parallel_loop3A_551 = arith.index_cast %parallel_loop3A_548 : i32 to index
        %parallel_loop3A_552 = arith.constant 32 : index
        %parallel_loop3A_553 = tpu.vector_load %arg6[%parallel_loop3A_550, %parallel_loop3A_551, %parallel_loop3A_552] {strides = array<i32>} : memref<5x128x128xf32, #tpu.memory_space<vmem>>, vector<1x1x16xf32>,
        %parallel_loop3A_554 = vector.shape_cast %parallel_loop3A_553 : vector<1x1x16xf32> to vector<16xf32>
        %parallel_loop3A_555 = arith.constant 8.000000e+00 : f32
        %parallel_loop3A_556 = vector.broadcast %parallel_loop3A_555 : f32 to vector<16xf32>
        %parallel_loop3A_557 = arith.mulf %parallel_loop3A_554, %parallel_loop3A_556 : vector<16xf32>
        %parallel_loop3A_558 = arith.constant 2 : i32
        %parallel_loop3A_559 = arith.addi %parallel_loop3A_346, %parallel_loop3A_558 : i32
        %parallel_loop3A_560 = arith.constant 0 : i32
        %parallel_loop3A_561 = arith.index_cast %parallel_loop3A_560 : i32 to index
        %parallel_loop3A_562 = arith.index_cast %parallel_loop3A_559 : i32 to index
        %parallel_loop3A_563 = arith.constant 32 : index
        %parallel_loop3A_564 = tpu.vector_load %arg6[%parallel_loop3A_561, %parallel_loop3A_562, %parallel_loop3A_563] {strides = array<i32>} : memref<5x128x128xf32, #tpu.memory_space<vmem>>, vector<1x1x16xf32>,
        %parallel_loop3A_565 = vector.shape_cast %parallel_loop3A_564 : vector<1x1x16xf32> to vector<16xf32>
        %parallel_loop3A_566 = vector.shape_cast %parallel_loop3A_557 : vector<16xf32> to vector<1x1x16xf32>
        tpu.vector_store %arg6[%parallel_loop3A_561, %parallel_loop3A_562, %parallel_loop3A_563], %parallel_loop3A_566 {strides = array<i32>} : memref<5x128x128xf32, #tpu.memory_space<vmem>>, vector<1x1x16xf32>,
        %parallel_loop3A_567 = arith.constant 2 : i32
        %parallel_loop3A_568 = arith.addi %parallel_loop3A_346, %parallel_loop3A_567 : i32
        %parallel_loop3A_569 = arith.constant 0 : i32
        %parallel_loop3A_570 = arith.index_cast %parallel_loop3A_569 : i32 to index
        %parallel_loop3A_571 = arith.index_cast %parallel_loop3A_568 : i32 to index
        %parallel_loop3A_572 = arith.constant 48 : index
        %parallel_loop3A_573 = tpu.vector_load %arg6[%parallel_loop3A_570, %parallel_loop3A_571, %parallel_loop3A_572] {strides = array<i32>} : memref<5x128x128xf32, #tpu.memory_space<vmem>>, vector<1x1x16xf32>,
        %parallel_loop3A_574 = vector.shape_cast %parallel_loop3A_573 : vector<1x1x16xf32> to vector<16xf32>
        %parallel_loop3A_575 = arith.constant 8.000000e+00 : f32
        %parallel_loop3A_576 = vector.broadcast %parallel_loop3A_575 : f32 to vector<16xf32>
        %parallel_loop3A_577 = arith.mulf %parallel_loop3A_574, %parallel_loop3A_576 : vector<16xf32>
        %parallel_loop3A_578 = arith.constant 2 : i32
        %parallel_loop3A_579 = arith.addi %parallel_loop3A_346, %parallel_loop3A_578 : i32
        %parallel_loop3A_580 = arith.constant 0 : i32
        %parallel_loop3A_581 = arith.index_cast %parallel_loop3A_580 : i32 to index
        %parallel_loop3A_582 = arith.index_cast %parallel_loop3A_579 : i32 to index
        %parallel_loop3A_583 = arith.constant 48 : index
        %parallel_loop3A_584 = tpu.vector_load %arg6[%parallel_loop3A_581, %parallel_loop3A_582, %parallel_loop3A_583] {strides = array<i32>} : memref<5x128x128xf32, #tpu.memory_space<vmem>>, vector<1x1x16xf32>,
        %parallel_loop3A_585 = vector.shape_cast %parallel_loop3A_584 : vector<1x1x16xf32> to vector<16xf32>
        %parallel_loop3A_586 = vector.shape_cast %parallel_loop3A_577 : vector<16xf32> to vector<1x1x16xf32>
        tpu.vector_store %arg6[%parallel_loop3A_581, %parallel_loop3A_582, %parallel_loop3A_583], %parallel_loop3A_586 {strides = array<i32>} : memref<5x128x128xf32, #tpu.memory_space<vmem>>, vector<1x1x16xf32>,
        %parallel_loop3A_587 = arith.constant 3 : i32
        %parallel_loop3A_588 = arith.addi %parallel_loop3A_346, %parallel_loop3A_587 : i32
        %parallel_loop3A_589 = arith.constant 0 : i32
        %parallel_loop3A_590 = arith.index_cast %parallel_loop3A_589 : i32 to index
        %parallel_loop3A_591 = arith.index_cast %parallel_loop3A_588 : i32 to index
        %parallel_loop3A_592 = arith.constant 0 : index
        %parallel_loop3A_593 = tpu.vector_load %arg6[%parallel_loop3A_590, %parallel_loop3A_591, %parallel_loop3A_592] {strides = array<i32>} : memref<5x128x128xf32, #tpu.memory_space<vmem>>, vector<1x1x16xf32>,
        %parallel_loop3A_594 = vector.shape_cast %parallel_loop3A_593 : vector<1x1x16xf32> to vector<16xf32>
        %parallel_loop3A_595 = arith.constant 8.000000e+00 : f32
        %parallel_loop3A_596 = vector.broadcast %parallel_loop3A_595 : f32 to vector<16xf32>
        %parallel_loop3A_597 = arith.mulf %parallel_loop3A_594, %parallel_loop3A_596 : vector<16xf32>
        %parallel_loop3A_598 = arith.constant 3 : i32
        %parallel_loop3A_599 = arith.addi %parallel_loop3A_346, %parallel_loop3A_598 : i32
        %parallel_loop3A_600 = arith.constant 0 : i32
        %parallel_loop3A_601 = arith.index_cast %parallel_loop3A_600 : i32 to index
        %parallel_loop3A_602 = arith.index_cast %parallel_loop3A_599 : i32 to index
        %parallel_loop3A_603 = arith.constant 0 : index
        %parallel_loop3A_604 = tpu.vector_load %arg6[%parallel_loop3A_601, %parallel_loop3A_602, %parallel_loop3A_603] {strides = array<i32>} : memref<5x128x128xf32, #tpu.memory_space<vmem>>, vector<1x1x16xf32>,
        %parallel_loop3A_605 = vector.shape_cast %parallel_loop3A_604 : vector<1x1x16xf32> to vector<16xf32>
        %parallel_loop3A_606 = vector.shape_cast %parallel_loop3A_597 : vector<16xf32> to vector<1x1x16xf32>
        tpu.vector_store %arg6[%parallel_loop3A_601, %parallel_loop3A_602, %parallel_loop3A_603], %parallel_loop3A_606 {strides = array<i32>} : memref<5x128x128xf32, #tpu.memory_space<vmem>>, vector<1x1x16xf32>,
        %parallel_loop3A_607 = arith.constant 3 : i32
        %parallel_loop3A_608 = arith.addi %parallel_loop3A_346, %parallel_loop3A_607 : i32
        %parallel_loop3A_609 = arith.constant 0 : i32
        %parallel_loop3A_610 = arith.index_cast %parallel_loop3A_609 : i32 to index
        %parallel_loop3A_611 = arith.index_cast %parallel_loop3A_608 : i32 to index
        %parallel_loop3A_612 = arith.constant 16 : index
        %parallel_loop3A_613 = tpu.vector_load %arg6[%parallel_loop3A_610, %parallel_loop3A_611, %parallel_loop3A_612] {strides = array<i32>} : memref<5x128x128xf32, #tpu.memory_space<vmem>>, vector<1x1x16xf32>,
        %parallel_loop3A_614 = vector.shape_cast %parallel_loop3A_613 : vector<1x1x16xf32> to vector<16xf32>
        %parallel_loop3A_615 = arith.constant 8.000000e+00 : f32
        %parallel_loop3A_616 = vector.broadcast %parallel_loop3A_615 : f32 to vector<16xf32>
        %parallel_loop3A_617 = arith.mulf %parallel_loop3A_614, %parallel_loop3A_616 : vector<16xf32>
        %parallel_loop3A_618 = arith.constant 3 : i32
        %parallel_loop3A_619 = arith.addi %parallel_loop3A_346, %parallel_loop3A_618 : i32
        %parallel_loop3A_620 = arith.constant 0 : i32
        %parallel_loop3A_621 = arith.index_cast %parallel_loop3A_620 : i32 to index
        %parallel_loop3A_622 = arith.index_cast %parallel_loop3A_619 : i32 to index
        %parallel_loop3A_623 = arith.constant 16 : index
        %parallel_loop3A_624 = tpu.vector_load %arg6[%parallel_loop3A_621, %parallel_loop3A_622, %parallel_loop3A_623] {strides = array<i32>} : memref<5x128x128xf32, #tpu.memory_space<vmem>>, vector<1x1x16xf32>,
        %parallel_loop3A_625 = vector.shape_cast %parallel_loop3A_624 : vector<1x1x16xf32> to vector<16xf32>
        %parallel_loop3A_626 = vector.shape_cast %parallel_loop3A_617 : vector<16xf32> to vector<1x1x16xf32>
        tpu.vector_store %arg6[%parallel_loop3A_621, %parallel_loop3A_622, %parallel_loop3A_623], %parallel_loop3A_626 {strides = array<i32>} : memref<5x128x128xf32, #tpu.memory_space<vmem>>, vector<1x1x16xf32>,
        %parallel_loop3A_627 = arith.constant 3 : i32
        %parallel_loop3A_628 = arith.addi %parallel_loop3A_346, %parallel_loop3A_627 : i32
        %parallel_loop3A_629 = arith.constant 0 : i32
        %parallel_loop3A_630 = arith.index_cast %parallel_loop3A_629 : i32 to index
        %parallel_loop3A_631 = arith.index_cast %parallel_loop3A_628 : i32 to index
        %parallel_loop3A_632 = arith.constant 32 : index
        %parallel_loop3A_633 = tpu.vector_load %arg6[%parallel_loop3A_630, %parallel_loop3A_631, %parallel_loop3A_632] {strides = array<i32>} : memref<5x128x128xf32, #tpu.memory_space<vmem>>, vector<1x1x16xf32>,
        %parallel_loop3A_634 = vector.shape_cast %parallel_loop3A_633 : vector<1x1x16xf32> to vector<16xf32>
        %parallel_loop3A_635 = arith.constant 8.000000e+00 : f32
        %parallel_loop3A_636 = vector.broadcast %parallel_loop3A_635 : f32 to vector<16xf32>
        %parallel_loop3A_637 = arith.mulf %parallel_loop3A_634, %parallel_loop3A_636 : vector<16xf32>
        %parallel_loop3A_638 = arith.constant 3 : i32
        %parallel_loop3A_639 = arith.addi %parallel_loop3A_346, %parallel_loop3A_638 : i32
        %parallel_loop3A_640 = arith.constant 0 : i32
        %parallel_loop3A_641 = arith.index_cast %parallel_loop3A_640 : i32 to index
        %parallel_loop3A_642 = arith.index_cast %parallel_loop3A_639 : i32 to index
        %parallel_loop3A_643 = arith.constant 32 : index
        %parallel_loop3A_644 = tpu.vector_load %arg6[%parallel_loop3A_641, %parallel_loop3A_642, %parallel_loop3A_643] {strides = array<i32>} : memref<5x128x128xf32, #tpu.memory_space<vmem>>, vector<1x1x16xf32>,
        %parallel_loop3A_645 = vector.shape_cast %parallel_loop3A_644 : vector<1x1x16xf32> to vector<16xf32>
        %parallel_loop3A_646 = vector.shape_cast %parallel_loop3A_637 : vector<16xf32> to vector<1x1x16xf32>
        tpu.vector_store %arg6[%parallel_loop3A_641, %parallel_loop3A_642, %parallel_loop3A_643], %parallel_loop3A_646 {strides = array<i32>} : memref<5x128x128xf32, #tpu.memory_space<vmem>>, vector<1x1x16xf32>,
        %parallel_loop3A_647 = arith.constant 3 : i32
        %parallel_loop3A_648 = arith.addi %parallel_loop3A_346, %parallel_loop3A_647 : i32
        %parallel_loop3A_649 = arith.constant 0 : i32
        %parallel_loop3A_650 = arith.index_cast %parallel_loop3A_649 : i32 to index
        %parallel_loop3A_651 = arith.index_cast %parallel_loop3A_648 : i32 to index
        %parallel_loop3A_652 = arith.constant 48 : index
        %parallel_loop3A_653 = tpu.vector_load %arg6[%parallel_loop3A_650, %parallel_loop3A_651, %parallel_loop3A_652] {strides = array<i32>} : memref<5x128x128xf32, #tpu.memory_space<vmem>>, vector<1x1x16xf32>,
        %parallel_loop3A_654 = vector.shape_cast %parallel_loop3A_653 : vector<1x1x16xf32> to vector<16xf32>
        %parallel_loop3A_655 = arith.constant 8.000000e+00 : f32
        %parallel_loop3A_656 = vector.broadcast %parallel_loop3A_655 : f32 to vector<16xf32>
        %parallel_loop3A_657 = arith.mulf %parallel_loop3A_654, %parallel_loop3A_656 : vector<16xf32>
        %parallel_loop3A_658 = arith.constant 3 : i32
        %parallel_loop3A_659 = arith.addi %parallel_loop3A_346, %parallel_loop3A_658 : i32
        %parallel_loop3A_660 = arith.constant 0 : i32
        %parallel_loop3A_661 = arith.index_cast %parallel_loop3A_660 : i32 to index
        %parallel_loop3A_662 = arith.index_cast %parallel_loop3A_659 : i32 to index
        %parallel_loop3A_663 = arith.constant 48 : index
        %parallel_loop3A_664 = tpu.vector_load %arg6[%parallel_loop3A_661, %parallel_loop3A_662, %parallel_loop3A_663] {strides = array<i32>} : memref<5x128x128xf32, #tpu.memory_space<vmem>>, vector<1x1x16xf32>,
        %parallel_loop3A_665 = vector.shape_cast %parallel_loop3A_664 : vector<1x1x16xf32> to vector<16xf32>
        %parallel_loop3A_666 = vector.shape_cast %parallel_loop3A_657 : vector<16xf32> to vector<1x1x16xf32>
        tpu.vector_store %arg6[%parallel_loop3A_661, %parallel_loop3A_662, %parallel_loop3A_663], %parallel_loop3A_666 {strides = array<i32>} : memref<5x128x128xf32, #tpu.memory_space<vmem>>, vector<1x1x16xf32>,
      } {sc.loop_unroll_factor = 2 : i64, sc.parallel_access}
      %mul3A_158 = arith.constant 128 : i32
      %mul3A_159 = arith.muli %add3A_136, %mul3A_158 : i32
      %add3A_160 = arith.addi %mul3A_4, %mul3A_159 : i32
      %dma_start3A_161 = arith.constant 0 : i32
      %dma_start3A_162 = arith.constant 0 : i32
      %dma_start3A_163 = arith.constant 0 : i32
      %dma_start3A_164 = tpu.memref_slice %arg6[%dma_start3A_161, %dma_start3A_162, %dma_start3A_163] : memref<5x128x128xf32, #tpu.memory_space<vmem>> -> memref<1x128x128xf32, #tpu.memory_space<vmem>>
      %dma_start3A_165 = tpu.memref_squeeze %dma_start3A_164 : memref<1x128x128xf32, #tpu.memory_space<vmem>> -> memref<128x128xf32, #tpu.memory_space<vmem>>
      %dma_start3A_166 = arith.constant 0 : i32
      %dma_start3A_167 = tpu.memref_slice %arg4[%add3A_160, %dma_start3A_166] : memref<819200x128xf32, #tpu.memory_space<hbm>> -> memref<128x128xf32, #tpu.memory_space<hbm>>
      %dma_start3A_168 = arith.constant 0 : i32
      %dma_start3A_169 = tpu.memref_slice %arg4[%add3A_160, %dma_start3A_168] : memref<819200x128xf32, #tpu.memory_space<hbm>> -> memref<128x128xf32, #tpu.memory_space<hbm>>
      %dma_start3A_170 = arith.constant 0 : i32
      %dma_start3A_171 = arith.constant 0 : i32
      %dma_start3A_172 = tpu.memref_slice %arg6[%dma_start3A_161, %dma_start3A_170, %dma_start3A_171] : memref<5x128x128xf32, #tpu.memory_space<vmem>> -> memref<1x128x128xf32, #tpu.memory_space<vmem>>
      %dma_start3A_173 = tpu.memref_squeeze %dma_start3A_172 : memref<1x128x128xf32, #tpu.memory_space<vmem>> -> memref<128x128xf32, #tpu.memory_space<vmem>>
      tpu.enqueue_dma source(%dma_start3A_173 : memref<128x128xf32, #tpu.memory_space<vmem>>) target(%dma_start3A_169 : memref<128x128xf32, #tpu.memory_space<hbm>>) target_semaphore(%arg12 : memref<!tpu.dma_semaphore, #tpu.memory_space<semaphore_mem>>)
      %add3A_174 = arith.constant 1 : i32
      %add3A_175 = arith.addi %add3A_134, %add3A_174 : i32
      %add3A_176 = arith.constant 4 : i32
      %add3A_177 = arith.addi %add3A_175, %add3A_176 : i32
      %lt3A_178 = arith.constant 200 : i32
      %lt3A_179 = arith.cmpi slt, %add3A_177, %lt3A_178 : i32
      %convert_element_type3A_180 = arith.extui %lt3A_179 : i1 to i32
      %cond3A_181 = arith.constant 0 : i32
      %cond3A_182 = arith.cmpi ne, %convert_element_type3A_180, %cond3A_181 : i32
      scf.if %cond3A_182 {
        %ge3A = arith.constant 1 : i32
        %ge3A_346 = arith.cmpi sge, %add3A_175, %ge3A : i32
        %convert_element_type3A_347 = arith.extui %ge3A_346 : i1 to i32
        %cond3A_348 = arith.constant 0 : i32
        %cond3A_349 = arith.cmpi ne, %convert_element_type3A_347, %cond3A_348 : i32
        scf.if %cond3A_349 {
          %dma_wait3A_365 = arith.constant 0 : i32
          %dma_wait3A_366 = arith.constant 0 : i32
          %dma_wait3A_367 = arith.constant 0 : i32
          %dma_wait3A_368 = tpu.memref_slice %arg6[%dma_wait3A_365, %dma_wait3A_366, %dma_wait3A_367] : memref<5x128x128xf32, #tpu.memory_space<vmem>> -> memref<1x128x128xf32, #tpu.memory_space<vmem>>
          %dma_wait3A_369 = tpu.memref_squeeze %dma_wait3A_368 : memref<1x128x128xf32, #tpu.memory_space<vmem>> -> memref<128x128xf32, #tpu.memory_space<vmem>>
          %dma_wait3A_370 = arith.constant 0 : i32
          %dma_wait3A_371 = arith.constant 0 : i32
          %dma_wait3A_372 = tpu.memref_slice %arg4[%dma_wait3A_370, %dma_wait3A_371] : memref<819200x128xf32, #tpu.memory_space<hbm>> -> memref<128x128xf32, #tpu.memory_space<hbm>>
          %dma_wait3A_373 = arith.constant 0 : i32
          %dma_wait3A_374 = arith.constant 0 : i32
          %dma_wait3A_375 = tpu.memref_slice %arg4[%dma_wait3A_373, %dma_wait3A_374] : memref<819200x128xf32, #tpu.memory_space<hbm>> -> memref<128x128xf32, #tpu.memory_space<hbm>>
          %dma_wait3A_376 = arith.constant 0 : i32
          %dma_wait3A_377 = arith.constant 0 : i32
          %dma_wait3A_378 = tpu.memref_slice %arg6[%dma_wait3A_365, %dma_wait3A_376, %dma_wait3A_377] : memref<5x128x128xf32, #tpu.memory_space<vmem>> -> memref<1x128x128xf32, #tpu.memory_space<vmem>>
          %dma_wait3A_379 = tpu.memref_squeeze %dma_wait3A_378 : memref<1x128x128xf32, #tpu.memory_space<vmem>> -> memref<128x128xf32, #tpu.memory_space<vmem>>
          tpu.wait_dma2 semaphore(%arg12 : memref<!tpu.dma_semaphore, #tpu.memory_space<semaphore_mem>>) src(%dma_wait3A_379 : memref<128x128xf32, #tpu.memory_space<vmem>>) dst(%dma_wait3A_375 : memref<128x128xf32, #tpu.memory_space<hbm>>)
        } else {
        }
        %mul3A_350 = arith.constant 1 : i32
        %mul3A_351 = arith.muli %add3A_177, %mul3A_350 : i32
        %add3A_352 = arith.constant 0 : i32
        %add3A_353 = arith.addi %mul3A_351, %add3A_352 : i32
        %dma_start3A_354 = arith.constant 0 : i32
        %dma_start3A_355 = arith.constant 0 : i32
        %dma_start3A_356 = arith.constant 0 : i32
        %dma_start3A_357 = tpu.memref_slice %arg6[%dma_start3A_354, %dma_start3A_355, %dma_start3A_356] : memref<5x128x128xf32, #tpu.memory_space<vmem>> -> memref<1x128x128xf32, #tpu.memory_space<vmem>>
        %dma_start3A_358 = tpu.memref_squeeze %dma_start3A_357 : memref<1x128x128xf32, #tpu.memory_space<vmem>> -> memref<128x128xf32, #tpu.memory_space<vmem>>
        %dma_start3A_359 = arith.constant 0 : i32
        %dma_start3A_360 = tpu.memref_slice %arg5[%add3A_353, %dma_start3A_359] : memref<200x128xi32, #tpu.memory_space<vmem>> -> memref<1x128xi32, #tpu.memory_space<vmem>>
        %dma_start3A_361 = tpu.memref_squeeze %dma_start3A_360 : memref<1x128xi32, #tpu.memory_space<vmem>> -> memref<128xi32, #tpu.memory_space<vmem>>
        %dma_start3A_362 = arith.constant 0 : i32
        %dma_start3A_363 = arith.constant 0 : i32
        %dma_start3A_364 = tpu.memref_slice %arg3[%dma_start3A_362, %dma_start3A_363] : memref<1000000x128xf32, #tpu.memory_space<hbm>> -> memref<1000000x128xf32, #tpu.memory_space<hbm>>
        tpu.enqueue_indirect_dma source(%dma_start3A_364 : memref<1000000x128xf32, #tpu.memory_space<hbm>>) target(%dma_start3A_358 : memref<128x128xf32, #tpu.memory_space<vmem>>) offsets(%dma_start3A_361 : memref<128xi32, #tpu.memory_space<vmem>>) semaphore(%arg7 : memref<!tpu.dma_semaphore, #tpu.memory_space<semaphore_mem>>)
      } else {
      }
      %dma_wait3A_183 = arith.constant 1 : i32
      %dma_wait3A_184 = arith.constant 0 : i32
      %dma_wait3A_185 = arith.constant 0 : i32
      %dma_wait3A_186 = tpu.memref_slice %arg6[%dma_wait3A_183, %dma_wait3A_184, %dma_wait3A_185] : memref<5x128x128xf32, #tpu.memory_space<vmem>> -> memref<1x128x128xf32, #tpu.memory_space<vmem>>
      %dma_wait3A_187 = tpu.memref_squeeze %dma_wait3A_186 : memref<1x128x128xf32, #tpu.memory_space<vmem>> -> memref<128x128xf32, #tpu.memory_space<vmem>>
      %dma_wait3A_188 = arith.constant 0 : i32
      %dma_wait3A_189 = arith.constant 0 : i32
      %dma_wait3A_190 = tpu.memref_slice %arg3[%dma_wait3A_188, %dma_wait3A_189] : memref<1000000x128xf32, #tpu.memory_space<hbm>> -> memref<128x128xf32, #tpu.memory_space<hbm>>
      %dma_wait3A_191 = arith.constant 0 : i32
      %dma_wait3A_192 = arith.constant 0 : i32
      %dma_wait3A_193 = tpu.memref_slice %arg6[%dma_wait3A_183, %dma_wait3A_191, %dma_wait3A_192] : memref<5x128x128xf32, #tpu.memory_space<vmem>> -> memref<1x128x128xf32, #tpu.memory_space<vmem>>
      %dma_wait3A_194 = tpu.memref_squeeze %dma_wait3A_193 : memref<1x128x128xf32, #tpu.memory_space<vmem>> -> memref<128x128xf32, #tpu.memory_space<vmem>>
      %dma_wait3A_195 = arith.constant 0 : i32
      %dma_wait3A_196 = arith.constant 0 : i32
      %dma_wait3A_197 = tpu.memref_slice %arg3[%dma_wait3A_195, %dma_wait3A_196] : memref<1000000x128xf32, #tpu.memory_space<hbm>> -> memref<128x128xf32, #tpu.memory_space<hbm>>
      tpu.wait_dma2 semaphore(%arg8 : memref<!tpu.dma_semaphore, #tpu.memory_space<semaphore_mem>>) src(%dma_wait3A_197 : memref<128x128xf32, #tpu.memory_space<hbm>>) dst(%dma_wait3A_194 : memref<128x128xf32, #tpu.memory_space<vmem>>)
      %parallel_loop3A_198 = arith.constant 0 : i32
      %parallel_loop3A_199 = arith.constant 128 : i32
      %parallel_loop3A_200 = arith.constant 4 : i32
      scf.for %parallel_loop3A_346 = %parallel_loop3A_198 to %parallel_loop3A_199 step %parallel_loop3A_200  : i32 {
        %parallel_loop3A_347 = arith.constant 0 : i32
        %parallel_loop3A_348 = arith.addi %parallel_loop3A_346, %parallel_loop3A_347 : i32
        %parallel_loop3A_349 = arith.constant 1 : i32
        %parallel_loop3A_350 = arith.index_cast %parallel_loop3A_349 : i32 to index
        %parallel_loop3A_351 = arith.index_cast %parallel_loop3A_348 : i32 to index
        %parallel_loop3A_352 = arith.constant 0 : index
        %parallel_loop3A_353 = tpu.vector_load %arg6[%parallel_loop3A_350, %parallel_loop3A_351, %parallel_loop3A_352] {strides = array<i32>} : memref<5x128x128xf32, #tpu.memory_space<vmem>>, vector<1x1x16xf32>,
        %parallel_loop3A_354 = vector.shape_cast %parallel_loop3A_353 : vector<1x1x16xf32> to vector<16xf32>
        %parallel_loop3A_355 = arith.constant 8.000000e+00 : f32
        %parallel_loop3A_356 = vector.broadcast %parallel_loop3A_355 : f32 to vector<16xf32>
        %parallel_loop3A_357 = arith.mulf %parallel_loop3A_354, %parallel_loop3A_356 : vector<16xf32>
        %parallel_loop3A_358 = arith.constant 0 : i32
        %parallel_loop3A_359 = arith.addi %parallel_loop3A_346, %parallel_loop3A_358 : i32
        %parallel_loop3A_360 = arith.constant 1 : i32
        %parallel_loop3A_361 = arith.index_cast %parallel_loop3A_360 : i32 to index
        %parallel_loop3A_362 = arith.index_cast %parallel_loop3A_359 : i32 to index
        %parallel_loop3A_363 = arith.constant 0 : index
        %parallel_loop3A_364 = tpu.vector_load %arg6[%parallel_loop3A_361, %parallel_loop3A_362, %parallel_loop3A_363] {strides = array<i32>} : memref<5x128x128xf32, #tpu.memory_space<vmem>>, vector<1x1x16xf32>,
        %parallel_loop3A_365 = vector.shape_cast %parallel_loop3A_364 : vector<1x1x16xf32> to vector<16xf32>
        %parallel_loop3A_366 = vector.shape_cast %parallel_loop3A_357 : vector<16xf32> to vector<1x1x16xf32>
        tpu.vector_store %arg6[%parallel_loop3A_361, %parallel_loop3A_362, %parallel_loop3A_363], %parallel_loop3A_366 {strides = array<i32>} : memref<5x128x128xf32, #tpu.memory_space<vmem>>, vector<1x1x16xf32>,
        %parallel_loop3A_367 = arith.constant 0 : i32
        %parallel_loop3A_368 = arith.addi %parallel_loop3A_346, %parallel_loop3A_367 : i32
        %parallel_loop3A_369 = arith.constant 1 : i32
        %parallel_loop3A_370 = arith.index_cast %parallel_loop3A_369 : i32 to index
        %parallel_loop3A_371 = arith.index_cast %parallel_loop3A_368 : i32 to index
        %parallel_loop3A_372 = arith.constant 16 : index
        %parallel_loop3A_373 = tpu.vector_load %arg6[%parallel_loop3A_370, %parallel_loop3A_371, %parallel_loop3A_372] {strides = array<i32>} : memref<5x128x128xf32, #tpu.memory_space<vmem>>, vector<1x1x16xf32>,
        %parallel_loop3A_374 = vector.shape_cast %parallel_loop3A_373 : vector<1x1x16xf32> to vector<16xf32>
        %parallel_loop3A_375 = arith.constant 8.000000e+00 : f32
        %parallel_loop3A_376 = vector.broadcast %parallel_loop3A_375 : f32 to vector<16xf32>
        %parallel_loop3A_377 = arith.mulf %parallel_loop3A_374, %parallel_loop3A_376 : vector<16xf32>
        %parallel_loop3A_378 = arith.constant 0 : i32
        %parallel_loop3A_379 = arith.addi %parallel_loop3A_346, %parallel_loop3A_378 : i32
        %parallel_loop3A_380 = arith.constant 1 : i32
        %parallel_loop3A_381 = arith.index_cast %parallel_loop3A_380 : i32 to index
        %parallel_loop3A_382 = arith.index_cast %parallel_loop3A_379 : i32 to index
        %parallel_loop3A_383 = arith.constant 16 : index
        %parallel_loop3A_384 = tpu.vector_load %arg6[%parallel_loop3A_381, %parallel_loop3A_382, %parallel_loop3A_383] {strides = array<i32>} : memref<5x128x128xf32, #tpu.memory_space<vmem>>, vector<1x1x16xf32>,
        %parallel_loop3A_385 = vector.shape_cast %parallel_loop3A_384 : vector<1x1x16xf32> to vector<16xf32>
        %parallel_loop3A_386 = vector.shape_cast %parallel_loop3A_377 : vector<16xf32> to vector<1x1x16xf32>
        tpu.vector_store %arg6[%parallel_loop3A_381, %parallel_loop3A_382, %parallel_loop3A_383], %parallel_loop3A_386 {strides = array<i32>} : memref<5x128x128xf32, #tpu.memory_space<vmem>>, vector<1x1x16xf32>,
        %parallel_loop3A_387 = arith.constant 0 : i32
        %parallel_loop3A_388 = arith.addi %parallel_loop3A_346, %parallel_loop3A_387 : i32
        %parallel_loop3A_389 = arith.constant 1 : i32
        %parallel_loop3A_390 = arith.index_cast %parallel_loop3A_389 : i32 to index
        %parallel_loop3A_391 = arith.index_cast %parallel_loop3A_388 : i32 to index
        %parallel_loop3A_392 = arith.constant 32 : index
        %parallel_loop3A_393 = tpu.vector_load %arg6[%parallel_loop3A_390, %parallel_loop3A_391, %parallel_loop3A_392] {strides = array<i32>} : memref<5x128x128xf32, #tpu.memory_space<vmem>>, vector<1x1x16xf32>,
        %parallel_loop3A_394 = vector.shape_cast %parallel_loop3A_393 : vector<1x1x16xf32> to vector<16xf32>
        %parallel_loop3A_395 = arith.constant 8.000000e+00 : f32
        %parallel_loop3A_396 = vector.broadcast %parallel_loop3A_395 : f32 to vector<16xf32>
        %parallel_loop3A_397 = arith.mulf %parallel_loop3A_394, %parallel_loop3A_396 : vector<16xf32>
        %parallel_loop3A_398 = arith.constant 0 : i32
        %parallel_loop3A_399 = arith.addi %parallel_loop3A_346, %parallel_loop3A_398 : i32
        %parallel_loop3A_400 = arith.constant 1 : i32
        %parallel_loop3A_401 = arith.index_cast %parallel_loop3A_400 : i32 to index
        %parallel_loop3A_402 = arith.index_cast %parallel_loop3A_399 : i32 to index
        %parallel_loop3A_403 = arith.constant 32 : index
        %parallel_loop3A_404 = tpu.vector_load %arg6[%parallel_loop3A_401, %parallel_loop3A_402, %parallel_loop3A_403] {strides = array<i32>} : memref<5x128x128xf32, #tpu.memory_space<vmem>>, vector<1x1x16xf32>,
        %parallel_loop3A_405 = vector.shape_cast %parallel_loop3A_404 : vector<1x1x16xf32> to vector<16xf32>
        %parallel_loop3A_406 = vector.shape_cast %parallel_loop3A_397 : vector<16xf32> to vector<1x1x16xf32>
        tpu.vector_store %arg6[%parallel_loop3A_401, %parallel_loop3A_402, %parallel_loop3A_403], %parallel_loop3A_406 {strides = array<i32>} : memref<5x128x128xf32, #tpu.memory_space<vmem>>, vector<1x1x16xf32>,
        %parallel_loop3A_407 = arith.constant 0 : i32
        %parallel_loop3A_408 = arith.addi %parallel_loop3A_346, %parallel_loop3A_407 : i32
        %parallel_loop3A_409 = arith.constant 1 : i32
        %parallel_loop3A_410 = arith.index_cast %parallel_loop3A_409 : i32 to index
        %parallel_loop3A_411 = arith.index_cast %parallel_loop3A_408 : i32 to index
        %parallel_loop3A_412 = arith.constant 48 : index
        %parallel_loop3A_413 = tpu.vector_load %arg6[%parallel_loop3A_410, %parallel_loop3A_411, %parallel_loop3A_412] {strides = array<i32>} : memref<5x128x128xf32, #tpu.memory_space<vmem>>, vector<1x1x16xf32>,
        %parallel_loop3A_414 = vector.shape_cast %parallel_loop3A_413 : vector<1x1x16xf32> to vector<16xf32>
        %parallel_loop3A_415 = arith.constant 8.000000e+00 : f32
        %parallel_loop3A_416 = vector.broadcast %parallel_loop3A_415 : f32 to vector<16xf32>
        %parallel_loop3A_417 = arith.mulf %parallel_loop3A_414, %parallel_loop3A_416 : vector<16xf32>
        %parallel_loop3A_418 = arith.constant 0 : i32
        %parallel_loop3A_419 = arith.addi %parallel_loop3A_346, %parallel_loop3A_418 : i32
        %parallel_loop3A_420 = arith.constant 1 : i32
        %parallel_loop3A_421 = arith.index_cast %parallel_loop3A_420 : i32 to index
        %parallel_loop3A_422 = arith.index_cast %parallel_loop3A_419 : i32 to index
        %parallel_loop3A_423 = arith.constant 48 : index
        %parallel_loop3A_424 = tpu.vector_load %arg6[%parallel_loop3A_421, %parallel_loop3A_422, %parallel_loop3A_423] {strides = array<i32>} : memref<5x128x128xf32, #tpu.memory_space<vmem>>, vector<1x1x16xf32>,
        %parallel_loop3A_425 = vector.shape_cast %parallel_loop3A_424 : vector<1x1x16xf32> to vector<16xf32>
        %parallel_loop3A_426 = vector.shape_cast %parallel_loop3A_417 : vector<16xf32> to vector<1x1x16xf32>
        tpu.vector_store %arg6[%parallel_loop3A_421, %parallel_loop3A_422, %parallel_loop3A_423], %parallel_loop3A_426 {strides = array<i32>} : memref<5x128x128xf32, #tpu.memory_space<vmem>>, vector<1x1x16xf32>,
        %parallel_loop3A_427 = arith.constant 1 : i32
        %parallel_loop3A_428 = arith.addi %parallel_loop3A_346, %parallel_loop3A_427 : i32
        %parallel_loop3A_429 = arith.constant 1 : i32
        %parallel_loop3A_430 = arith.index_cast %parallel_loop3A_429 : i32 to index
        %parallel_loop3A_431 = arith.index_cast %parallel_loop3A_428 : i32 to index
        %parallel_loop3A_432 = arith.constant 0 : index
        %parallel_loop3A_433 = tpu.vector_load %arg6[%parallel_loop3A_430, %parallel_loop3A_431, %parallel_loop3A_432] {strides = array<i32>} : memref<5x128x128xf32, #tpu.memory_space<vmem>>, vector<1x1x16xf32>,
        %parallel_loop3A_434 = vector.shape_cast %parallel_loop3A_433 : vector<1x1x16xf32> to vector<16xf32>
        %parallel_loop3A_435 = arith.constant 8.000000e+00 : f32
        %parallel_loop3A_436 = vector.broadcast %parallel_loop3A_435 : f32 to vector<16xf32>
        %parallel_loop3A_437 = arith.mulf %parallel_loop3A_434, %parallel_loop3A_436 : vector<16xf32>
        %parallel_loop3A_438 = arith.constant 1 : i32
        %parallel_loop3A_439 = arith.addi %parallel_loop3A_346, %parallel_loop3A_438 : i32
        %parallel_loop3A_440 = arith.constant 1 : i32
        %parallel_loop3A_441 = arith.index_cast %parallel_loop3A_440 : i32 to index
        %parallel_loop3A_442 = arith.index_cast %parallel_loop3A_439 : i32 to index
        %parallel_loop3A_443 = arith.constant 0 : index
        %parallel_loop3A_444 = tpu.vector_load %arg6[%parallel_loop3A_441, %parallel_loop3A_442, %parallel_loop3A_443] {strides = array<i32>} : memref<5x128x128xf32, #tpu.memory_space<vmem>>, vector<1x1x16xf32>,
        %parallel_loop3A_445 = vector.shape_cast %parallel_loop3A_444 : vector<1x1x16xf32> to vector<16xf32>
        %parallel_loop3A_446 = vector.shape_cast %parallel_loop3A_437 : vector<16xf32> to vector<1x1x16xf32>
        tpu.vector_store %arg6[%parallel_loop3A_441, %parallel_loop3A_442, %parallel_loop3A_443], %parallel_loop3A_446 {strides = array<i32>} : memref<5x128x128xf32, #tpu.memory_space<vmem>>, vector<1x1x16xf32>,
        %parallel_loop3A_447 = arith.constant 1 : i32
        %parallel_loop3A_448 = arith.addi %parallel_loop3A_346, %parallel_loop3A_447 : i32
        %parallel_loop3A_449 = arith.constant 1 : i32
        %parallel_loop3A_450 = arith.index_cast %parallel_loop3A_449 : i32 to index
        %parallel_loop3A_451 = arith.index_cast %parallel_loop3A_448 : i32 to index
        %parallel_loop3A_452 = arith.constant 16 : index
        %parallel_loop3A_453 = tpu.vector_load %arg6[%parallel_loop3A_450, %parallel_loop3A_451, %parallel_loop3A_452] {strides = array<i32>} : memref<5x128x128xf32, #tpu.memory_space<vmem>>, vector<1x1x16xf32>,
        %parallel_loop3A_454 = vector.shape_cast %parallel_loop3A_453 : vector<1x1x16xf32> to vector<16xf32>
        %parallel_loop3A_455 = arith.constant 8.000000e+00 : f32
        %parallel_loop3A_456 = vector.broadcast %parallel_loop3A_455 : f32 to vector<16xf32>
        %parallel_loop3A_457 = arith.mulf %parallel_loop3A_454, %parallel_loop3A_456 : vector<16xf32>
        %parallel_loop3A_458 = arith.constant 1 : i32
        %parallel_loop3A_459 = arith.addi %parallel_loop3A_346, %parallel_loop3A_458 : i32
        %parallel_loop3A_460 = arith.constant 1 : i32
        %parallel_loop3A_461 = arith.index_cast %parallel_loop3A_460 : i32 to index
        %parallel_loop3A_462 = arith.index_cast %parallel_loop3A_459 : i32 to index
        %parallel_loop3A_463 = arith.constant 16 : index
        %parallel_loop3A_464 = tpu.vector_load %arg6[%parallel_loop3A_461, %parallel_loop3A_462, %parallel_loop3A_463] {strides = array<i32>} : memref<5x128x128xf32, #tpu.memory_space<vmem>>, vector<1x1x16xf32>,
        %parallel_loop3A_465 = vector.shape_cast %parallel_loop3A_464 : vector<1x1x16xf32> to vector<16xf32>
        %parallel_loop3A_466 = vector.shape_cast %parallel_loop3A_457 : vector<16xf32> to vector<1x1x16xf32>
        tpu.vector_store %arg6[%parallel_loop3A_461, %parallel_loop3A_462, %parallel_loop3A_463], %parallel_loop3A_466 {strides = array<i32>} : memref<5x128x128xf32, #tpu.memory_space<vmem>>, vector<1x1x16xf32>,
        %parallel_loop3A_467 = arith.constant 1 : i32
        %parallel_loop3A_468 = arith.addi %parallel_loop3A_346, %parallel_loop3A_467 : i32
        %parallel_loop3A_469 = arith.constant 1 : i32
        %parallel_loop3A_470 = arith.index_cast %parallel_loop3A_469 : i32 to index
        %parallel_loop3A_471 = arith.index_cast %parallel_loop3A_468 : i32 to index
        %parallel_loop3A_472 = arith.constant 32 : index
        %parallel_loop3A_473 = tpu.vector_load %arg6[%parallel_loop3A_470, %parallel_loop3A_471, %parallel_loop3A_472] {strides = array<i32>} : memref<5x128x128xf32, #tpu.memory_space<vmem>>, vector<1x1x16xf32>,
        %parallel_loop3A_474 = vector.shape_cast %parallel_loop3A_473 : vector<1x1x16xf32> to vector<16xf32>
        %parallel_loop3A_475 = arith.constant 8.000000e+00 : f32
        %parallel_loop3A_476 = vector.broadcast %parallel_loop3A_475 : f32 to vector<16xf32>
        %parallel_loop3A_477 = arith.mulf %parallel_loop3A_474, %parallel_loop3A_476 : vector<16xf32>
        %parallel_loop3A_478 = arith.constant 1 : i32
        %parallel_loop3A_479 = arith.addi %parallel_loop3A_346, %parallel_loop3A_478 : i32
        %parallel_loop3A_480 = arith.constant 1 : i32
        %parallel_loop3A_481 = arith.index_cast %parallel_loop3A_480 : i32 to index
        %parallel_loop3A_482 = arith.index_cast %parallel_loop3A_479 : i32 to index
        %parallel_loop3A_483 = arith.constant 32 : index
        %parallel_loop3A_484 = tpu.vector_load %arg6[%parallel_loop3A_481, %parallel_loop3A_482, %parallel_loop3A_483] {strides = array<i32>} : memref<5x128x128xf32, #tpu.memory_space<vmem>>, vector<1x1x16xf32>,
        %parallel_loop3A_485 = vector.shape_cast %parallel_loop3A_484 : vector<1x1x16xf32> to vector<16xf32>
        %parallel_loop3A_486 = vector.shape_cast %parallel_loop3A_477 : vector<16xf32> to vector<1x1x16xf32>
        tpu.vector_store %arg6[%parallel_loop3A_481, %parallel_loop3A_482, %parallel_loop3A_483], %parallel_loop3A_486 {strides = array<i32>} : memref<5x128x128xf32, #tpu.memory_space<vmem>>, vector<1x1x16xf32>,
        %parallel_loop3A_487 = arith.constant 1 : i32
        %parallel_loop3A_488 = arith.addi %parallel_loop3A_346, %parallel_loop3A_487 : i32
        %parallel_loop3A_489 = arith.constant 1 : i32
        %parallel_loop3A_490 = arith.index_cast %parallel_loop3A_489 : i32 to index
        %parallel_loop3A_491 = arith.index_cast %parallel_loop3A_488 : i32 to index
        %parallel_loop3A_492 = arith.constant 48 : index
        %parallel_loop3A_493 = tpu.vector_load %arg6[%parallel_loop3A_490, %parallel_loop3A_491, %parallel_loop3A_492] {strides = array<i32>} : memref<5x128x128xf32, #tpu.memory_space<vmem>>, vector<1x1x16xf32>,
        %parallel_loop3A_494 = vector.shape_cast %parallel_loop3A_493 : vector<1x1x16xf32> to vector<16xf32>
        %parallel_loop3A_495 = arith.constant 8.000000e+00 : f32
        %parallel_loop3A_496 = vector.broadcast %parallel_loop3A_495 : f32 to vector<16xf32>
        %parallel_loop3A_497 = arith.mulf %parallel_loop3A_494, %parallel_loop3A_496 : vector<16xf32>
        %parallel_loop3A_498 = arith.constant 1 : i32
        %parallel_loop3A_499 = arith.addi %parallel_loop3A_346, %parallel_loop3A_498 : i32
        %parallel_loop3A_500 = arith.constant 1 : i32
        %parallel_loop3A_501 = arith.index_cast %parallel_loop3A_500 : i32 to index
        %parallel_loop3A_502 = arith.index_cast %parallel_loop3A_499 : i32 to index
        %parallel_loop3A_503 = arith.constant 48 : index
        %parallel_loop3A_504 = tpu.vector_load %arg6[%parallel_loop3A_501, %parallel_loop3A_502, %parallel_loop3A_503] {strides = array<i32>} : memref<5x128x128xf32, #tpu.memory_space<vmem>>, vector<1x1x16xf32>,
        %parallel_loop3A_505 = vector.shape_cast %parallel_loop3A_504 : vector<1x1x16xf32> to vector<16xf32>
        %parallel_loop3A_506 = vector.shape_cast %parallel_loop3A_497 : vector<16xf32> to vector<1x1x16xf32>
        tpu.vector_store %arg6[%parallel_loop3A_501, %parallel_loop3A_502, %parallel_loop3A_503], %parallel_loop3A_506 {strides = array<i32>} : memref<5x128x128xf32, #tpu.memory_space<vmem>>, vector<1x1x16xf32>,
        %parallel_loop3A_507 = arith.constant 2 : i32
        %parallel_loop3A_508 = arith.addi %parallel_loop3A_346, %parallel_loop3A_507 : i32
        %parallel_loop3A_509 = arith.constant 1 : i32
        %parallel_loop3A_510 = arith.index_cast %parallel_loop3A_509 : i32 to index
        %parallel_loop3A_511 = arith.index_cast %parallel_loop3A_508 : i32 to index
        %parallel_loop3A_512 = arith.constant 0 : index
        %parallel_loop3A_513 = tpu.vector_load %arg6[%parallel_loop3A_510, %parallel_loop3A_511, %parallel_loop3A_512] {strides = array<i32>} : memref<5x128x128xf32, #tpu.memory_space<vmem>>, vector<1x1x16xf32>,
        %parallel_loop3A_514 = vector.shape_cast %parallel_loop3A_513 : vector<1x1x16xf32> to vector<16xf32>
        %parallel_loop3A_515 = arith.constant 8.000000e+00 : f32
        %parallel_loop3A_516 = vector.broadcast %parallel_loop3A_515 : f32 to vector<16xf32>
        %parallel_loop3A_517 = arith.mulf %parallel_loop3A_514, %parallel_loop3A_516 : vector<16xf32>
        %parallel_loop3A_518 = arith.constant 2 : i32
        %parallel_loop3A_519 = arith.addi %parallel_loop3A_346, %parallel_loop3A_518 : i32
        %parallel_loop3A_520 = arith.constant 1 : i32
        %parallel_loop3A_521 = arith.index_cast %parallel_loop3A_520 : i32 to index
        %parallel_loop3A_522 = arith.index_cast %parallel_loop3A_519 : i32 to index
        %parallel_loop3A_523 = arith.constant 0 : index
        %parallel_loop3A_524 = tpu.vector_load %arg6[%parallel_loop3A_521, %parallel_loop3A_522, %parallel_loop3A_523] {strides = array<i32>} : memref<5x128x128xf32, #tpu.memory_space<vmem>>, vector<1x1x16xf32>,
        %parallel_loop3A_525 = vector.shape_cast %parallel_loop3A_524 : vector<1x1x16xf32> to vector<16xf32>
        %parallel_loop3A_526 = vector.shape_cast %parallel_loop3A_517 : vector<16xf32> to vector<1x1x16xf32>
        tpu.vector_store %arg6[%parallel_loop3A_521, %parallel_loop3A_522, %parallel_loop3A_523], %parallel_loop3A_526 {strides = array<i32>} : memref<5x128x128xf32, #tpu.memory_space<vmem>>, vector<1x1x16xf32>,
        %parallel_loop3A_527 = arith.constant 2 : i32
        %parallel_loop3A_528 = arith.addi %parallel_loop3A_346, %parallel_loop3A_527 : i32
        %parallel_loop3A_529 = arith.constant 1 : i32
        %parallel_loop3A_530 = arith.index_cast %parallel_loop3A_529 : i32 to index
        %parallel_loop3A_531 = arith.index_cast %parallel_loop3A_528 : i32 to index
        %parallel_loop3A_532 = arith.constant 16 : index
        %parallel_loop3A_533 = tpu.vector_load %arg6[%parallel_loop3A_530, %parallel_loop3A_531, %parallel_loop3A_532] {strides = array<i32>} : memref<5x128x128xf32, #tpu.memory_space<vmem>>, vector<1x1x16xf32>,
        %parallel_loop3A_534 = vector.shape_cast %parallel_loop3A_533 : vector<1x1x16xf32> to vector<16xf32>
        %parallel_loop3A_535 = arith.constant 8.000000e+00 : f32
        %parallel_loop3A_536 = vector.broadcast %parallel_loop3A_535 : f32 to vector<16xf32>
        %parallel_loop3A_537 = arith.mulf %parallel_loop3A_534, %parallel_loop3A_536 : vector<16xf32>
        %parallel_loop3A_538 = arith.constant 2 : i32
        %parallel_loop3A_539 = arith.addi %parallel_loop3A_346, %parallel_loop3A_538 : i32
        %parallel_loop3A_540 = arith.constant 1 : i32
        %parallel_loop3A_541 = arith.index_cast %parallel_loop3A_540 : i32 to index
        %parallel_loop3A_542 = arith.index_cast %parallel_loop3A_539 : i32 to index
        %parallel_loop3A_543 = arith.constant 16 : index
        %parallel_loop3A_544 = tpu.vector_load %arg6[%parallel_loop3A_541, %parallel_loop3A_542, %parallel_loop3A_543] {strides = array<i32>} : memref<5x128x128xf32, #tpu.memory_space<vmem>>, vector<1x1x16xf32>,
        %parallel_loop3A_545 = vector.shape_cast %parallel_loop3A_544 : vector<1x1x16xf32> to vector<16xf32>
        %parallel_loop3A_546 = vector.shape_cast %parallel_loop3A_537 : vector<16xf32> to vector<1x1x16xf32>
        tpu.vector_store %arg6[%parallel_loop3A_541, %parallel_loop3A_542, %parallel_loop3A_543], %parallel_loop3A_546 {strides = array<i32>} : memref<5x128x128xf32, #tpu.memory_space<vmem>>, vector<1x1x16xf32>,
        %parallel_loop3A_547 = arith.constant 2 : i32
        %parallel_loop3A_548 = arith.addi %parallel_loop3A_346, %parallel_loop3A_547 : i32
        %parallel_loop3A_549 = arith.constant 1 : i32
        %parallel_loop3A_550 = arith.index_cast %parallel_loop3A_549 : i32 to index
        %parallel_loop3A_551 = arith.index_cast %parallel_loop3A_548 : i32 to index
        %parallel_loop3A_552 = arith.constant 32 : index
        %parallel_loop3A_553 = tpu.vector_load %arg6[%parallel_loop3A_550, %parallel_loop3A_551, %parallel_loop3A_552] {strides = array<i32>} : memref<5x128x128xf32, #tpu.memory_space<vmem>>, vector<1x1x16xf32>,
        %parallel_loop3A_554 = vector.shape_cast %parallel_loop3A_553 : vector<1x1x16xf32> to vector<16xf32>
        %parallel_loop3A_555 = arith.constant 8.000000e+00 : f32
        %parallel_loop3A_556 = vector.broadcast %parallel_loop3A_555 : f32 to vector<16xf32>
        %parallel_loop3A_557 = arith.mulf %parallel_loop3A_554, %parallel_loop3A_556 : vector<16xf32>
        %parallel_loop3A_558 = arith.constant 2 : i32
        %parallel_loop3A_559 = arith.addi %parallel_loop3A_346, %parallel_loop3A_558 : i32
        %parallel_loop3A_560 = arith.constant 1 : i32
        %parallel_loop3A_561 = arith.index_cast %parallel_loop3A_560 : i32 to index
        %parallel_loop3A_562 = arith.index_cast %parallel_loop3A_559 : i32 to index
        %parallel_loop3A_563 = arith.constant 32 : index
        %parallel_loop3A_564 = tpu.vector_load %arg6[%parallel_loop3A_561, %parallel_loop3A_562, %parallel_loop3A_563] {strides = array<i32>} : memref<5x128x128xf32, #tpu.memory_space<vmem>>, vector<1x1x16xf32>,
        %parallel_loop3A_565 = vector.shape_cast %parallel_loop3A_564 : vector<1x1x16xf32> to vector<16xf32>
        %parallel_loop3A_566 = vector.shape_cast %parallel_loop3A_557 : vector<16xf32> to vector<1x1x16xf32>
        tpu.vector_store %arg6[%parallel_loop3A_561, %parallel_loop3A_562, %parallel_loop3A_563], %parallel_loop3A_566 {strides = array<i32>} : memref<5x128x128xf32, #tpu.memory_space<vmem>>, vector<1x1x16xf32>,
        %parallel_loop3A_567 = arith.constant 2 : i32
        %parallel_loop3A_568 = arith.addi %parallel_loop3A_346, %parallel_loop3A_567 : i32
        %parallel_loop3A_569 = arith.constant 1 : i32
        %parallel_loop3A_570 = arith.index_cast %parallel_loop3A_569 : i32 to index
        %parallel_loop3A_571 = arith.index_cast %parallel_loop3A_568 : i32 to index
        %parallel_loop3A_572 = arith.constant 48 : index
        %parallel_loop3A_573 = tpu.vector_load %arg6[%parallel_loop3A_570, %parallel_loop3A_571, %parallel_loop3A_572] {strides = array<i32>} : memref<5x128x128xf32, #tpu.memory_space<vmem>>, vector<1x1x16xf32>,
        %parallel_loop3A_574 = vector.shape_cast %parallel_loop3A_573 : vector<1x1x16xf32> to vector<16xf32>
        %parallel_loop3A_575 = arith.constant 8.000000e+00 : f32
        %parallel_loop3A_576 = vector.broadcast %parallel_loop3A_575 : f32 to vector<16xf32>
        %parallel_loop3A_577 = arith.mulf %parallel_loop3A_574, %parallel_loop3A_576 : vector<16xf32>
        %parallel_loop3A_578 = arith.constant 2 : i32
        %parallel_loop3A_579 = arith.addi %parallel_loop3A_346, %parallel_loop3A_578 : i32
        %parallel_loop3A_580 = arith.constant 1 : i32
        %parallel_loop3A_581 = arith.index_cast %parallel_loop3A_580 : i32 to index
        %parallel_loop3A_582 = arith.index_cast %parallel_loop3A_579 : i32 to index
        %parallel_loop3A_583 = arith.constant 48 : index
        %parallel_loop3A_584 = tpu.vector_load %arg6[%parallel_loop3A_581, %parallel_loop3A_582, %parallel_loop3A_583] {strides = array<i32>} : memref<5x128x128xf32, #tpu.memory_space<vmem>>, vector<1x1x16xf32>,
        %parallel_loop3A_585 = vector.shape_cast %parallel_loop3A_584 : vector<1x1x16xf32> to vector<16xf32>
        %parallel_loop3A_586 = vector.shape_cast %parallel_loop3A_577 : vector<16xf32> to vector<1x1x16xf32>
        tpu.vector_store %arg6[%parallel_loop3A_581, %parallel_loop3A_582, %parallel_loop3A_583], %parallel_loop3A_586 {strides = array<i32>} : memref<5x128x128xf32, #tpu.memory_space<vmem>>, vector<1x1x16xf32>,
        %parallel_loop3A_587 = arith.constant 3 : i32
        %parallel_loop3A_588 = arith.addi %parallel_loop3A_346, %parallel_loop3A_587 : i32
        %parallel_loop3A_589 = arith.constant 1 : i32
        %parallel_loop3A_590 = arith.index_cast %parallel_loop3A_589 : i32 to index
        %parallel_loop3A_591 = arith.index_cast %parallel_loop3A_588 : i32 to index
        %parallel_loop3A_592 = arith.constant 0 : index
        %parallel_loop3A_593 = tpu.vector_load %arg6[%parallel_loop3A_590, %parallel_loop3A_591, %parallel_loop3A_592] {strides = array<i32>} : memref<5x128x128xf32, #tpu.memory_space<vmem>>, vector<1x1x16xf32>,
        %parallel_loop3A_594 = vector.shape_cast %parallel_loop3A_593 : vector<1x1x16xf32> to vector<16xf32>
        %parallel_loop3A_595 = arith.constant 8.000000e+00 : f32
        %parallel_loop3A_596 = vector.broadcast %parallel_loop3A_595 : f32 to vector<16xf32>
        %parallel_loop3A_597 = arith.mulf %parallel_loop3A_594, %parallel_loop3A_596 : vector<16xf32>
        %parallel_loop3A_598 = arith.constant 3 : i32
        %parallel_loop3A_599 = arith.addi %parallel_loop3A_346, %parallel_loop3A_598 : i32
        %parallel_loop3A_600 = arith.constant 1 : i32
        %parallel_loop3A_601 = arith.index_cast %parallel_loop3A_600 : i32 to index
        %parallel_loop3A_602 = arith.index_cast %parallel_loop3A_599 : i32 to index
        %parallel_loop3A_603 = arith.constant 0 : index
        %parallel_loop3A_604 = tpu.vector_load %arg6[%parallel_loop3A_601, %parallel_loop3A_602, %parallel_loop3A_603] {strides = array<i32>} : memref<5x128x128xf32, #tpu.memory_space<vmem>>, vector<1x1x16xf32>,
        %parallel_loop3A_605 = vector.shape_cast %parallel_loop3A_604 : vector<1x1x16xf32> to vector<16xf32>
        %parallel_loop3A_606 = vector.shape_cast %parallel_loop3A_597 : vector<16xf32> to vector<1x1x16xf32>
        tpu.vector_store %arg6[%parallel_loop3A_601, %parallel_loop3A_602, %parallel_loop3A_603], %parallel_loop3A_606 {strides = array<i32>} : memref<5x128x128xf32, #tpu.memory_space<vmem>>, vector<1x1x16xf32>,
        %parallel_loop3A_607 = arith.constant 3 : i32
        %parallel_loop3A_608 = arith.addi %parallel_loop3A_346, %parallel_loop3A_607 : i32
        %parallel_loop3A_609 = arith.constant 1 : i32
        %parallel_loop3A_610 = arith.index_cast %parallel_loop3A_609 : i32 to index
        %parallel_loop3A_611 = arith.index_cast %parallel_loop3A_608 : i32 to index
        %parallel_loop3A_612 = arith.constant 16 : index
        %parallel_loop3A_613 = tpu.vector_load %arg6[%parallel_loop3A_610, %parallel_loop3A_611, %parallel_loop3A_612] {strides = array<i32>} : memref<5x128x128xf32, #tpu.memory_space<vmem>>, vector<1x1x16xf32>,
        %parallel_loop3A_614 = vector.shape_cast %parallel_loop3A_613 : vector<1x1x16xf32> to vector<16xf32>
        %parallel_loop3A_615 = arith.constant 8.000000e+00 : f32
        %parallel_loop3A_616 = vector.broadcast %parallel_loop3A_615 : f32 to vector<16xf32>
        %parallel_loop3A_617 = arith.mulf %parallel_loop3A_614, %parallel_loop3A_616 : vector<16xf32>
        %parallel_loop3A_618 = arith.constant 3 : i32
        %parallel_loop3A_619 = arith.addi %parallel_loop3A_346, %parallel_loop3A_618 : i32
        %parallel_loop3A_620 = arith.constant 1 : i32
        %parallel_loop3A_621 = arith.index_cast %parallel_loop3A_620 : i32 to index
        %parallel_loop3A_622 = arith.index_cast %parallel_loop3A_619 : i32 to index
        %parallel_loop3A_623 = arith.constant 16 : index
        %parallel_loop3A_624 = tpu.vector_load %arg6[%parallel_loop3A_621, %parallel_loop3A_622, %parallel_loop3A_623] {strides = array<i32>} : memref<5x128x128xf32, #tpu.memory_space<vmem>>, vector<1x1x16xf32>,
        %parallel_loop3A_625 = vector.shape_cast %parallel_loop3A_624 : vector<1x1x16xf32> to vector<16xf32>
        %parallel_loop3A_626 = vector.shape_cast %parallel_loop3A_617 : vector<16xf32> to vector<1x1x16xf32>
        tpu.vector_store %arg6[%parallel_loop3A_621, %parallel_loop3A_622, %parallel_loop3A_623], %parallel_loop3A_626 {strides = array<i32>} : memref<5x128x128xf32, #tpu.memory_space<vmem>>, vector<1x1x16xf32>,
        %parallel_loop3A_627 = arith.constant 3 : i32
        %parallel_loop3A_628 = arith.addi %parallel_loop3A_346, %parallel_loop3A_627 : i32
        %parallel_loop3A_629 = arith.constant 1 : i32
        %parallel_loop3A_630 = arith.index_cast %parallel_loop3A_629 : i32 to index
        %parallel_loop3A_631 = arith.index_cast %parallel_loop3A_628 : i32 to index
        %parallel_loop3A_632 = arith.constant 32 : index
        %parallel_loop3A_633 = tpu.vector_load %arg6[%parallel_loop3A_630, %parallel_loop3A_631, %parallel_loop3A_632] {strides = array<i32>} : memref<5x128x128xf32, #tpu.memory_space<vmem>>, vector<1x1x16xf32>,
        %parallel_loop3A_634 = vector.shape_cast %parallel_loop3A_633 : vector<1x1x16xf32> to vector<16xf32>
        %parallel_loop3A_635 = arith.constant 8.000000e+00 : f32
        %parallel_loop3A_636 = vector.broadcast %parallel_loop3A_635 : f32 to vector<16xf32>
        %parallel_loop3A_637 = arith.mulf %parallel_loop3A_634, %parallel_loop3A_636 : vector<16xf32>
        %parallel_loop3A_638 = arith.constant 3 : i32
        %parallel_loop3A_639 = arith.addi %parallel_loop3A_346, %parallel_loop3A_638 : i32
        %parallel_loop3A_640 = arith.constant 1 : i32
        %parallel_loop3A_641 = arith.index_cast %parallel_loop3A_640 : i32 to index
        %parallel_loop3A_642 = arith.index_cast %parallel_loop3A_639 : i32 to index
        %parallel_loop3A_643 = arith.constant 32 : index
        %parallel_loop3A_644 = tpu.vector_load %arg6[%parallel_loop3A_641, %parallel_loop3A_642, %parallel_loop3A_643] {strides = array<i32>} : memref<5x128x128xf32, #tpu.memory_space<vmem>>, vector<1x1x16xf32>,
        %parallel_loop3A_645 = vector.shape_cast %parallel_loop3A_644 : vector<1x1x16xf32> to vector<16xf32>
        %parallel_loop3A_646 = vector.shape_cast %parallel_loop3A_637 : vector<16xf32> to vector<1x1x16xf32>
        tpu.vector_store %arg6[%parallel_loop3A_641, %parallel_loop3A_642, %parallel_loop3A_643], %parallel_loop3A_646 {strides = array<i32>} : memref<5x128x128xf32, #tpu.memory_space<vmem>>, vector<1x1x16xf32>,
        %parallel_loop3A_647 = arith.constant 3 : i32
        %parallel_loop3A_648 = arith.addi %parallel_loop3A_346, %parallel_loop3A_647 : i32
        %parallel_loop3A_649 = arith.constant 1 : i32
        %parallel_loop3A_650 = arith.index_cast %parallel_loop3A_649 : i32 to index
        %parallel_loop3A_651 = arith.index_cast %parallel_loop3A_648 : i32 to index
        %parallel_loop3A_652 = arith.constant 48 : index
        %parallel_loop3A_653 = tpu.vector_load %arg6[%parallel_loop3A_650, %parallel_loop3A_651, %parallel_loop3A_652] {strides = array<i32>} : memref<5x128x128xf32, #tpu.memory_space<vmem>>, vector<1x1x16xf32>,
        %parallel_loop3A_654 = vector.shape_cast %parallel_loop3A_653 : vector<1x1x16xf32> to vector<16xf32>
        %parallel_loop3A_655 = arith.constant 8.000000e+00 : f32
        %parallel_loop3A_656 = vector.broadcast %parallel_loop3A_655 : f32 to vector<16xf32>
        %parallel_loop3A_657 = arith.mulf %parallel_loop3A_654, %parallel_loop3A_656 : vector<16xf32>
        %parallel_loop3A_658 = arith.constant 3 : i32
        %parallel_loop3A_659 = arith.addi %parallel_loop3A_346, %parallel_loop3A_658 : i32
        %parallel_loop3A_660 = arith.constant 1 : i32
        %parallel_loop3A_661 = arith.index_cast %parallel_loop3A_660 : i32 to index
        %parallel_loop3A_662 = arith.index_cast %parallel_loop3A_659 : i32 to index
        %parallel_loop3A_663 = arith.constant 48 : index
        %parallel_loop3A_664 = tpu.vector_load %arg6[%parallel_loop3A_661, %parallel_loop3A_662, %parallel_loop3A_663] {strides = array<i32>} : memref<5x128x128xf32, #tpu.memory_space<vmem>>, vector<1x1x16xf32>,
        %parallel_loop3A_665 = vector.shape_cast %parallel_loop3A_664 : vector<1x1x16xf32> to vector<16xf32>
        %parallel_loop3A_666 = vector.shape_cast %parallel_loop3A_657 : vector<16xf32> to vector<1x1x16xf32>
        tpu.vector_store %arg6[%parallel_loop3A_661, %parallel_loop3A_662, %parallel_loop3A_663], %parallel_loop3A_666 {strides = array<i32>} : memref<5x128x128xf32, #tpu.memory_space<vmem>>, vector<1x1x16xf32>,
      } {sc.loop_unroll_factor = 2 : i64, sc.parallel_access}
      %mul3A_201 = arith.constant 128 : i32
      %mul3A_202 = arith.muli %add3A_175, %mul3A_201 : i32
      %add3A_203 = arith.addi %mul3A_4, %mul3A_202 : i32
      %dma_start3A_204 = arith.constant 1 : i32
      %dma_start3A_205 = arith.constant 0 : i32
      %dma_start3A_206 = arith.constant 0 : i32
      %dma_start3A_207 = tpu.memref_slice %arg6[%dma_start3A_204, %dma_start3A_205, %dma_start3A_206] : memref<5x128x128xf32, #tpu.memory_space<vmem>> -> memref<1x128x128xf32, #tpu.memory_space<vmem>>
      %dma_start3A_208 = tpu.memref_squeeze %dma_start3A_207 : memref<1x128x128xf32, #tpu.memory_space<vmem>> -> memref<128x128xf32, #tpu.memory_space<vmem>>
      %dma_start3A_209 = arith.constant 0 : i32
      %dma_start3A_210 = tpu.memref_slice %arg4[%add3A_203, %dma_start3A_209] : memref<819200x128xf32, #tpu.memory_space<hbm>> -> memref<128x128xf32, #tpu.memory_space<hbm>>
      %dma_start3A_211 = arith.constant 0 : i32
      %dma_start3A_212 = tpu.memref_slice %arg4[%add3A_203, %dma_start3A_211] : memref<819200x128xf32, #tpu.memory_space<hbm>> -> memref<128x128xf32, #tpu.memory_space<hbm>>
      %dma_start3A_213 = arith.constant 0 : i32
      %dma_start3A_214 = arith.constant 0 : i32
      %dma_start3A_215 = tpu.memref_slice %arg6[%dma_start3A_204, %dma_start3A_213, %dma_start3A_214] : memref<5x128x128xf32, #tpu.memory_space<vmem>> -> memref<1x128x128xf32, #tpu.memory_space<vmem>>
      %dma_start3A_216 = tpu.memref_squeeze %dma_start3A_215 : memref<1x128x128xf32, #tpu.memory_space<vmem>> -> memref<128x128xf32, #tpu.memory_space<vmem>>
      tpu.enqueue_dma source(%dma_start3A_216 : memref<128x128xf32, #tpu.memory_space<vmem>>) target(%dma_start3A_212 : memref<128x128xf32, #tpu.memory_space<hbm>>) target_semaphore(%arg13 : memref<!tpu.dma_semaphore, #tpu.memory_space<semaphore_mem>>)
      %add3A_217 = arith.constant 2 : i32
      %add3A_218 = arith.addi %add3A_134, %add3A_217 : i32
      %add3A_219 = arith.constant 4 : i32
      %add3A_220 = arith.addi %add3A_218, %add3A_219 : i32
      %lt3A_221 = arith.constant 200 : i32
      %lt3A_222 = arith.cmpi slt, %add3A_220, %lt3A_221 : i32
      %convert_element_type3A_223 = arith.extui %lt3A_222 : i1 to i32
      %cond3A_224 = arith.constant 0 : i32
      %cond3A_225 = arith.cmpi ne, %convert_element_type3A_223, %cond3A_224 : i32
      scf.if %cond3A_225 {
        %ge3A = arith.constant 1 : i32
        %ge3A_346 = arith.cmpi sge, %add3A_218, %ge3A : i32
        %convert_element_type3A_347 = arith.extui %ge3A_346 : i1 to i32
        %cond3A_348 = arith.constant 0 : i32
        %cond3A_349 = arith.cmpi ne, %convert_element_type3A_347, %cond3A_348 : i32
        scf.if %cond3A_349 {
          %dma_wait3A_365 = arith.constant 1 : i32
          %dma_wait3A_366 = arith.constant 0 : i32
          %dma_wait3A_367 = arith.constant 0 : i32
          %dma_wait3A_368 = tpu.memref_slice %arg6[%dma_wait3A_365, %dma_wait3A_366, %dma_wait3A_367] : memref<5x128x128xf32, #tpu.memory_space<vmem>> -> memref<1x128x128xf32, #tpu.memory_space<vmem>>
          %dma_wait3A_369 = tpu.memref_squeeze %dma_wait3A_368 : memref<1x128x128xf32, #tpu.memory_space<vmem>> -> memref<128x128xf32, #tpu.memory_space<vmem>>
          %dma_wait3A_370 = arith.constant 0 : i32
          %dma_wait3A_371 = arith.constant 0 : i32
          %dma_wait3A_372 = tpu.memref_slice %arg4[%dma_wait3A_370, %dma_wait3A_371] : memref<819200x128xf32, #tpu.memory_space<hbm>> -> memref<128x128xf32, #tpu.memory_space<hbm>>
          %dma_wait3A_373 = arith.constant 0 : i32
          %dma_wait3A_374 = arith.constant 0 : i32
          %dma_wait3A_375 = tpu.memref_slice %arg4[%dma_wait3A_373, %dma_wait3A_374] : memref<819200x128xf32, #tpu.memory_space<hbm>> -> memref<128x128xf32, #tpu.memory_space<hbm>>
          %dma_wait3A_376 = arith.constant 0 : i32
          %dma_wait3A_377 = arith.constant 0 : i32
          %dma_wait3A_378 = tpu.memref_slice %arg6[%dma_wait3A_365, %dma_wait3A_376, %dma_wait3A_377] : memref<5x128x128xf32, #tpu.memory_space<vmem>> -> memref<1x128x128xf32, #tpu.memory_space<vmem>>
          %dma_wait3A_379 = tpu.memref_squeeze %dma_wait3A_378 : memref<1x128x128xf32, #tpu.memory_space<vmem>> -> memref<128x128xf32, #tpu.memory_space<vmem>>
          tpu.wait_dma2 semaphore(%arg13 : memref<!tpu.dma_semaphore, #tpu.memory_space<semaphore_mem>>) src(%dma_wait3A_379 : memref<128x128xf32, #tpu.memory_space<vmem>>) dst(%dma_wait3A_375 : memref<128x128xf32, #tpu.memory_space<hbm>>)
        } else {
        }
        %mul3A_350 = arith.constant 1 : i32
        %mul3A_351 = arith.muli %add3A_220, %mul3A_350 : i32
        %add3A_352 = arith.constant 0 : i32
        %add3A_353 = arith.addi %mul3A_351, %add3A_352 : i32
        %dma_start3A_354 = arith.constant 1 : i32
        %dma_start3A_355 = arith.constant 0 : i32
        %dma_start3A_356 = arith.constant 0 : i32
        %dma_start3A_357 = tpu.memref_slice %arg6[%dma_start3A_354, %dma_start3A_355, %dma_start3A_356] : memref<5x128x128xf32, #tpu.memory_space<vmem>> -> memref<1x128x128xf32, #tpu.memory_space<vmem>>
        %dma_start3A_358 = tpu.memref_squeeze %dma_start3A_357 : memref<1x128x128xf32, #tpu.memory_space<vmem>> -> memref<128x128xf32, #tpu.memory_space<vmem>>
        %dma_start3A_359 = arith.constant 0 : i32
        %dma_start3A_360 = tpu.memref_slice %arg5[%add3A_353, %dma_start3A_359] : memref<200x128xi32, #tpu.memory_space<vmem>> -> memref<1x128xi32, #tpu.memory_space<vmem>>
        %dma_start3A_361 = tpu.memref_squeeze %dma_start3A_360 : memref<1x128xi32, #tpu.memory_space<vmem>> -> memref<128xi32, #tpu.memory_space<vmem>>
        %dma_start3A_362 = arith.constant 0 : i32
        %dma_start3A_363 = arith.constant 0 : i32
        %dma_start3A_364 = tpu.memref_slice %arg3[%dma_start3A_362, %dma_start3A_363] : memref<1000000x128xf32, #tpu.memory_space<hbm>> -> memref<1000000x128xf32, #tpu.memory_space<hbm>>
        tpu.enqueue_indirect_dma source(%dma_start3A_364 : memref<1000000x128xf32, #tpu.memory_space<hbm>>) target(%dma_start3A_358 : memref<128x128xf32, #tpu.memory_space<vmem>>) offsets(%dma_start3A_361 : memref<128xi32, #tpu.memory_space<vmem>>) semaphore(%arg8 : memref<!tpu.dma_semaphore, #tpu.memory_space<semaphore_mem>>)
      } else {
      }
      %dma_wait3A_226 = arith.constant 2 : i32
      %dma_wait3A_227 = arith.constant 0 : i32
      %dma_wait3A_228 = arith.constant 0 : i32
      %dma_wait3A_229 = tpu.memref_slice %arg6[%dma_wait3A_226, %dma_wait3A_227, %dma_wait3A_228] : memref<5x128x128xf32, #tpu.memory_space<vmem>> -> memref<1x128x128xf32, #tpu.memory_space<vmem>>
      %dma_wait3A_230 = tpu.memref_squeeze %dma_wait3A_229 : memref<1x128x128xf32, #tpu.memory_space<vmem>> -> memref<128x128xf32, #tpu.memory_space<vmem>>
      %dma_wait3A_231 = arith.constant 0 : i32
      %dma_wait3A_232 = arith.constant 0 : i32
      %dma_wait3A_233 = tpu.memref_slice %arg3[%dma_wait3A_231, %dma_wait3A_232] : memref<1000000x128xf32, #tpu.memory_space<hbm>> -> memref<128x128xf32, #tpu.memory_space<hbm>>
      %dma_wait3A_234 = arith.constant 0 : i32
      %dma_wait3A_235 = arith.constant 0 : i32
      %dma_wait3A_236 = tpu.memref_slice %arg6[%dma_wait3A_226, %dma_wait3A_234, %dma_wait3A_235] : memref<5x128x128xf32, #tpu.memory_space<vmem>> -> memref<1x128x128xf32, #tpu.memory_space<vmem>>
      %dma_wait3A_237 = tpu.memref_squeeze %dma_wait3A_236 : memref<1x128x128xf32, #tpu.memory_space<vmem>> -> memref<128x128xf32, #tpu.memory_space<vmem>>
      %dma_wait3A_238 = arith.constant 0 : i32
      %dma_wait3A_239 = arith.constant 0 : i32
      %dma_wait3A_240 = tpu.memref_slice %arg3[%dma_wait3A_238, %dma_wait3A_239] : memref<1000000x128xf32, #tpu.memory_space<hbm>> -> memref<128x128xf32, #tpu.memory_space<hbm>>
      tpu.wait_dma2 semaphore(%arg9 : memref<!tpu.dma_semaphore, #tpu.memory_space<semaphore_mem>>) src(%dma_wait3A_240 : memref<128x128xf32, #tpu.memory_space<hbm>>) dst(%dma_wait3A_237 : memref<128x128xf32, #tpu.memory_space<vmem>>)
      %parallel_loop3A_241 = arith.constant 0 : i32
      %parallel_loop3A_242 = arith.constant 128 : i32
      %parallel_loop3A_243 = arith.constant 4 : i32
      scf.for %parallel_loop3A_346 = %parallel_loop3A_241 to %parallel_loop3A_242 step %parallel_loop3A_243  : i32 {
        %parallel_loop3A_347 = arith.constant 0 : i32
        %parallel_loop3A_348 = arith.addi %parallel_loop3A_346, %parallel_loop3A_347 : i32
        %parallel_loop3A_349 = arith.constant 2 : i32
        %parallel_loop3A_350 = arith.index_cast %parallel_loop3A_349 : i32 to index
        %parallel_loop3A_351 = arith.index_cast %parallel_loop3A_348 : i32 to index
        %parallel_loop3A_352 = arith.constant 0 : index
        %parallel_loop3A_353 = tpu.vector_load %arg6[%parallel_loop3A_350, %parallel_loop3A_351, %parallel_loop3A_352] {strides = array<i32>} : memref<5x128x128xf32, #tpu.memory_space<vmem>>, vector<1x1x16xf32>,
        %parallel_loop3A_354 = vector.shape_cast %parallel_loop3A_353 : vector<1x1x16xf32> to vector<16xf32>
        %parallel_loop3A_355 = arith.constant 8.000000e+00 : f32
        %parallel_loop3A_356 = vector.broadcast %parallel_loop3A_355 : f32 to vector<16xf32>
        %parallel_loop3A_357 = arith.mulf %parallel_loop3A_354, %parallel_loop3A_356 : vector<16xf32>
        %parallel_loop3A_358 = arith.constant 0 : i32
        %parallel_loop3A_359 = arith.addi %parallel_loop3A_346, %parallel_loop3A_358 : i32
        %parallel_loop3A_360 = arith.constant 2 : i32
        %parallel_loop3A_361 = arith.index_cast %parallel_loop3A_360 : i32 to index
        %parallel_loop3A_362 = arith.index_cast %parallel_loop3A_359 : i32 to index
        %parallel_loop3A_363 = arith.constant 0 : index
        %parallel_loop3A_364 = tpu.vector_load %arg6[%parallel_loop3A_361, %parallel_loop3A_362, %parallel_loop3A_363] {strides = array<i32>} : memref<5x128x128xf32, #tpu.memory_space<vmem>>, vector<1x1x16xf32>,
        %parallel_loop3A_365 = vector.shape_cast %parallel_loop3A_364 : vector<1x1x16xf32> to vector<16xf32>
        %parallel_loop3A_366 = vector.shape_cast %parallel_loop3A_357 : vector<16xf32> to vector<1x1x16xf32>
        tpu.vector_store %arg6[%parallel_loop3A_361, %parallel_loop3A_362, %parallel_loop3A_363], %parallel_loop3A_366 {strides = array<i32>} : memref<5x128x128xf32, #tpu.memory_space<vmem>>, vector<1x1x16xf32>,
        %parallel_loop3A_367 = arith.constant 0 : i32
        %parallel_loop3A_368 = arith.addi %parallel_loop3A_346, %parallel_loop3A_367 : i32
        %parallel_loop3A_369 = arith.constant 2 : i32
        %parallel_loop3A_370 = arith.index_cast %parallel_loop3A_369 : i32 to index
        %parallel_loop3A_371 = arith.index_cast %parallel_loop3A_368 : i32 to index
        %parallel_loop3A_372 = arith.constant 16 : index
        %parallel_loop3A_373 = tpu.vector_load %arg6[%parallel_loop3A_370, %parallel_loop3A_371, %parallel_loop3A_372] {strides = array<i32>} : memref<5x128x128xf32, #tpu.memory_space<vmem>>, vector<1x1x16xf32>,
        %parallel_loop3A_374 = vector.shape_cast %parallel_loop3A_373 : vector<1x1x16xf32> to vector<16xf32>
        %parallel_loop3A_375 = arith.constant 8.000000e+00 : f32
        %parallel_loop3A_376 = vector.broadcast %parallel_loop3A_375 : f32 to vector<16xf32>
        %parallel_loop3A_377 = arith.mulf %parallel_loop3A_374, %parallel_loop3A_376 : vector<16xf32>
        %parallel_loop3A_378 = arith.constant 0 : i32
        %parallel_loop3A_379 = arith.addi %parallel_loop3A_346, %parallel_loop3A_378 : i32
        %parallel_loop3A_380 = arith.constant 2 : i32
        %parallel_loop3A_381 = arith.index_cast %parallel_loop3A_380 : i32 to index
        %parallel_loop3A_382 = arith.index_cast %parallel_loop3A_379 : i32 to index
        %parallel_loop3A_383 = arith.constant 16 : index
        %parallel_loop3A_384 = tpu.vector_load %arg6[%parallel_loop3A_381, %parallel_loop3A_382, %parallel_loop3A_383] {strides = array<i32>} : memref<5x128x128xf32, #tpu.memory_space<vmem>>, vector<1x1x16xf32>,
        %parallel_loop3A_385 = vector.shape_cast %parallel_loop3A_384 : vector<1x1x16xf32> to vector<16xf32>
        %parallel_loop3A_386 = vector.shape_cast %parallel_loop3A_377 : vector<16xf32> to vector<1x1x16xf32>
        tpu.vector_store %arg6[%parallel_loop3A_381, %parallel_loop3A_382, %parallel_loop3A_383], %parallel_loop3A_386 {strides = array<i32>} : memref<5x128x128xf32, #tpu.memory_space<vmem>>, vector<1x1x16xf32>,
        %parallel_loop3A_387 = arith.constant 0 : i32
        %parallel_loop3A_388 = arith.addi %parallel_loop3A_346, %parallel_loop3A_387 : i32
        %parallel_loop3A_389 = arith.constant 2 : i32
        %parallel_loop3A_390 = arith.index_cast %parallel_loop3A_389 : i32 to index
        %parallel_loop3A_391 = arith.index_cast %parallel_loop3A_388 : i32 to index
        %parallel_loop3A_392 = arith.constant 32 : index
        %parallel_loop3A_393 = tpu.vector_load %arg6[%parallel_loop3A_390, %parallel_loop3A_391, %parallel_loop3A_392] {strides = array<i32>} : memref<5x128x128xf32, #tpu.memory_space<vmem>>, vector<1x1x16xf32>,
        %parallel_loop3A_394 = vector.shape_cast %parallel_loop3A_393 : vector<1x1x16xf32> to vector<16xf32>
        %parallel_loop3A_395 = arith.constant 8.000000e+00 : f32
        %parallel_loop3A_396 = vector.broadcast %parallel_loop3A_395 : f32 to vector<16xf32>
        %parallel_loop3A_397 = arith.mulf %parallel_loop3A_394, %parallel_loop3A_396 : vector<16xf32>
        %parallel_loop3A_398 = arith.constant 0 : i32
        %parallel_loop3A_399 = arith.addi %parallel_loop3A_346, %parallel_loop3A_398 : i32
        %parallel_loop3A_400 = arith.constant 2 : i32
        %parallel_loop3A_401 = arith.index_cast %parallel_loop3A_400 : i32 to index
        %parallel_loop3A_402 = arith.index_cast %parallel_loop3A_399 : i32 to index
        %parallel_loop3A_403 = arith.constant 32 : index
        %parallel_loop3A_404 = tpu.vector_load %arg6[%parallel_loop3A_401, %parallel_loop3A_402, %parallel_loop3A_403] {strides = array<i32>} : memref<5x128x128xf32, #tpu.memory_space<vmem>>, vector<1x1x16xf32>,
        %parallel_loop3A_405 = vector.shape_cast %parallel_loop3A_404 : vector<1x1x16xf32> to vector<16xf32>
        %parallel_loop3A_406 = vector.shape_cast %parallel_loop3A_397 : vector<16xf32> to vector<1x1x16xf32>
        tpu.vector_store %arg6[%parallel_loop3A_401, %parallel_loop3A_402, %parallel_loop3A_403], %parallel_loop3A_406 {strides = array<i32>} : memref<5x128x128xf32, #tpu.memory_space<vmem>>, vector<1x1x16xf32>,
        %parallel_loop3A_407 = arith.constant 0 : i32
        %parallel_loop3A_408 = arith.addi %parallel_loop3A_346, %parallel_loop3A_407 : i32
        %parallel_loop3A_409 = arith.constant 2 : i32
        %parallel_loop3A_410 = arith.index_cast %parallel_loop3A_409 : i32 to index
        %parallel_loop3A_411 = arith.index_cast %parallel_loop3A_408 : i32 to index
        %parallel_loop3A_412 = arith.constant 48 : index
        %parallel_loop3A_413 = tpu.vector_load %arg6[%parallel_loop3A_410, %parallel_loop3A_411, %parallel_loop3A_412] {strides = array<i32>} : memref<5x128x128xf32, #tpu.memory_space<vmem>>, vector<1x1x16xf32>,
        %parallel_loop3A_414 = vector.shape_cast %parallel_loop3A_413 : vector<1x1x16xf32> to vector<16xf32>
        %parallel_loop3A_415 = arith.constant 8.000000e+00 : f32
        %parallel_loop3A_416 = vector.broadcast %parallel_loop3A_415 : f32 to vector<16xf32>
        %parallel_loop3A_417 = arith.mulf %parallel_loop3A_414, %parallel_loop3A_416 : vector<16xf32>
        %parallel_loop3A_418 = arith.constant 0 : i32
        %parallel_loop3A_419 = arith.addi %parallel_loop3A_346, %parallel_loop3A_418 : i32
        %parallel_loop3A_420 = arith.constant 2 : i32
        %parallel_loop3A_421 = arith.index_cast %parallel_loop3A_420 : i32 to index
        %parallel_loop3A_422 = arith.index_cast %parallel_loop3A_419 : i32 to index
        %parallel_loop3A_423 = arith.constant 48 : index
        %parallel_loop3A_424 = tpu.vector_load %arg6[%parallel_loop3A_421, %parallel_loop3A_422, %parallel_loop3A_423] {strides = array<i32>} : memref<5x128x128xf32, #tpu.memory_space<vmem>>, vector<1x1x16xf32>,
        %parallel_loop3A_425 = vector.shape_cast %parallel_loop3A_424 : vector<1x1x16xf32> to vector<16xf32>
        %parallel_loop3A_426 = vector.shape_cast %parallel_loop3A_417 : vector<16xf32> to vector<1x1x16xf32>
        tpu.vector_store %arg6[%parallel_loop3A_421, %parallel_loop3A_422, %parallel_loop3A_423], %parallel_loop3A_426 {strides = array<i32>} : memref<5x128x128xf32, #tpu.memory_space<vmem>>, vector<1x1x16xf32>,
        %parallel_loop3A_427 = arith.constant 1 : i32
        %parallel_loop3A_428 = arith.addi %parallel_loop3A_346, %parallel_loop3A_427 : i32
        %parallel_loop3A_429 = arith.constant 2 : i32
        %parallel_loop3A_430 = arith.index_cast %parallel_loop3A_429 : i32 to index
        %parallel_loop3A_431 = arith.index_cast %parallel_loop3A_428 : i32 to index
        %parallel_loop3A_432 = arith.constant 0 : index
        %parallel_loop3A_433 = tpu.vector_load %arg6[%parallel_loop3A_430, %parallel_loop3A_431, %parallel_loop3A_432] {strides = array<i32>} : memref<5x128x128xf32, #tpu.memory_space<vmem>>, vector<1x1x16xf32>,
        %parallel_loop3A_434 = vector.shape_cast %parallel_loop3A_433 : vector<1x1x16xf32> to vector<16xf32>
        %parallel_loop3A_435 = arith.constant 8.000000e+00 : f32
        %parallel_loop3A_436 = vector.broadcast %parallel_loop3A_435 : f32 to vector<16xf32>
        %parallel_loop3A_437 = arith.mulf %parallel_loop3A_434, %parallel_loop3A_436 : vector<16xf32>
        %parallel_loop3A_438 = arith.constant 1 : i32
        %parallel_loop3A_439 = arith.addi %parallel_loop3A_346, %parallel_loop3A_438 : i32
        %parallel_loop3A_440 = arith.constant 2 : i32
        %parallel_loop3A_441 = arith.index_cast %parallel_loop3A_440 : i32 to index
        %parallel_loop3A_442 = arith.index_cast %parallel_loop3A_439 : i32 to index
        %parallel_loop3A_443 = arith.constant 0 : index
        %parallel_loop3A_444 = tpu.vector_load %arg6[%parallel_loop3A_441, %parallel_loop3A_442, %parallel_loop3A_443] {strides = array<i32>} : memref<5x128x128xf32, #tpu.memory_space<vmem>>, vector<1x1x16xf32>,
        %parallel_loop3A_445 = vector.shape_cast %parallel_loop3A_444 : vector<1x1x16xf32> to vector<16xf32>
        %parallel_loop3A_446 = vector.shape_cast %parallel_loop3A_437 : vector<16xf32> to vector<1x1x16xf32>
        tpu.vector_store %arg6[%parallel_loop3A_441, %parallel_loop3A_442, %parallel_loop3A_443], %parallel_loop3A_446 {strides = array<i32>} : memref<5x128x128xf32, #tpu.memory_space<vmem>>, vector<1x1x16xf32>,
        %parallel_loop3A_447 = arith.constant 1 : i32
        %parallel_loop3A_448 = arith.addi %parallel_loop3A_346, %parallel_loop3A_447 : i32
        %parallel_loop3A_449 = arith.constant 2 : i32
        %parallel_loop3A_450 = arith.index_cast %parallel_loop3A_449 : i32 to index
        %parallel_loop3A_451 = arith.index_cast %parallel_loop3A_448 : i32 to index
        %parallel_loop3A_452 = arith.constant 16 : index
        %parallel_loop3A_453 = tpu.vector_load %arg6[%parallel_loop3A_450, %parallel_loop3A_451, %parallel_loop3A_452] {strides = array<i32>} : memref<5x128x128xf32, #tpu.memory_space<vmem>>, vector<1x1x16xf32>,
        %parallel_loop3A_454 = vector.shape_cast %parallel_loop3A_453 : vector<1x1x16xf32> to vector<16xf32>
        %parallel_loop3A_455 = arith.constant 8.000000e+00 : f32
        %parallel_loop3A_456 = vector.broadcast %parallel_loop3A_455 : f32 to vector<16xf32>
        %parallel_loop3A_457 = arith.mulf %parallel_loop3A_454, %parallel_loop3A_456 : vector<16xf32>
        %parallel_loop3A_458 = arith.constant 1 : i32
        %parallel_loop3A_459 = arith.addi %parallel_loop3A_346, %parallel_loop3A_458 : i32
        %parallel_loop3A_460 = arith.constant 2 : i32
        %parallel_loop3A_461 = arith.index_cast %parallel_loop3A_460 : i32 to index
        %parallel_loop3A_462 = arith.index_cast %parallel_loop3A_459 : i32 to index
        %parallel_loop3A_463 = arith.constant 16 : index
        %parallel_loop3A_464 = tpu.vector_load %arg6[%parallel_loop3A_461, %parallel_loop3A_462, %parallel_loop3A_463] {strides = array<i32>} : memref<5x128x128xf32, #tpu.memory_space<vmem>>, vector<1x1x16xf32>,
        %parallel_loop3A_465 = vector.shape_cast %parallel_loop3A_464 : vector<1x1x16xf32> to vector<16xf32>
        %parallel_loop3A_466 = vector.shape_cast %parallel_loop3A_457 : vector<16xf32> to vector<1x1x16xf32>
        tpu.vector_store %arg6[%parallel_loop3A_461, %parallel_loop3A_462, %parallel_loop3A_463], %parallel_loop3A_466 {strides = array<i32>} : memref<5x128x128xf32, #tpu.memory_space<vmem>>, vector<1x1x16xf32>,
        %parallel_loop3A_467 = arith.constant 1 : i32
        %parallel_loop3A_468 = arith.addi %parallel_loop3A_346, %parallel_loop3A_467 : i32
        %parallel_loop3A_469 = arith.constant 2 : i32
        %parallel_loop3A_470 = arith.index_cast %parallel_loop3A_469 : i32 to index
        %parallel_loop3A_471 = arith.index_cast %parallel_loop3A_468 : i32 to index
        %parallel_loop3A_472 = arith.constant 32 : index
        %parallel_loop3A_473 = tpu.vector_load %arg6[%parallel_loop3A_470, %parallel_loop3A_471, %parallel_loop3A_472] {strides = array<i32>} : memref<5x128x128xf32, #tpu.memory_space<vmem>>, vector<1x1x16xf32>,
        %parallel_loop3A_474 = vector.shape_cast %parallel_loop3A_473 : vector<1x1x16xf32> to vector<16xf32>
        %parallel_loop3A_475 = arith.constant 8.000000e+00 : f32
        %parallel_loop3A_476 = vector.broadcast %parallel_loop3A_475 : f32 to vector<16xf32>
        %parallel_loop3A_477 = arith.mulf %parallel_loop3A_474, %parallel_loop3A_476 : vector<16xf32>
        %parallel_loop3A_478 = arith.constant 1 : i32
        %parallel_loop3A_479 = arith.addi %parallel_loop3A_346, %parallel_loop3A_478 : i32
        %parallel_loop3A_480 = arith.constant 2 : i32
        %parallel_loop3A_481 = arith.index_cast %parallel_loop3A_480 : i32 to index
        %parallel_loop3A_482 = arith.index_cast %parallel_loop3A_479 : i32 to index
        %parallel_loop3A_483 = arith.constant 32 : index
        %parallel_loop3A_484 = tpu.vector_load %arg6[%parallel_loop3A_481, %parallel_loop3A_482, %parallel_loop3A_483] {strides = array<i32>} : memref<5x128x128xf32, #tpu.memory_space<vmem>>, vector<1x1x16xf32>,
        %parallel_loop3A_485 = vector.shape_cast %parallel_loop3A_484 : vector<1x1x16xf32> to vector<16xf32>
        %parallel_loop3A_486 = vector.shape_cast %parallel_loop3A_477 : vector<16xf32> to vector<1x1x16xf32>
        tpu.vector_store %arg6[%parallel_loop3A_481, %parallel_loop3A_482, %parallel_loop3A_483], %parallel_loop3A_486 {strides = array<i32>} : memref<5x128x128xf32, #tpu.memory_space<vmem>>, vector<1x1x16xf32>,
        %parallel_loop3A_487 = arith.constant 1 : i32
        %parallel_loop3A_488 = arith.addi %parallel_loop3A_346, %parallel_loop3A_487 : i32
        %parallel_loop3A_489 = arith.constant 2 : i32
        %parallel_loop3A_490 = arith.index_cast %parallel_loop3A_489 : i32 to index
        %parallel_loop3A_491 = arith.index_cast %parallel_loop3A_488 : i32 to index
        %parallel_loop3A_492 = arith.constant 48 : index
        %parallel_loop3A_493 = tpu.vector_load %arg6[%parallel_loop3A_490, %parallel_loop3A_491, %parallel_loop3A_492] {strides = array<i32>} : memref<5x128x128xf32, #tpu.memory_space<vmem>>, vector<1x1x16xf32>,
        %parallel_loop3A_494 = vector.shape_cast %parallel_loop3A_493 : vector<1x1x16xf32> to vector<16xf32>
        %parallel_loop3A_495 = arith.constant 8.000000e+00 : f32
        %parallel_loop3A_496 = vector.broadcast %parallel_loop3A_495 : f32 to vector<16xf32>
        %parallel_loop3A_497 = arith.mulf %parallel_loop3A_494, %parallel_loop3A_496 : vector<16xf32>
        %parallel_loop3A_498 = arith.constant 1 : i32
        %parallel_loop3A_499 = arith.addi %parallel_loop3A_346, %parallel_loop3A_498 : i32
        %parallel_loop3A_500 = arith.constant 2 : i32
        %parallel_loop3A_501 = arith.index_cast %parallel_loop3A_500 : i32 to index
        %parallel_loop3A_502 = arith.index_cast %parallel_loop3A_499 : i32 to index
        %parallel_loop3A_503 = arith.constant 48 : index
        %parallel_loop3A_504 = tpu.vector_load %arg6[%parallel_loop3A_501, %parallel_loop3A_502, %parallel_loop3A_503] {strides = array<i32>} : memref<5x128x128xf32, #tpu.memory_space<vmem>>, vector<1x1x16xf32>,
        %parallel_loop3A_505 = vector.shape_cast %parallel_loop3A_504 : vector<1x1x16xf32> to vector<16xf32>
        %parallel_loop3A_506 = vector.shape_cast %parallel_loop3A_497 : vector<16xf32> to vector<1x1x16xf32>
        tpu.vector_store %arg6[%parallel_loop3A_501, %parallel_loop3A_502, %parallel_loop3A_503], %parallel_loop3A_506 {strides = array<i32>} : memref<5x128x128xf32, #tpu.memory_space<vmem>>, vector<1x1x16xf32>,
        %parallel_loop3A_507 = arith.constant 2 : i32
        %parallel_loop3A_508 = arith.addi %parallel_loop3A_346, %parallel_loop3A_507 : i32
        %parallel_loop3A_509 = arith.constant 2 : i32
        %parallel_loop3A_510 = arith.index_cast %parallel_loop3A_509 : i32 to index
        %parallel_loop3A_511 = arith.index_cast %parallel_loop3A_508 : i32 to index
        %parallel_loop3A_512 = arith.constant 0 : index
        %parallel_loop3A_513 = tpu.vector_load %arg6[%parallel_loop3A_510, %parallel_loop3A_511, %parallel_loop3A_512] {strides = array<i32>} : memref<5x128x128xf32, #tpu.memory_space<vmem>>, vector<1x1x16xf32>,
        %parallel_loop3A_514 = vector.shape_cast %parallel_loop3A_513 : vector<1x1x16xf32> to vector<16xf32>
        %parallel_loop3A_515 = arith.constant 8.000000e+00 : f32
        %parallel_loop3A_516 = vector.broadcast %parallel_loop3A_515 : f32 to vector<16xf32>
        %parallel_loop3A_517 = arith.mulf %parallel_loop3A_514, %parallel_loop3A_516 : vector<16xf32>
        %parallel_loop3A_518 = arith.constant 2 : i32
        %parallel_loop3A_519 = arith.addi %parallel_loop3A_346, %parallel_loop3A_518 : i32
        %parallel_loop3A_520 = arith.constant 2 : i32
        %parallel_loop3A_521 = arith.index_cast %parallel_loop3A_520 : i32 to index
        %parallel_loop3A_522 = arith.index_cast %parallel_loop3A_519 : i32 to index
        %parallel_loop3A_523 = arith.constant 0 : index
        %parallel_loop3A_524 = tpu.vector_load %arg6[%parallel_loop3A_521, %parallel_loop3A_522, %parallel_loop3A_523] {strides = array<i32>} : memref<5x128x128xf32, #tpu.memory_space<vmem>>, vector<1x1x16xf32>,
        %parallel_loop3A_525 = vector.shape_cast %parallel_loop3A_524 : vector<1x1x16xf32> to vector<16xf32>
        %parallel_loop3A_526 = vector.shape_cast %parallel_loop3A_517 : vector<16xf32> to vector<1x1x16xf32>
        tpu.vector_store %arg6[%parallel_loop3A_521, %parallel_loop3A_522, %parallel_loop3A_523], %parallel_loop3A_526 {strides = array<i32>} : memref<5x128x128xf32, #tpu.memory_space<vmem>>, vector<1x1x16xf32>,
        %parallel_loop3A_527 = arith.constant 2 : i32
        %parallel_loop3A_528 = arith.addi %parallel_loop3A_346, %parallel_loop3A_527 : i32
        %parallel_loop3A_529 = arith.constant 2 : i32
        %parallel_loop3A_530 = arith.index_cast %parallel_loop3A_529 : i32 to index
        %parallel_loop3A_531 = arith.index_cast %parallel_loop3A_528 : i32 to index
        %parallel_loop3A_532 = arith.constant 16 : index
        %parallel_loop3A_533 = tpu.vector_load %arg6[%parallel_loop3A_530, %parallel_loop3A_531, %parallel_loop3A_532] {strides = array<i32>} : memref<5x128x128xf32, #tpu.memory_space<vmem>>, vector<1x1x16xf32>,
        %parallel_loop3A_534 = vector.shape_cast %parallel_loop3A_533 : vector<1x1x16xf32> to vector<16xf32>
        %parallel_loop3A_535 = arith.constant 8.000000e+00 : f32
        %parallel_loop3A_536 = vector.broadcast %parallel_loop3A_535 : f32 to vector<16xf32>
        %parallel_loop3A_537 = arith.mulf %parallel_loop3A_534, %parallel_loop3A_536 : vector<16xf32>
        %parallel_loop3A_538 = arith.constant 2 : i32
        %parallel_loop3A_539 = arith.addi %parallel_loop3A_346, %parallel_loop3A_538 : i32
        %parallel_loop3A_540 = arith.constant 2 : i32
        %parallel_loop3A_541 = arith.index_cast %parallel_loop3A_540 : i32 to index
        %parallel_loop3A_542 = arith.index_cast %parallel_loop3A_539 : i32 to index
        %parallel_loop3A_543 = arith.constant 16 : index
        %parallel_loop3A_544 = tpu.vector_load %arg6[%parallel_loop3A_541, %parallel_loop3A_542, %parallel_loop3A_543] {strides = array<i32>} : memref<5x128x128xf32, #tpu.memory_space<vmem>>, vector<1x1x16xf32>,
        %parallel_loop3A_545 = vector.shape_cast %parallel_loop3A_544 : vector<1x1x16xf32> to vector<16xf32>
        %parallel_loop3A_546 = vector.shape_cast %parallel_loop3A_537 : vector<16xf32> to vector<1x1x16xf32>
        tpu.vector_store %arg6[%parallel_loop3A_541, %parallel_loop3A_542, %parallel_loop3A_543], %parallel_loop3A_546 {strides = array<i32>} : memref<5x128x128xf32, #tpu.memory_space<vmem>>, vector<1x1x16xf32>,
        %parallel_loop3A_547 = arith.constant 2 : i32
        %parallel_loop3A_548 = arith.addi %parallel_loop3A_346, %parallel_loop3A_547 : i32
        %parallel_loop3A_549 = arith.constant 2 : i32
        %parallel_loop3A_550 = arith.index_cast %parallel_loop3A_549 : i32 to index
        %parallel_loop3A_551 = arith.index_cast %parallel_loop3A_548 : i32 to index
        %parallel_loop3A_552 = arith.constant 32 : index
        %parallel_loop3A_553 = tpu.vector_load %arg6[%parallel_loop3A_550, %parallel_loop3A_551, %parallel_loop3A_552] {strides = array<i32>} : memref<5x128x128xf32, #tpu.memory_space<vmem>>, vector<1x1x16xf32>,
        %parallel_loop3A_554 = vector.shape_cast %parallel_loop3A_553 : vector<1x1x16xf32> to vector<16xf32>
        %parallel_loop3A_555 = arith.constant 8.000000e+00 : f32
        %parallel_loop3A_556 = vector.broadcast %parallel_loop3A_555 : f32 to vector<16xf32>
        %parallel_loop3A_557 = arith.mulf %parallel_loop3A_554, %parallel_loop3A_556 : vector<16xf32>
        %parallel_loop3A_558 = arith.constant 2 : i32
        %parallel_loop3A_559 = arith.addi %parallel_loop3A_346, %parallel_loop3A_558 : i32
        %parallel_loop3A_560 = arith.constant 2 : i32
        %parallel_loop3A_561 = arith.index_cast %parallel_loop3A_560 : i32 to index
        %parallel_loop3A_562 = arith.index_cast %parallel_loop3A_559 : i32 to index
        %parallel_loop3A_563 = arith.constant 32 : index
        %parallel_loop3A_564 = tpu.vector_load %arg6[%parallel_loop3A_561, %parallel_loop3A_562, %parallel_loop3A_563] {strides = array<i32>} : memref<5x128x128xf32, #tpu.memory_space<vmem>>, vector<1x1x16xf32>,
        %parallel_loop3A_565 = vector.shape_cast %parallel_loop3A_564 : vector<1x1x16xf32> to vector<16xf32>
        %parallel_loop3A_566 = vector.shape_cast %parallel_loop3A_557 : vector<16xf32> to vector<1x1x16xf32>
        tpu.vector_store %arg6[%parallel_loop3A_561, %parallel_loop3A_562, %parallel_loop3A_563], %parallel_loop3A_566 {strides = array<i32>} : memref<5x128x128xf32, #tpu.memory_space<vmem>>, vector<1x1x16xf32>,
        %parallel_loop3A_567 = arith.constant 2 : i32
        %parallel_loop3A_568 = arith.addi %parallel_loop3A_346, %parallel_loop3A_567 : i32
        %parallel_loop3A_569 = arith.constant 2 : i32
        %parallel_loop3A_570 = arith.index_cast %parallel_loop3A_569 : i32 to index
        %parallel_loop3A_571 = arith.index_cast %parallel_loop3A_568 : i32 to index
        %parallel_loop3A_572 = arith.constant 48 : index
        %parallel_loop3A_573 = tpu.vector_load %arg6[%parallel_loop3A_570, %parallel_loop3A_571, %parallel_loop3A_572] {strides = array<i32>} : memref<5x128x128xf32, #tpu.memory_space<vmem>>, vector<1x1x16xf32>,
        %parallel_loop3A_574 = vector.shape_cast %parallel_loop3A_573 : vector<1x1x16xf32> to vector<16xf32>
        %parallel_loop3A_575 = arith.constant 8.000000e+00 : f32
        %parallel_loop3A_576 = vector.broadcast %parallel_loop3A_575 : f32 to vector<16xf32>
        %parallel_loop3A_577 = arith.mulf %parallel_loop3A_574, %parallel_loop3A_576 : vector<16xf32>
        %parallel_loop3A_578 = arith.constant 2 : i32
        %parallel_loop3A_579 = arith.addi %parallel_loop3A_346, %parallel_loop3A_578 : i32
        %parallel_loop3A_580 = arith.constant 2 : i32
        %parallel_loop3A_581 = arith.index_cast %parallel_loop3A_580 : i32 to index
        %parallel_loop3A_582 = arith.index_cast %parallel_loop3A_579 : i32 to index
        %parallel_loop3A_583 = arith.constant 48 : index
        %parallel_loop3A_584 = tpu.vector_load %arg6[%parallel_loop3A_581, %parallel_loop3A_582, %parallel_loop3A_583] {strides = array<i32>} : memref<5x128x128xf32, #tpu.memory_space<vmem>>, vector<1x1x16xf32>,
        %parallel_loop3A_585 = vector.shape_cast %parallel_loop3A_584 : vector<1x1x16xf32> to vector<16xf32>
        %parallel_loop3A_586 = vector.shape_cast %parallel_loop3A_577 : vector<16xf32> to vector<1x1x16xf32>
        tpu.vector_store %arg6[%parallel_loop3A_581, %parallel_loop3A_582, %parallel_loop3A_583], %parallel_loop3A_586 {strides = array<i32>} : memref<5x128x128xf32, #tpu.memory_space<vmem>>, vector<1x1x16xf32>,
        %parallel_loop3A_587 = arith.constant 3 : i32
        %parallel_loop3A_588 = arith.addi %parallel_loop3A_346, %parallel_loop3A_587 : i32
        %parallel_loop3A_589 = arith.constant 2 : i32
        %parallel_loop3A_590 = arith.index_cast %parallel_loop3A_589 : i32 to index
        %parallel_loop3A_591 = arith.index_cast %parallel_loop3A_588 : i32 to index
        %parallel_loop3A_592 = arith.constant 0 : index
        %parallel_loop3A_593 = tpu.vector_load %arg6[%parallel_loop3A_590, %parallel_loop3A_591, %parallel_loop3A_592] {strides = array<i32>} : memref<5x128x128xf32, #tpu.memory_space<vmem>>, vector<1x1x16xf32>,
        %parallel_loop3A_594 = vector.shape_cast %parallel_loop3A_593 : vector<1x1x16xf32> to vector<16xf32>
        %parallel_loop3A_595 = arith.constant 8.000000e+00 : f32
        %parallel_loop3A_596 = vector.broadcast %parallel_loop3A_595 : f32 to vector<16xf32>
        %parallel_loop3A_597 = arith.mulf %parallel_loop3A_594, %parallel_loop3A_596 : vector<16xf32>
        %parallel_loop3A_598 = arith.constant 3 : i32
        %parallel_loop3A_599 = arith.addi %parallel_loop3A_346, %parallel_loop3A_598 : i32
        %parallel_loop3A_600 = arith.constant 2 : i32
        %parallel_loop3A_601 = arith.index_cast %parallel_loop3A_600 : i32 to index
        %parallel_loop3A_602 = arith.index_cast %parallel_loop3A_599 : i32 to index
        %parallel_loop3A_603 = arith.constant 0 : index
        %parallel_loop3A_604 = tpu.vector_load %arg6[%parallel_loop3A_601, %parallel_loop3A_602, %parallel_loop3A_603] {strides = array<i32>} : memref<5x128x128xf32, #tpu.memory_space<vmem>>, vector<1x1x16xf32>,
        %parallel_loop3A_605 = vector.shape_cast %parallel_loop3A_604 : vector<1x1x16xf32> to vector<16xf32>
        %parallel_loop3A_606 = vector.shape_cast %parallel_loop3A_597 : vector<16xf32> to vector<1x1x16xf32>
        tpu.vector_store %arg6[%parallel_loop3A_601, %parallel_loop3A_602, %parallel_loop3A_603], %parallel_loop3A_606 {strides = array<i32>} : memref<5x128x128xf32, #tpu.memory_space<vmem>>, vector<1x1x16xf32>,
        %parallel_loop3A_607 = arith.constant 3 : i32
        %parallel_loop3A_608 = arith.addi %parallel_loop3A_346, %parallel_loop3A_607 : i32
        %parallel_loop3A_609 = arith.constant 2 : i32
        %parallel_loop3A_610 = arith.index_cast %parallel_loop3A_609 : i32 to index
        %parallel_loop3A_611 = arith.index_cast %parallel_loop3A_608 : i32 to index
        %parallel_loop3A_612 = arith.constant 16 : index
        %parallel_loop3A_613 = tpu.vector_load %arg6[%parallel_loop3A_610, %parallel_loop3A_611, %parallel_loop3A_612] {strides = array<i32>} : memref<5x128x128xf32, #tpu.memory_space<vmem>>, vector<1x1x16xf32>,
        %parallel_loop3A_614 = vector.shape_cast %parallel_loop3A_613 : vector<1x1x16xf32> to vector<16xf32>
        %parallel_loop3A_615 = arith.constant 8.000000e+00 : f32
        %parallel_loop3A_616 = vector.broadcast %parallel_loop3A_615 : f32 to vector<16xf32>
        %parallel_loop3A_617 = arith.mulf %parallel_loop3A_614, %parallel_loop3A_616 : vector<16xf32>
        %parallel_loop3A_618 = arith.constant 3 : i32
        %parallel_loop3A_619 = arith.addi %parallel_loop3A_346, %parallel_loop3A_618 : i32
        %parallel_loop3A_620 = arith.constant 2 : i32
        %parallel_loop3A_621 = arith.index_cast %parallel_loop3A_620 : i32 to index
        %parallel_loop3A_622 = arith.index_cast %parallel_loop3A_619 : i32 to index
        %parallel_loop3A_623 = arith.constant 16 : index
        %parallel_loop3A_624 = tpu.vector_load %arg6[%parallel_loop3A_621, %parallel_loop3A_622, %parallel_loop3A_623] {strides = array<i32>} : memref<5x128x128xf32, #tpu.memory_space<vmem>>, vector<1x1x16xf32>,
        %parallel_loop3A_625 = vector.shape_cast %parallel_loop3A_624 : vector<1x1x16xf32> to vector<16xf32>
        %parallel_loop3A_626 = vector.shape_cast %parallel_loop3A_617 : vector<16xf32> to vector<1x1x16xf32>
        tpu.vector_store %arg6[%parallel_loop3A_621, %parallel_loop3A_622, %parallel_loop3A_623], %parallel_loop3A_626 {strides = array<i32>} : memref<5x128x128xf32, #tpu.memory_space<vmem>>, vector<1x1x16xf32>,
        %parallel_loop3A_627 = arith.constant 3 : i32
        %parallel_loop3A_628 = arith.addi %parallel_loop3A_346, %parallel_loop3A_627 : i32
        %parallel_loop3A_629 = arith.constant 2 : i32
        %parallel_loop3A_630 = arith.index_cast %parallel_loop3A_629 : i32 to index
        %parallel_loop3A_631 = arith.index_cast %parallel_loop3A_628 : i32 to index
        %parallel_loop3A_632 = arith.constant 32 : index
        %parallel_loop3A_633 = tpu.vector_load %arg6[%parallel_loop3A_630, %parallel_loop3A_631, %parallel_loop3A_632] {strides = array<i32>} : memref<5x128x128xf32, #tpu.memory_space<vmem>>, vector<1x1x16xf32>,
        %parallel_loop3A_634 = vector.shape_cast %parallel_loop3A_633 : vector<1x1x16xf32> to vector<16xf32>
        %parallel_loop3A_635 = arith.constant 8.000000e+00 : f32
        %parallel_loop3A_636 = vector.broadcast %parallel_loop3A_635 : f32 to vector<16xf32>
        %parallel_loop3A_637 = arith.mulf %parallel_loop3A_634, %parallel_loop3A_636 : vector<16xf32>
        %parallel_loop3A_638 = arith.constant 3 : i32
        %parallel_loop3A_639 = arith.addi %parallel_loop3A_346, %parallel_loop3A_638 : i32
        %parallel_loop3A_640 = arith.constant 2 : i32
        %parallel_loop3A_641 = arith.index_cast %parallel_loop3A_640 : i32 to index
        %parallel_loop3A_642 = arith.index_cast %parallel_loop3A_639 : i32 to index
        %parallel_loop3A_643 = arith.constant 32 : index
        %parallel_loop3A_644 = tpu.vector_load %arg6[%parallel_loop3A_641, %parallel_loop3A_642, %parallel_loop3A_643] {strides = array<i32>} : memref<5x128x128xf32, #tpu.memory_space<vmem>>, vector<1x1x16xf32>,
        %parallel_loop3A_645 = vector.shape_cast %parallel_loop3A_644 : vector<1x1x16xf32> to vector<16xf32>
        %parallel_loop3A_646 = vector.shape_cast %parallel_loop3A_637 : vector<16xf32> to vector<1x1x16xf32>
        tpu.vector_store %arg6[%parallel_loop3A_641, %parallel_loop3A_642, %parallel_loop3A_643], %parallel_loop3A_646 {strides = array<i32>} : memref<5x128x128xf32, #tpu.memory_space<vmem>>, vector<1x1x16xf32>,
        %parallel_loop3A_647 = arith.constant 3 : i32
        %parallel_loop3A_648 = arith.addi %parallel_loop3A_346, %parallel_loop3A_647 : i32
        %parallel_loop3A_649 = arith.constant 2 : i32
        %parallel_loop3A_650 = arith.index_cast %parallel_loop3A_649 : i32 to index
        %parallel_loop3A_651 = arith.index_cast %parallel_loop3A_648 : i32 to index
        %parallel_loop3A_652 = arith.constant 48 : index
        %parallel_loop3A_653 = tpu.vector_load %arg6[%parallel_loop3A_650, %parallel_loop3A_651, %parallel_loop3A_652] {strides = array<i32>} : memref<5x128x128xf32, #tpu.memory_space<vmem>>, vector<1x1x16xf32>,
        %parallel_loop3A_654 = vector.shape_cast %parallel_loop3A_653 : vector<1x1x16xf32> to vector<16xf32>
        %parallel_loop3A_655 = arith.constant 8.000000e+00 : f32
        %parallel_loop3A_656 = vector.broadcast %parallel_loop3A_655 : f32 to vector<16xf32>
        %parallel_loop3A_657 = arith.mulf %parallel_loop3A_654, %parallel_loop3A_656 : vector<16xf32>
        %parallel_loop3A_658 = arith.constant 3 : i32
        %parallel_loop3A_659 = arith.addi %parallel_loop3A_346, %parallel_loop3A_658 : i32
        %parallel_loop3A_660 = arith.constant 2 : i32
        %parallel_loop3A_661 = arith.index_cast %parallel_loop3A_660 : i32 to index
        %parallel_loop3A_662 = arith.index_cast %parallel_loop3A_659 : i32 to index
        %parallel_loop3A_663 = arith.constant 48 : index
        %parallel_loop3A_664 = tpu.vector_load %arg6[%parallel_loop3A_661, %parallel_loop3A_662, %parallel_loop3A_663] {strides = array<i32>} : memref<5x128x128xf32, #tpu.memory_space<vmem>>, vector<1x1x16xf32>,
        %parallel_loop3A_665 = vector.shape_cast %parallel_loop3A_664 : vector<1x1x16xf32> to vector<16xf32>
        %parallel_loop3A_666 = vector.shape_cast %parallel_loop3A_657 : vector<16xf32> to vector<1x1x16xf32>
        tpu.vector_store %arg6[%parallel_loop3A_661, %parallel_loop3A_662, %parallel_loop3A_663], %parallel_loop3A_666 {strides = array<i32>} : memref<5x128x128xf32, #tpu.memory_space<vmem>>, vector<1x1x16xf32>,
      } {sc.loop_unroll_factor = 2 : i64, sc.parallel_access}
      %mul3A_244 = arith.constant 128 : i32
      %mul3A_245 = arith.muli %add3A_218, %mul3A_244 : i32
      %add3A_246 = arith.addi %mul3A_4, %mul3A_245 : i32
      %dma_start3A_247 = arith.constant 2 : i32
      %dma_start3A_248 = arith.constant 0 : i32
      %dma_start3A_249 = arith.constant 0 : i32
      %dma_start3A_250 = tpu.memref_slice %arg6[%dma_start3A_247, %dma_start3A_248, %dma_start3A_249] : memref<5x128x128xf32, #tpu.memory_space<vmem>> -> memref<1x128x128xf32, #tpu.memory_space<vmem>>
      %dma_start3A_251 = tpu.memref_squeeze %dma_start3A_250 : memref<1x128x128xf32, #tpu.memory_space<vmem>> -> memref<128x128xf32, #tpu.memory_space<vmem>>
      %dma_start3A_252 = arith.constant 0 : i32
      %dma_start3A_253 = tpu.memref_slice %arg4[%add3A_246, %dma_start3A_252] : memref<819200x128xf32, #tpu.memory_space<hbm>> -> memref<128x128xf32, #tpu.memory_space<hbm>>
      %dma_start3A_254 = arith.constant 0 : i32
      %dma_start3A_255 = tpu.memref_slice %arg4[%add3A_246, %dma_start3A_254] : memref<819200x128xf32, #tpu.memory_space<hbm>> -> memref<128x128xf32, #tpu.memory_space<hbm>>
      %dma_start3A_256 = arith.constant 0 : i32
      %dma_start3A_257 = arith.constant 0 : i32
      %dma_start3A_258 = tpu.memref_slice %arg6[%dma_start3A_247, %dma_start3A_256, %dma_start3A_257] : memref<5x128x128xf32, #tpu.memory_space<vmem>> -> memref<1x128x128xf32, #tpu.memory_space<vmem>>
      %dma_start3A_259 = tpu.memref_squeeze %dma_start3A_258 : memref<1x128x128xf32, #tpu.memory_space<vmem>> -> memref<128x128xf32, #tpu.memory_space<vmem>>
      tpu.enqueue_dma source(%dma_start3A_259 : memref<128x128xf32, #tpu.memory_space<vmem>>) target(%dma_start3A_255 : memref<128x128xf32, #tpu.memory_space<hbm>>) target_semaphore(%arg14 : memref<!tpu.dma_semaphore, #tpu.memory_space<semaphore_mem>>)
      %add3A_260 = arith.constant 3 : i32
      %add3A_261 = arith.addi %add3A_134, %add3A_260 : i32
      %add3A_262 = arith.constant 4 : i32
      %add3A_263 = arith.addi %add3A_261, %add3A_262 : i32
      %lt3A_264 = arith.constant 200 : i32
      %lt3A_265 = arith.cmpi slt, %add3A_263, %lt3A_264 : i32
      %convert_element_type3A_266 = arith.extui %lt3A_265 : i1 to i32
      %cond3A_267 = arith.constant 0 : i32
      %cond3A_268 = arith.cmpi ne, %convert_element_type3A_266, %cond3A_267 : i32
      scf.if %cond3A_268 {
        %ge3A = arith.constant 1 : i32
        %ge3A_346 = arith.cmpi sge, %add3A_261, %ge3A : i32
        %convert_element_type3A_347 = arith.extui %ge3A_346 : i1 to i32
        %cond3A_348 = arith.constant 0 : i32
        %cond3A_349 = arith.cmpi ne, %convert_element_type3A_347, %cond3A_348 : i32
        scf.if %cond3A_349 {
          %dma_wait3A_365 = arith.constant 2 : i32
          %dma_wait3A_366 = arith.constant 0 : i32
          %dma_wait3A_367 = arith.constant 0 : i32
          %dma_wait3A_368 = tpu.memref_slice %arg6[%dma_wait3A_365, %dma_wait3A_366, %dma_wait3A_367] : memref<5x128x128xf32, #tpu.memory_space<vmem>> -> memref<1x128x128xf32, #tpu.memory_space<vmem>>
          %dma_wait3A_369 = tpu.memref_squeeze %dma_wait3A_368 : memref<1x128x128xf32, #tpu.memory_space<vmem>> -> memref<128x128xf32, #tpu.memory_space<vmem>>
          %dma_wait3A_370 = arith.constant 0 : i32
          %dma_wait3A_371 = arith.constant 0 : i32
          %dma_wait3A_372 = tpu.memref_slice %arg4[%dma_wait3A_370, %dma_wait3A_371] : memref<819200x128xf32, #tpu.memory_space<hbm>> -> memref<128x128xf32, #tpu.memory_space<hbm>>
          %dma_wait3A_373 = arith.constant 0 : i32
          %dma_wait3A_374 = arith.constant 0 : i32
          %dma_wait3A_375 = tpu.memref_slice %arg4[%dma_wait3A_373, %dma_wait3A_374] : memref<819200x128xf32, #tpu.memory_space<hbm>> -> memref<128x128xf32, #tpu.memory_space<hbm>>
          %dma_wait3A_376 = arith.constant 0 : i32
          %dma_wait3A_377 = arith.constant 0 : i32
          %dma_wait3A_378 = tpu.memref_slice %arg6[%dma_wait3A_365, %dma_wait3A_376, %dma_wait3A_377] : memref<5x128x128xf32, #tpu.memory_space<vmem>> -> memref<1x128x128xf32, #tpu.memory_space<vmem>>
          %dma_wait3A_379 = tpu.memref_squeeze %dma_wait3A_378 : memref<1x128x128xf32, #tpu.memory_space<vmem>> -> memref<128x128xf32, #tpu.memory_space<vmem>>
          tpu.wait_dma2 semaphore(%arg14 : memref<!tpu.dma_semaphore, #tpu.memory_space<semaphore_mem>>) src(%dma_wait3A_379 : memref<128x128xf32, #tpu.memory_space<vmem>>) dst(%dma_wait3A_375 : memref<128x128xf32, #tpu.memory_space<hbm>>)
        } else {
        }
        %mul3A_350 = arith.constant 1 : i32
        %mul3A_351 = arith.muli %add3A_263, %mul3A_350 : i32
        %add3A_352 = arith.constant 0 : i32
        %add3A_353 = arith.addi %mul3A_351, %add3A_352 : i32
        %dma_start3A_354 = arith.constant 2 : i32
        %dma_start3A_355 = arith.constant 0 : i32
        %dma_start3A_356 = arith.constant 0 : i32
        %dma_start3A_357 = tpu.memref_slice %arg6[%dma_start3A_354, %dma_start3A_355, %dma_start3A_356] : memref<5x128x128xf32, #tpu.memory_space<vmem>> -> memref<1x128x128xf32, #tpu.memory_space<vmem>>
        %dma_start3A_358 = tpu.memref_squeeze %dma_start3A_357 : memref<1x128x128xf32, #tpu.memory_space<vmem>> -> memref<128x128xf32, #tpu.memory_space<vmem>>
        %dma_start3A_359 = arith.constant 0 : i32
        %dma_start3A_360 = tpu.memref_slice %arg5[%add3A_353, %dma_start3A_359] : memref<200x128xi32, #tpu.memory_space<vmem>> -> memref<1x128xi32, #tpu.memory_space<vmem>>
        %dma_start3A_361 = tpu.memref_squeeze %dma_start3A_360 : memref<1x128xi32, #tpu.memory_space<vmem>> -> memref<128xi32, #tpu.memory_space<vmem>>
        %dma_start3A_362 = arith.constant 0 : i32
        %dma_start3A_363 = arith.constant 0 : i32
        %dma_start3A_364 = tpu.memref_slice %arg3[%dma_start3A_362, %dma_start3A_363] : memref<1000000x128xf32, #tpu.memory_space<hbm>> -> memref<1000000x128xf32, #tpu.memory_space<hbm>>
        tpu.enqueue_indirect_dma source(%dma_start3A_364 : memref<1000000x128xf32, #tpu.memory_space<hbm>>) target(%dma_start3A_358 : memref<128x128xf32, #tpu.memory_space<vmem>>) offsets(%dma_start3A_361 : memref<128xi32, #tpu.memory_space<vmem>>) semaphore(%arg9 : memref<!tpu.dma_semaphore, #tpu.memory_space<semaphore_mem>>)
      } else {
      }
      %dma_wait3A_269 = arith.constant 3 : i32
      %dma_wait3A_270 = arith.constant 0 : i32
      %dma_wait3A_271 = arith.constant 0 : i32
      %dma_wait3A_272 = tpu.memref_slice %arg6[%dma_wait3A_269, %dma_wait3A_270, %dma_wait3A_271] : memref<5x128x128xf32, #tpu.memory_space<vmem>> -> memref<1x128x128xf32, #tpu.memory_space<vmem>>
      %dma_wait3A_273 = tpu.memref_squeeze %dma_wait3A_272 : memref<1x128x128xf32, #tpu.memory_space<vmem>> -> memref<128x128xf32, #tpu.memory_space<vmem>>
      %dma_wait3A_274 = arith.constant 0 : i32
      %dma_wait3A_275 = arith.constant 0 : i32
      %dma_wait3A_276 = tpu.memref_slice %arg3[%dma_wait3A_274, %dma_wait3A_275] : memref<1000000x128xf32, #tpu.memory_space<hbm>> -> memref<128x128xf32, #tpu.memory_space<hbm>>
      %dma_wait3A_277 = arith.constant 0 : i32
      %dma_wait3A_278 = arith.constant 0 : i32
      %dma_wait3A_279 = tpu.memref_slice %arg6[%dma_wait3A_269, %dma_wait3A_277, %dma_wait3A_278] : memref<5x128x128xf32, #tpu.memory_space<vmem>> -> memref<1x128x128xf32, #tpu.memory_space<vmem>>
      %dma_wait3A_280 = tpu.memref_squeeze %dma_wait3A_279 : memref<1x128x128xf32, #tpu.memory_space<vmem>> -> memref<128x128xf32, #tpu.memory_space<vmem>>
      %dma_wait3A_281 = arith.constant 0 : i32
      %dma_wait3A_282 = arith.constant 0 : i32
      %dma_wait3A_283 = tpu.memref_slice %arg3[%dma_wait3A_281, %dma_wait3A_282] : memref<1000000x128xf32, #tpu.memory_space<hbm>> -> memref<128x128xf32, #tpu.memory_space<hbm>>
      tpu.wait_dma2 semaphore(%arg10 : memref<!tpu.dma_semaphore, #tpu.memory_space<semaphore_mem>>) src(%dma_wait3A_283 : memref<128x128xf32, #tpu.memory_space<hbm>>) dst(%dma_wait3A_280 : memref<128x128xf32, #tpu.memory_space<vmem>>)
      %parallel_loop3A_284 = arith.constant 0 : i32
      %parallel_loop3A_285 = arith.constant 128 : i32
      %parallel_loop3A_286 = arith.constant 4 : i32
      scf.for %parallel_loop3A_346 = %parallel_loop3A_284 to %parallel_loop3A_285 step %parallel_loop3A_286  : i32 {
        %parallel_loop3A_347 = arith.constant 0 : i32
        %parallel_loop3A_348 = arith.addi %parallel_loop3A_346, %parallel_loop3A_347 : i32
        %parallel_loop3A_349 = arith.constant 3 : i32
        %parallel_loop3A_350 = arith.index_cast %parallel_loop3A_349 : i32 to index
        %parallel_loop3A_351 = arith.index_cast %parallel_loop3A_348 : i32 to index
        %parallel_loop3A_352 = arith.constant 0 : index
        %parallel_loop3A_353 = tpu.vector_load %arg6[%parallel_loop3A_350, %parallel_loop3A_351, %parallel_loop3A_352] {strides = array<i32>} : memref<5x128x128xf32, #tpu.memory_space<vmem>>, vector<1x1x16xf32>,
        %parallel_loop3A_354 = vector.shape_cast %parallel_loop3A_353 : vector<1x1x16xf32> to vector<16xf32>
        %parallel_loop3A_355 = arith.constant 8.000000e+00 : f32
        %parallel_loop3A_356 = vector.broadcast %parallel_loop3A_355 : f32 to vector<16xf32>
        %parallel_loop3A_357 = arith.mulf %parallel_loop3A_354, %parallel_loop3A_356 : vector<16xf32>
        %parallel_loop3A_358 = arith.constant 0 : i32
        %parallel_loop3A_359 = arith.addi %parallel_loop3A_346, %parallel_loop3A_358 : i32
        %parallel_loop3A_360 = arith.constant 3 : i32
        %parallel_loop3A_361 = arith.index_cast %parallel_loop3A_360 : i32 to index
        %parallel_loop3A_362 = arith.index_cast %parallel_loop3A_359 : i32 to index
        %parallel_loop3A_363 = arith.constant 0 : index
        %parallel_loop3A_364 = tpu.vector_load %arg6[%parallel_loop3A_361, %parallel_loop3A_362, %parallel_loop3A_363] {strides = array<i32>} : memref<5x128x128xf32, #tpu.memory_space<vmem>>, vector<1x1x16xf32>,
        %parallel_loop3A_365 = vector.shape_cast %parallel_loop3A_364 : vector<1x1x16xf32> to vector<16xf32>
        %parallel_loop3A_366 = vector.shape_cast %parallel_loop3A_357 : vector<16xf32> to vector<1x1x16xf32>
        tpu.vector_store %arg6[%parallel_loop3A_361, %parallel_loop3A_362, %parallel_loop3A_363], %parallel_loop3A_366 {strides = array<i32>} : memref<5x128x128xf32, #tpu.memory_space<vmem>>, vector<1x1x16xf32>,
        %parallel_loop3A_367 = arith.constant 0 : i32
        %parallel_loop3A_368 = arith.addi %parallel_loop3A_346, %parallel_loop3A_367 : i32
        %parallel_loop3A_369 = arith.constant 3 : i32
        %parallel_loop3A_370 = arith.index_cast %parallel_loop3A_369 : i32 to index
        %parallel_loop3A_371 = arith.index_cast %parallel_loop3A_368 : i32 to index
        %parallel_loop3A_372 = arith.constant 16 : index
        %parallel_loop3A_373 = tpu.vector_load %arg6[%parallel_loop3A_370, %parallel_loop3A_371, %parallel_loop3A_372] {strides = array<i32>} : memref<5x128x128xf32, #tpu.memory_space<vmem>>, vector<1x1x16xf32>,
        %parallel_loop3A_374 = vector.shape_cast %parallel_loop3A_373 : vector<1x1x16xf32> to vector<16xf32>
        %parallel_loop3A_375 = arith.constant 8.000000e+00 : f32
        %parallel_loop3A_376 = vector.broadcast %parallel_loop3A_375 : f32 to vector<16xf32>
        %parallel_loop3A_377 = arith.mulf %parallel_loop3A_374, %parallel_loop3A_376 : vector<16xf32>
        %parallel_loop3A_378 = arith.constant 0 : i32
        %parallel_loop3A_379 = arith.addi %parallel_loop3A_346, %parallel_loop3A_378 : i32
        %parallel_loop3A_380 = arith.constant 3 : i32
        %parallel_loop3A_381 = arith.index_cast %parallel_loop3A_380 : i32 to index
        %parallel_loop3A_382 = arith.index_cast %parallel_loop3A_379 : i32 to index
        %parallel_loop3A_383 = arith.constant 16 : index
        %parallel_loop3A_384 = tpu.vector_load %arg6[%parallel_loop3A_381, %parallel_loop3A_382, %parallel_loop3A_383] {strides = array<i32>} : memref<5x128x128xf32, #tpu.memory_space<vmem>>, vector<1x1x16xf32>,
        %parallel_loop3A_385 = vector.shape_cast %parallel_loop3A_384 : vector<1x1x16xf32> to vector<16xf32>
        %parallel_loop3A_386 = vector.shape_cast %parallel_loop3A_377 : vector<16xf32> to vector<1x1x16xf32>
        tpu.vector_store %arg6[%parallel_loop3A_381, %parallel_loop3A_382, %parallel_loop3A_383], %parallel_loop3A_386 {strides = array<i32>} : memref<5x128x128xf32, #tpu.memory_space<vmem>>, vector<1x1x16xf32>,
        %parallel_loop3A_387 = arith.constant 0 : i32
        %parallel_loop3A_388 = arith.addi %parallel_loop3A_346, %parallel_loop3A_387 : i32
        %parallel_loop3A_389 = arith.constant 3 : i32
        %parallel_loop3A_390 = arith.index_cast %parallel_loop3A_389 : i32 to index
        %parallel_loop3A_391 = arith.index_cast %parallel_loop3A_388 : i32 to index
        %parallel_loop3A_392 = arith.constant 32 : index
        %parallel_loop3A_393 = tpu.vector_load %arg6[%parallel_loop3A_390, %parallel_loop3A_391, %parallel_loop3A_392] {strides = array<i32>} : memref<5x128x128xf32, #tpu.memory_space<vmem>>, vector<1x1x16xf32>,
        %parallel_loop3A_394 = vector.shape_cast %parallel_loop3A_393 : vector<1x1x16xf32> to vector<16xf32>
        %parallel_loop3A_395 = arith.constant 8.000000e+00 : f32
        %parallel_loop3A_396 = vector.broadcast %parallel_loop3A_395 : f32 to vector<16xf32>
        %parallel_loop3A_397 = arith.mulf %parallel_loop3A_394, %parallel_loop3A_396 : vector<16xf32>
        %parallel_loop3A_398 = arith.constant 0 : i32
        %parallel_loop3A_399 = arith.addi %parallel_loop3A_346, %parallel_loop3A_398 : i32
        %parallel_loop3A_400 = arith.constant 3 : i32
        %parallel_loop3A_401 = arith.index_cast %parallel_loop3A_400 : i32 to index
        %parallel_loop3A_402 = arith.index_cast %parallel_loop3A_399 : i32 to index
        %parallel_loop3A_403 = arith.constant 32 : index
        %parallel_loop3A_404 = tpu.vector_load %arg6[%parallel_loop3A_401, %parallel_loop3A_402, %parallel_loop3A_403] {strides = array<i32>} : memref<5x128x128xf32, #tpu.memory_space<vmem>>, vector<1x1x16xf32>,
        %parallel_loop3A_405 = vector.shape_cast %parallel_loop3A_404 : vector<1x1x16xf32> to vector<16xf32>
        %parallel_loop3A_406 = vector.shape_cast %parallel_loop3A_397 : vector<16xf32> to vector<1x1x16xf32>
        tpu.vector_store %arg6[%parallel_loop3A_401, %parallel_loop3A_402, %parallel_loop3A_403], %parallel_loop3A_406 {strides = array<i32>} : memref<5x128x128xf32, #tpu.memory_space<vmem>>, vector<1x1x16xf32>,
        %parallel_loop3A_407 = arith.constant 0 : i32
        %parallel_loop3A_408 = arith.addi %parallel_loop3A_346, %parallel_loop3A_407 : i32
        %parallel_loop3A_409 = arith.constant 3 : i32
        %parallel_loop3A_410 = arith.index_cast %parallel_loop3A_409 : i32 to index
        %parallel_loop3A_411 = arith.index_cast %parallel_loop3A_408 : i32 to index
        %parallel_loop3A_412 = arith.constant 48 : index
        %parallel_loop3A_413 = tpu.vector_load %arg6[%parallel_loop3A_410, %parallel_loop3A_411, %parallel_loop3A_412] {strides = array<i32>} : memref<5x128x128xf32, #tpu.memory_space<vmem>>, vector<1x1x16xf32>,
        %parallel_loop3A_414 = vector.shape_cast %parallel_loop3A_413 : vector<1x1x16xf32> to vector<16xf32>
        %parallel_loop3A_415 = arith.constant 8.000000e+00 : f32
        %parallel_loop3A_416 = vector.broadcast %parallel_loop3A_415 : f32 to vector<16xf32>
        %parallel_loop3A_417 = arith.mulf %parallel_loop3A_414, %parallel_loop3A_416 : vector<16xf32>
        %parallel_loop3A_418 = arith.constant 0 : i32
        %parallel_loop3A_419 = arith.addi %parallel_loop3A_346, %parallel_loop3A_418 : i32
        %parallel_loop3A_420 = arith.constant 3 : i32
        %parallel_loop3A_421 = arith.index_cast %parallel_loop3A_420 : i32 to index
        %parallel_loop3A_422 = arith.index_cast %parallel_loop3A_419 : i32 to index
        %parallel_loop3A_423 = arith.constant 48 : index
        %parallel_loop3A_424 = tpu.vector_load %arg6[%parallel_loop3A_421, %parallel_loop3A_422, %parallel_loop3A_423] {strides = array<i32>} : memref<5x128x128xf32, #tpu.memory_space<vmem>>, vector<1x1x16xf32>,
        %parallel_loop3A_425 = vector.shape_cast %parallel_loop3A_424 : vector<1x1x16xf32> to vector<16xf32>
        %parallel_loop3A_426 = vector.shape_cast %parallel_loop3A_417 : vector<16xf32> to vector<1x1x16xf32>
        tpu.vector_store %arg6[%parallel_loop3A_421, %parallel_loop3A_422, %parallel_loop3A_423], %parallel_loop3A_426 {strides = array<i32>} : memref<5x128x128xf32, #tpu.memory_space<vmem>>, vector<1x1x16xf32>,
        %parallel_loop3A_427 = arith.constant 1 : i32
        %parallel_loop3A_428 = arith.addi %parallel_loop3A_346, %parallel_loop3A_427 : i32
        %parallel_loop3A_429 = arith.constant 3 : i32
        %parallel_loop3A_430 = arith.index_cast %parallel_loop3A_429 : i32 to index
        %parallel_loop3A_431 = arith.index_cast %parallel_loop3A_428 : i32 to index
        %parallel_loop3A_432 = arith.constant 0 : index
        %parallel_loop3A_433 = tpu.vector_load %arg6[%parallel_loop3A_430, %parallel_loop3A_431, %parallel_loop3A_432] {strides = array<i32>} : memref<5x128x128xf32, #tpu.memory_space<vmem>>, vector<1x1x16xf32>,
        %parallel_loop3A_434 = vector.shape_cast %parallel_loop3A_433 : vector<1x1x16xf32> to vector<16xf32>
        %parallel_loop3A_435 = arith.constant 8.000000e+00 : f32
        %parallel_loop3A_436 = vector.broadcast %parallel_loop3A_435 : f32 to vector<16xf32>
        %parallel_loop3A_437 = arith.mulf %parallel_loop3A_434, %parallel_loop3A_436 : vector<16xf32>
        %parallel_loop3A_438 = arith.constant 1 : i32
        %parallel_loop3A_439 = arith.addi %parallel_loop3A_346, %parallel_loop3A_438 : i32
        %parallel_loop3A_440 = arith.constant 3 : i32
        %parallel_loop3A_441 = arith.index_cast %parallel_loop3A_440 : i32 to index
        %parallel_loop3A_442 = arith.index_cast %parallel_loop3A_439 : i32 to index
        %parallel_loop3A_443 = arith.constant 0 : index
        %parallel_loop3A_444 = tpu.vector_load %arg6[%parallel_loop3A_441, %parallel_loop3A_442, %parallel_loop3A_443] {strides = array<i32>} : memref<5x128x128xf32, #tpu.memory_space<vmem>>, vector<1x1x16xf32>,
        %parallel_loop3A_445 = vector.shape_cast %parallel_loop3A_444 : vector<1x1x16xf32> to vector<16xf32>
        %parallel_loop3A_446 = vector.shape_cast %parallel_loop3A_437 : vector<16xf32> to vector<1x1x16xf32>
        tpu.vector_store %arg6[%parallel_loop3A_441, %parallel_loop3A_442, %parallel_loop3A_443], %parallel_loop3A_446 {strides = array<i32>} : memref<5x128x128xf32, #tpu.memory_space<vmem>>, vector<1x1x16xf32>,
        %parallel_loop3A_447 = arith.constant 1 : i32
        %parallel_loop3A_448 = arith.addi %parallel_loop3A_346, %parallel_loop3A_447 : i32
        %parallel_loop3A_449 = arith.constant 3 : i32
        %parallel_loop3A_450 = arith.index_cast %parallel_loop3A_449 : i32 to index
        %parallel_loop3A_451 = arith.index_cast %parallel_loop3A_448 : i32 to index
        %parallel_loop3A_452 = arith.constant 16 : index
        %parallel_loop3A_453 = tpu.vector_load %arg6[%parallel_loop3A_450, %parallel_loop3A_451, %parallel_loop3A_452] {strides = array<i32>} : memref<5x128x128xf32, #tpu.memory_space<vmem>>, vector<1x1x16xf32>,
        %parallel_loop3A_454 = vector.shape_cast %parallel_loop3A_453 : vector<1x1x16xf32> to vector<16xf32>
        %parallel_loop3A_455 = arith.constant 8.000000e+00 : f32
        %parallel_loop3A_456 = vector.broadcast %parallel_loop3A_455 : f32 to vector<16xf32>
        %parallel_loop3A_457 = arith.mulf %parallel_loop3A_454, %parallel_loop3A_456 : vector<16xf32>
        %parallel_loop3A_458 = arith.constant 1 : i32
        %parallel_loop3A_459 = arith.addi %parallel_loop3A_346, %parallel_loop3A_458 : i32
        %parallel_loop3A_460 = arith.constant 3 : i32
        %parallel_loop3A_461 = arith.index_cast %parallel_loop3A_460 : i32 to index
        %parallel_loop3A_462 = arith.index_cast %parallel_loop3A_459 : i32 to index
        %parallel_loop3A_463 = arith.constant 16 : index
        %parallel_loop3A_464 = tpu.vector_load %arg6[%parallel_loop3A_461, %parallel_loop3A_462, %parallel_loop3A_463] {strides = array<i32>} : memref<5x128x128xf32, #tpu.memory_space<vmem>>, vector<1x1x16xf32>,
        %parallel_loop3A_465 = vector.shape_cast %parallel_loop3A_464 : vector<1x1x16xf32> to vector<16xf32>
        %parallel_loop3A_466 = vector.shape_cast %parallel_loop3A_457 : vector<16xf32> to vector<1x1x16xf32>
        tpu.vector_store %arg6[%parallel_loop3A_461, %parallel_loop3A_462, %parallel_loop3A_463], %parallel_loop3A_466 {strides = array<i32>} : memref<5x128x128xf32, #tpu.memory_space<vmem>>, vector<1x1x16xf32>,
        %parallel_loop3A_467 = arith.constant 1 : i32
        %parallel_loop3A_468 = arith.addi %parallel_loop3A_346, %parallel_loop3A_467 : i32
        %parallel_loop3A_469 = arith.constant 3 : i32
        %parallel_loop3A_470 = arith.index_cast %parallel_loop3A_469 : i32 to index
        %parallel_loop3A_471 = arith.index_cast %parallel_loop3A_468 : i32 to index
        %parallel_loop3A_472 = arith.constant 32 : index
        %parallel_loop3A_473 = tpu.vector_load %arg6[%parallel_loop3A_470, %parallel_loop3A_471, %parallel_loop3A_472] {strides = array<i32>} : memref<5x128x128xf32, #tpu.memory_space<vmem>>, vector<1x1x16xf32>,
        %parallel_loop3A_474 = vector.shape_cast %parallel_loop3A_473 : vector<1x1x16xf32> to vector<16xf32>
        %parallel_loop3A_475 = arith.constant 8.000000e+00 : f32
        %parallel_loop3A_476 = vector.broadcast %parallel_loop3A_475 : f32 to vector<16xf32>
        %parallel_loop3A_477 = arith.mulf %parallel_loop3A_474, %parallel_loop3A_476 : vector<16xf32>
        %parallel_loop3A_478 = arith.constant 1 : i32
        %parallel_loop3A_479 = arith.addi %parallel_loop3A_346, %parallel_loop3A_478 : i32
        %parallel_loop3A_480 = arith.constant 3 : i32
        %parallel_loop3A_481 = arith.index_cast %parallel_loop3A_480 : i32 to index
        %parallel_loop3A_482 = arith.index_cast %parallel_loop3A_479 : i32 to index
        %parallel_loop3A_483 = arith.constant 32 : index
        %parallel_loop3A_484 = tpu.vector_load %arg6[%parallel_loop3A_481, %parallel_loop3A_482, %parallel_loop3A_483] {strides = array<i32>} : memref<5x128x128xf32, #tpu.memory_space<vmem>>, vector<1x1x16xf32>,
        %parallel_loop3A_485 = vector.shape_cast %parallel_loop3A_484 : vector<1x1x16xf32> to vector<16xf32>
        %parallel_loop3A_486 = vector.shape_cast %parallel_loop3A_477 : vector<16xf32> to vector<1x1x16xf32>
        tpu.vector_store %arg6[%parallel_loop3A_481, %parallel_loop3A_482, %parallel_loop3A_483], %parallel_loop3A_486 {strides = array<i32>} : memref<5x128x128xf32, #tpu.memory_space<vmem>>, vector<1x1x16xf32>,
        %parallel_loop3A_487 = arith.constant 1 : i32
        %parallel_loop3A_488 = arith.addi %parallel_loop3A_346, %parallel_loop3A_487 : i32
        %parallel_loop3A_489 = arith.constant 3 : i32
        %parallel_loop3A_490 = arith.index_cast %parallel_loop3A_489 : i32 to index
        %parallel_loop3A_491 = arith.index_cast %parallel_loop3A_488 : i32 to index
        %parallel_loop3A_492 = arith.constant 48 : index
        %parallel_loop3A_493 = tpu.vector_load %arg6[%parallel_loop3A_490, %parallel_loop3A_491, %parallel_loop3A_492] {strides = array<i32>} : memref<5x128x128xf32, #tpu.memory_space<vmem>>, vector<1x1x16xf32>,
        %parallel_loop3A_494 = vector.shape_cast %parallel_loop3A_493 : vector<1x1x16xf32> to vector<16xf32>
        %parallel_loop3A_495 = arith.constant 8.000000e+00 : f32
        %parallel_loop3A_496 = vector.broadcast %parallel_loop3A_495 : f32 to vector<16xf32>
        %parallel_loop3A_497 = arith.mulf %parallel_loop3A_494, %parallel_loop3A_496 : vector<16xf32>
        %parallel_loop3A_498 = arith.constant 1 : i32
        %parallel_loop3A_499 = arith.addi %parallel_loop3A_346, %parallel_loop3A_498 : i32
        %parallel_loop3A_500 = arith.constant 3 : i32
        %parallel_loop3A_501 = arith.index_cast %parallel_loop3A_500 : i32 to index
        %parallel_loop3A_502 = arith.index_cast %parallel_loop3A_499 : i32 to index
        %parallel_loop3A_503 = arith.constant 48 : index
        %parallel_loop3A_504 = tpu.vector_load %arg6[%parallel_loop3A_501, %parallel_loop3A_502, %parallel_loop3A_503] {strides = array<i32>} : memref<5x128x128xf32, #tpu.memory_space<vmem>>, vector<1x1x16xf32>,
        %parallel_loop3A_505 = vector.shape_cast %parallel_loop3A_504 : vector<1x1x16xf32> to vector<16xf32>
        %parallel_loop3A_506 = vector.shape_cast %parallel_loop3A_497 : vector<16xf32> to vector<1x1x16xf32>
        tpu.vector_store %arg6[%parallel_loop3A_501, %parallel_loop3A_502, %parallel_loop3A_503], %parallel_loop3A_506 {strides = array<i32>} : memref<5x128x128xf32, #tpu.memory_space<vmem>>, vector<1x1x16xf32>,
        %parallel_loop3A_507 = arith.constant 2 : i32
        %parallel_loop3A_508 = arith.addi %parallel_loop3A_346, %parallel_loop3A_507 : i32
        %parallel_loop3A_509 = arith.constant 3 : i32
        %parallel_loop3A_510 = arith.index_cast %parallel_loop3A_509 : i32 to index
        %parallel_loop3A_511 = arith.index_cast %parallel_loop3A_508 : i32 to index
        %parallel_loop3A_512 = arith.constant 0 : index
        %parallel_loop3A_513 = tpu.vector_load %arg6[%parallel_loop3A_510, %parallel_loop3A_511, %parallel_loop3A_512] {strides = array<i32>} : memref<5x128x128xf32, #tpu.memory_space<vmem>>, vector<1x1x16xf32>,
        %parallel_loop3A_514 = vector.shape_cast %parallel_loop3A_513 : vector<1x1x16xf32> to vector<16xf32>
        %parallel_loop3A_515 = arith.constant 8.000000e+00 : f32
        %parallel_loop3A_516 = vector.broadcast %parallel_loop3A_515 : f32 to vector<16xf32>
        %parallel_loop3A_517 = arith.mulf %parallel_loop3A_514, %parallel_loop3A_516 : vector<16xf32>
        %parallel_loop3A_518 = arith.constant 2 : i32
        %parallel_loop3A_519 = arith.addi %parallel_loop3A_346, %parallel_loop3A_518 : i32
        %parallel_loop3A_520 = arith.constant 3 : i32
        %parallel_loop3A_521 = arith.index_cast %parallel_loop3A_520 : i32 to index
        %parallel_loop3A_522 = arith.index_cast %parallel_loop3A_519 : i32 to index
        %parallel_loop3A_523 = arith.constant 0 : index
        %parallel_loop3A_524 = tpu.vector_load %arg6[%parallel_loop3A_521, %parallel_loop3A_522, %parallel_loop3A_523] {strides = array<i32>} : memref<5x128x128xf32, #tpu.memory_space<vmem>>, vector<1x1x16xf32>,
        %parallel_loop3A_525 = vector.shape_cast %parallel_loop3A_524 : vector<1x1x16xf32> to vector<16xf32>
        %parallel_loop3A_526 = vector.shape_cast %parallel_loop3A_517 : vector<16xf32> to vector<1x1x16xf32>
        tpu.vector_store %arg6[%parallel_loop3A_521, %parallel_loop3A_522, %parallel_loop3A_523], %parallel_loop3A_526 {strides = array<i32>} : memref<5x128x128xf32, #tpu.memory_space<vmem>>, vector<1x1x16xf32>,
        %parallel_loop3A_527 = arith.constant 2 : i32
        %parallel_loop3A_528 = arith.addi %parallel_loop3A_346, %parallel_loop3A_527 : i32
        %parallel_loop3A_529 = arith.constant 3 : i32
        %parallel_loop3A_530 = arith.index_cast %parallel_loop3A_529 : i32 to index
        %parallel_loop3A_531 = arith.index_cast %parallel_loop3A_528 : i32 to index
        %parallel_loop3A_532 = arith.constant 16 : index
        %parallel_loop3A_533 = tpu.vector_load %arg6[%parallel_loop3A_530, %parallel_loop3A_531, %parallel_loop3A_532] {strides = array<i32>} : memref<5x128x128xf32, #tpu.memory_space<vmem>>, vector<1x1x16xf32>,
        %parallel_loop3A_534 = vector.shape_cast %parallel_loop3A_533 : vector<1x1x16xf32> to vector<16xf32>
        %parallel_loop3A_535 = arith.constant 8.000000e+00 : f32
        %parallel_loop3A_536 = vector.broadcast %parallel_loop3A_535 : f32 to vector<16xf32>
        %parallel_loop3A_537 = arith.mulf %parallel_loop3A_534, %parallel_loop3A_536 : vector<16xf32>
        %parallel_loop3A_538 = arith.constant 2 : i32
        %parallel_loop3A_539 = arith.addi %parallel_loop3A_346, %parallel_loop3A_538 : i32
        %parallel_loop3A_540 = arith.constant 3 : i32
        %parallel_loop3A_541 = arith.index_cast %parallel_loop3A_540 : i32 to index
        %parallel_loop3A_542 = arith.index_cast %parallel_loop3A_539 : i32 to index
        %parallel_loop3A_543 = arith.constant 16 : index
        %parallel_loop3A_544 = tpu.vector_load %arg6[%parallel_loop3A_541, %parallel_loop3A_542, %parallel_loop3A_543] {strides = array<i32>} : memref<5x128x128xf32, #tpu.memory_space<vmem>>, vector<1x1x16xf32>,
        %parallel_loop3A_545 = vector.shape_cast %parallel_loop3A_544 : vector<1x1x16xf32> to vector<16xf32>
        %parallel_loop3A_546 = vector.shape_cast %parallel_loop3A_537 : vector<16xf32> to vector<1x1x16xf32>
        tpu.vector_store %arg6[%parallel_loop3A_541, %parallel_loop3A_542, %parallel_loop3A_543], %parallel_loop3A_546 {strides = array<i32>} : memref<5x128x128xf32, #tpu.memory_space<vmem>>, vector<1x1x16xf32>,
        %parallel_loop3A_547 = arith.constant 2 : i32
        %parallel_loop3A_548 = arith.addi %parallel_loop3A_346, %parallel_loop3A_547 : i32
        %parallel_loop3A_549 = arith.constant 3 : i32
        %parallel_loop3A_550 = arith.index_cast %parallel_loop3A_549 : i32 to index
        %parallel_loop3A_551 = arith.index_cast %parallel_loop3A_548 : i32 to index
        %parallel_loop3A_552 = arith.constant 32 : index
        %parallel_loop3A_553 = tpu.vector_load %arg6[%parallel_loop3A_550, %parallel_loop3A_551, %parallel_loop3A_552] {strides = array<i32>} : memref<5x128x128xf32, #tpu.memory_space<vmem>>, vector<1x1x16xf32>,
        %parallel_loop3A_554 = vector.shape_cast %parallel_loop3A_553 : vector<1x1x16xf32> to vector<16xf32>
        %parallel_loop3A_555 = arith.constant 8.000000e+00 : f32
        %parallel_loop3A_556 = vector.broadcast %parallel_loop3A_555 : f32 to vector<16xf32>
        %parallel_loop3A_557 = arith.mulf %parallel_loop3A_554, %parallel_loop3A_556 : vector<16xf32>
        %parallel_loop3A_558 = arith.constant 2 : i32
        %parallel_loop3A_559 = arith.addi %parallel_loop3A_346, %parallel_loop3A_558 : i32
        %parallel_loop3A_560 = arith.constant 3 : i32
        %parallel_loop3A_561 = arith.index_cast %parallel_loop3A_560 : i32 to index
        %parallel_loop3A_562 = arith.index_cast %parallel_loop3A_559 : i32 to index
        %parallel_loop3A_563 = arith.constant 32 : index
        %parallel_loop3A_564 = tpu.vector_load %arg6[%parallel_loop3A_561, %parallel_loop3A_562, %parallel_loop3A_563] {strides = array<i32>} : memref<5x128x128xf32, #tpu.memory_space<vmem>>, vector<1x1x16xf32>,
        %parallel_loop3A_565 = vector.shape_cast %parallel_loop3A_564 : vector<1x1x16xf32> to vector<16xf32>
        %parallel_loop3A_566 = vector.shape_cast %parallel_loop3A_557 : vector<16xf32> to vector<1x1x16xf32>
        tpu.vector_store %arg6[%parallel_loop3A_561, %parallel_loop3A_562, %parallel_loop3A_563], %parallel_loop3A_566 {strides = array<i32>} : memref<5x128x128xf32, #tpu.memory_space<vmem>>, vector<1x1x16xf32>,
        %parallel_loop3A_567 = arith.constant 2 : i32
        %parallel_loop3A_568 = arith.addi %parallel_loop3A_346, %parallel_loop3A_567 : i32
        %parallel_loop3A_569 = arith.constant 3 : i32
        %parallel_loop3A_570 = arith.index_cast %parallel_loop3A_569 : i32 to index
        %parallel_loop3A_571 = arith.index_cast %parallel_loop3A_568 : i32 to index
        %parallel_loop3A_572 = arith.constant 48 : index
        %parallel_loop3A_573 = tpu.vector_load %arg6[%parallel_loop3A_570, %parallel_loop3A_571, %parallel_loop3A_572] {strides = array<i32>} : memref<5x128x128xf32, #tpu.memory_space<vmem>>, vector<1x1x16xf32>,
        %parallel_loop3A_574 = vector.shape_cast %parallel_loop3A_573 : vector<1x1x16xf32> to vector<16xf32>
        %parallel_loop3A_575 = arith.constant 8.000000e+00 : f32
        %parallel_loop3A_576 = vector.broadcast %parallel_loop3A_575 : f32 to vector<16xf32>
        %parallel_loop3A_577 = arith.mulf %parallel_loop3A_574, %parallel_loop3A_576 : vector<16xf32>
        %parallel_loop3A_578 = arith.constant 2 : i32
        %parallel_loop3A_579 = arith.addi %parallel_loop3A_346, %parallel_loop3A_578 : i32
        %parallel_loop3A_580 = arith.constant 3 : i32
        %parallel_loop3A_581 = arith.index_cast %parallel_loop3A_580 : i32 to index
        %parallel_loop3A_582 = arith.index_cast %parallel_loop3A_579 : i32 to index
        %parallel_loop3A_583 = arith.constant 48 : index
        %parallel_loop3A_584 = tpu.vector_load %arg6[%parallel_loop3A_581, %parallel_loop3A_582, %parallel_loop3A_583] {strides = array<i32>} : memref<5x128x128xf32, #tpu.memory_space<vmem>>, vector<1x1x16xf32>,
        %parallel_loop3A_585 = vector.shape_cast %parallel_loop3A_584 : vector<1x1x16xf32> to vector<16xf32>
        %parallel_loop3A_586 = vector.shape_cast %parallel_loop3A_577 : vector<16xf32> to vector<1x1x16xf32>
        tpu.vector_store %arg6[%parallel_loop3A_581, %parallel_loop3A_582, %parallel_loop3A_583], %parallel_loop3A_586 {strides = array<i32>} : memref<5x128x128xf32, #tpu.memory_space<vmem>>, vector<1x1x16xf32>,
        %parallel_loop3A_587 = arith.constant 3 : i32
        %parallel_loop3A_588 = arith.addi %parallel_loop3A_346, %parallel_loop3A_587 : i32
        %parallel_loop3A_589 = arith.constant 3 : i32
        %parallel_loop3A_590 = arith.index_cast %parallel_loop3A_589 : i32 to index
        %parallel_loop3A_591 = arith.index_cast %parallel_loop3A_588 : i32 to index
        %parallel_loop3A_592 = arith.constant 0 : index
        %parallel_loop3A_593 = tpu.vector_load %arg6[%parallel_loop3A_590, %parallel_loop3A_591, %parallel_loop3A_592] {strides = array<i32>} : memref<5x128x128xf32, #tpu.memory_space<vmem>>, vector<1x1x16xf32>,
        %parallel_loop3A_594 = vector.shape_cast %parallel_loop3A_593 : vector<1x1x16xf32> to vector<16xf32>
        %parallel_loop3A_595 = arith.constant 8.000000e+00 : f32
        %parallel_loop3A_596 = vector.broadcast %parallel_loop3A_595 : f32 to vector<16xf32>
        %parallel_loop3A_597 = arith.mulf %parallel_loop3A_594, %parallel_loop3A_596 : vector<16xf32>
        %parallel_loop3A_598 = arith.constant 3 : i32
        %parallel_loop3A_599 = arith.addi %parallel_loop3A_346, %parallel_loop3A_598 : i32
        %parallel_loop3A_600 = arith.constant 3 : i32
        %parallel_loop3A_601 = arith.index_cast %parallel_loop3A_600 : i32 to index
        %parallel_loop3A_602 = arith.index_cast %parallel_loop3A_599 : i32 to index
        %parallel_loop3A_603 = arith.constant 0 : index
        %parallel_loop3A_604 = tpu.vector_load %arg6[%parallel_loop3A_601, %parallel_loop3A_602, %parallel_loop3A_603] {strides = array<i32>} : memref<5x128x128xf32, #tpu.memory_space<vmem>>, vector<1x1x16xf32>,
        %parallel_loop3A_605 = vector.shape_cast %parallel_loop3A_604 : vector<1x1x16xf32> to vector<16xf32>
        %parallel_loop3A_606 = vector.shape_cast %parallel_loop3A_597 : vector<16xf32> to vector<1x1x16xf32>
        tpu.vector_store %arg6[%parallel_loop3A_601, %parallel_loop3A_602, %parallel_loop3A_603], %parallel_loop3A_606 {strides = array<i32>} : memref<5x128x128xf32, #tpu.memory_space<vmem>>, vector<1x1x16xf32>,
        %parallel_loop3A_607 = arith.constant 3 : i32
        %parallel_loop3A_608 = arith.addi %parallel_loop3A_346, %parallel_loop3A_607 : i32
        %parallel_loop3A_609 = arith.constant 3 : i32
        %parallel_loop3A_610 = arith.index_cast %parallel_loop3A_609 : i32 to index
        %parallel_loop3A_611 = arith.index_cast %parallel_loop3A_608 : i32 to index
        %parallel_loop3A_612 = arith.constant 16 : index
        %parallel_loop3A_613 = tpu.vector_load %arg6[%parallel_loop3A_610, %parallel_loop3A_611, %parallel_loop3A_612] {strides = array<i32>} : memref<5x128x128xf32, #tpu.memory_space<vmem>>, vector<1x1x16xf32>,
        %parallel_loop3A_614 = vector.shape_cast %parallel_loop3A_613 : vector<1x1x16xf32> to vector<16xf32>
        %parallel_loop3A_615 = arith.constant 8.000000e+00 : f32
        %parallel_loop3A_616 = vector.broadcast %parallel_loop3A_615 : f32 to vector<16xf32>
        %parallel_loop3A_617 = arith.mulf %parallel_loop3A_614, %parallel_loop3A_616 : vector<16xf32>
        %parallel_loop3A_618 = arith.constant 3 : i32
        %parallel_loop3A_619 = arith.addi %parallel_loop3A_346, %parallel_loop3A_618 : i32
        %parallel_loop3A_620 = arith.constant 3 : i32
        %parallel_loop3A_621 = arith.index_cast %parallel_loop3A_620 : i32 to index
        %parallel_loop3A_622 = arith.index_cast %parallel_loop3A_619 : i32 to index
        %parallel_loop3A_623 = arith.constant 16 : index
        %parallel_loop3A_624 = tpu.vector_load %arg6[%parallel_loop3A_621, %parallel_loop3A_622, %parallel_loop3A_623] {strides = array<i32>} : memref<5x128x128xf32, #tpu.memory_space<vmem>>, vector<1x1x16xf32>,
        %parallel_loop3A_625 = vector.shape_cast %parallel_loop3A_624 : vector<1x1x16xf32> to vector<16xf32>
        %parallel_loop3A_626 = vector.shape_cast %parallel_loop3A_617 : vector<16xf32> to vector<1x1x16xf32>
        tpu.vector_store %arg6[%parallel_loop3A_621, %parallel_loop3A_622, %parallel_loop3A_623], %parallel_loop3A_626 {strides = array<i32>} : memref<5x128x128xf32, #tpu.memory_space<vmem>>, vector<1x1x16xf32>,
        %parallel_loop3A_627 = arith.constant 3 : i32
        %parallel_loop3A_628 = arith.addi %parallel_loop3A_346, %parallel_loop3A_627 : i32
        %parallel_loop3A_629 = arith.constant 3 : i32
        %parallel_loop3A_630 = arith.index_cast %parallel_loop3A_629 : i32 to index
        %parallel_loop3A_631 = arith.index_cast %parallel_loop3A_628 : i32 to index
        %parallel_loop3A_632 = arith.constant 32 : index
        %parallel_loop3A_633 = tpu.vector_load %arg6[%parallel_loop3A_630, %parallel_loop3A_631, %parallel_loop3A_632] {strides = array<i32>} : memref<5x128x128xf32, #tpu.memory_space<vmem>>, vector<1x1x16xf32>,
        %parallel_loop3A_634 = vector.shape_cast %parallel_loop3A_633 : vector<1x1x16xf32> to vector<16xf32>
        %parallel_loop3A_635 = arith.constant 8.000000e+00 : f32
        %parallel_loop3A_636 = vector.broadcast %parallel_loop3A_635 : f32 to vector<16xf32>
        %parallel_loop3A_637 = arith.mulf %parallel_loop3A_634, %parallel_loop3A_636 : vector<16xf32>
        %parallel_loop3A_638 = arith.constant 3 : i32
        %parallel_loop3A_639 = arith.addi %parallel_loop3A_346, %parallel_loop3A_638 : i32
        %parallel_loop3A_640 = arith.constant 3 : i32
        %parallel_loop3A_641 = arith.index_cast %parallel_loop3A_640 : i32 to index
        %parallel_loop3A_642 = arith.index_cast %parallel_loop3A_639 : i32 to index
        %parallel_loop3A_643 = arith.constant 32 : index
        %parallel_loop3A_644 = tpu.vector_load %arg6[%parallel_loop3A_641, %parallel_loop3A_642, %parallel_loop3A_643] {strides = array<i32>} : memref<5x128x128xf32, #tpu.memory_space<vmem>>, vector<1x1x16xf32>,
        %parallel_loop3A_645 = vector.shape_cast %parallel_loop3A_644 : vector<1x1x16xf32> to vector<16xf32>
        %parallel_loop3A_646 = vector.shape_cast %parallel_loop3A_637 : vector<16xf32> to vector<1x1x16xf32>
        tpu.vector_store %arg6[%parallel_loop3A_641, %parallel_loop3A_642, %parallel_loop3A_643], %parallel_loop3A_646 {strides = array<i32>} : memref<5x128x128xf32, #tpu.memory_space<vmem>>, vector<1x1x16xf32>,
        %parallel_loop3A_647 = arith.constant 3 : i32
        %parallel_loop3A_648 = arith.addi %parallel_loop3A_346, %parallel_loop3A_647 : i32
        %parallel_loop3A_649 = arith.constant 3 : i32
        %parallel_loop3A_650 = arith.index_cast %parallel_loop3A_649 : i32 to index
        %parallel_loop3A_651 = arith.index_cast %parallel_loop3A_648 : i32 to index
        %parallel_loop3A_652 = arith.constant 48 : index
        %parallel_loop3A_653 = tpu.vector_load %arg6[%parallel_loop3A_650, %parallel_loop3A_651, %parallel_loop3A_652] {strides = array<i32>} : memref<5x128x128xf32, #tpu.memory_space<vmem>>, vector<1x1x16xf32>,
        %parallel_loop3A_654 = vector.shape_cast %parallel_loop3A_653 : vector<1x1x16xf32> to vector<16xf32>
        %parallel_loop3A_655 = arith.constant 8.000000e+00 : f32
        %parallel_loop3A_656 = vector.broadcast %parallel_loop3A_655 : f32 to vector<16xf32>
        %parallel_loop3A_657 = arith.mulf %parallel_loop3A_654, %parallel_loop3A_656 : vector<16xf32>
        %parallel_loop3A_658 = arith.constant 3 : i32
        %parallel_loop3A_659 = arith.addi %parallel_loop3A_346, %parallel_loop3A_658 : i32
        %parallel_loop3A_660 = arith.constant 3 : i32
        %parallel_loop3A_661 = arith.index_cast %parallel_loop3A_660 : i32 to index
        %parallel_loop3A_662 = arith.index_cast %parallel_loop3A_659 : i32 to index
        %parallel_loop3A_663 = arith.constant 48 : index
        %parallel_loop3A_664 = tpu.vector_load %arg6[%parallel_loop3A_661, %parallel_loop3A_662, %parallel_loop3A_663] {strides = array<i32>} : memref<5x128x128xf32, #tpu.memory_space<vmem>>, vector<1x1x16xf32>,
        %parallel_loop3A_665 = vector.shape_cast %parallel_loop3A_664 : vector<1x1x16xf32> to vector<16xf32>
        %parallel_loop3A_666 = vector.shape_cast %parallel_loop3A_657 : vector<16xf32> to vector<1x1x16xf32>
        tpu.vector_store %arg6[%parallel_loop3A_661, %parallel_loop3A_662, %parallel_loop3A_663], %parallel_loop3A_666 {strides = array<i32>} : memref<5x128x128xf32, #tpu.memory_space<vmem>>, vector<1x1x16xf32>,
      } {sc.loop_unroll_factor = 2 : i64, sc.parallel_access}
      %mul3A_287 = arith.constant 128 : i32
      %mul3A_288 = arith.muli %add3A_261, %mul3A_287 : i32
      %add3A_289 = arith.addi %mul3A_4, %mul3A_288 : i32
      %dma_start3A_290 = arith.constant 3 : i32
      %dma_start3A_291 = arith.constant 0 : i32
      %dma_start3A_292 = arith.constant 0 : i32
      %dma_start3A_293 = tpu.memref_slice %arg6[%dma_start3A_290, %dma_start3A_291, %dma_start3A_292] : memref<5x128x128xf32, #tpu.memory_space<vmem>> -> memref<1x128x128xf32, #tpu.memory_space<vmem>>
      %dma_start3A_294 = tpu.memref_squeeze %dma_start3A_293 : memref<1x128x128xf32, #tpu.memory_space<vmem>> -> memref<128x128xf32, #tpu.memory_space<vmem>>
      %dma_start3A_295 = arith.constant 0 : i32
      %dma_start3A_296 = tpu.memref_slice %arg4[%add3A_289, %dma_start3A_295] : memref<819200x128xf32, #tpu.memory_space<hbm>> -> memref<128x128xf32, #tpu.memory_space<hbm>>
      %dma_start3A_297 = arith.constant 0 : i32
      %dma_start3A_298 = tpu.memref_slice %arg4[%add3A_289, %dma_start3A_297] : memref<819200x128xf32, #tpu.memory_space<hbm>> -> memref<128x128xf32, #tpu.memory_space<hbm>>
      %dma_start3A_299 = arith.constant 0 : i32
      %dma_start3A_300 = arith.constant 0 : i32
      %dma_start3A_301 = tpu.memref_slice %arg6[%dma_start3A_290, %dma_start3A_299, %dma_start3A_300] : memref<5x128x128xf32, #tpu.memory_space<vmem>> -> memref<1x128x128xf32, #tpu.memory_space<vmem>>
      %dma_start3A_302 = tpu.memref_squeeze %dma_start3A_301 : memref<1x128x128xf32, #tpu.memory_space<vmem>> -> memref<128x128xf32, #tpu.memory_space<vmem>>
      tpu.enqueue_dma source(%dma_start3A_302 : memref<128x128xf32, #tpu.memory_space<vmem>>) target(%dma_start3A_298 : memref<128x128xf32, #tpu.memory_space<hbm>>) target_semaphore(%arg15 : memref<!tpu.dma_semaphore, #tpu.memory_space<semaphore_mem>>)
      %add3A_303 = arith.constant 4 : i32
      %add3A_304 = arith.addi %add3A_134, %add3A_303 : i32
      %add3A_305 = arith.constant 4 : i32
      %add3A_306 = arith.addi %add3A_304, %add3A_305 : i32
      %lt3A_307 = arith.constant 200 : i32
      %lt3A_308 = arith.cmpi slt, %add3A_306, %lt3A_307 : i32
      %convert_element_type3A_309 = arith.extui %lt3A_308 : i1 to i32
      %cond3A_310 = arith.constant 0 : i32
      %cond3A_311 = arith.cmpi ne, %convert_element_type3A_309, %cond3A_310 : i32
      scf.if %cond3A_311 {
        %ge3A = arith.constant 1 : i32
        %ge3A_346 = arith.cmpi sge, %add3A_304, %ge3A : i32
        %convert_element_type3A_347 = arith.extui %ge3A_346 : i1 to i32
        %cond3A_348 = arith.constant 0 : i32
        %cond3A_349 = arith.cmpi ne, %convert_element_type3A_347, %cond3A_348 : i32
        scf.if %cond3A_349 {
          %dma_wait3A_365 = arith.constant 3 : i32
          %dma_wait3A_366 = arith.constant 0 : i32
          %dma_wait3A_367 = arith.constant 0 : i32
          %dma_wait3A_368 = tpu.memref_slice %arg6[%dma_wait3A_365, %dma_wait3A_366, %dma_wait3A_367] : memref<5x128x128xf32, #tpu.memory_space<vmem>> -> memref<1x128x128xf32, #tpu.memory_space<vmem>>
          %dma_wait3A_369 = tpu.memref_squeeze %dma_wait3A_368 : memref<1x128x128xf32, #tpu.memory_space<vmem>> -> memref<128x128xf32, #tpu.memory_space<vmem>>
          %dma_wait3A_370 = arith.constant 0 : i32
          %dma_wait3A_371 = arith.constant 0 : i32
          %dma_wait3A_372 = tpu.memref_slice %arg4[%dma_wait3A_370, %dma_wait3A_371] : memref<819200x128xf32, #tpu.memory_space<hbm>> -> memref<128x128xf32, #tpu.memory_space<hbm>>
          %dma_wait3A_373 = arith.constant 0 : i32
          %dma_wait3A_374 = arith.constant 0 : i32
          %dma_wait3A_375 = tpu.memref_slice %arg4[%dma_wait3A_373, %dma_wait3A_374] : memref<819200x128xf32, #tpu.memory_space<hbm>> -> memref<128x128xf32, #tpu.memory_space<hbm>>
          %dma_wait3A_376 = arith.constant 0 : i32
          %dma_wait3A_377 = arith.constant 0 : i32
          %dma_wait3A_378 = tpu.memref_slice %arg6[%dma_wait3A_365, %dma_wait3A_376, %dma_wait3A_377] : memref<5x128x128xf32, #tpu.memory_space<vmem>> -> memref<1x128x128xf32, #tpu.memory_space<vmem>>
          %dma_wait3A_379 = tpu.memref_squeeze %dma_wait3A_378 : memref<1x128x128xf32, #tpu.memory_space<vmem>> -> memref<128x128xf32, #tpu.memory_space<vmem>>
          tpu.wait_dma2 semaphore(%arg15 : memref<!tpu.dma_semaphore, #tpu.memory_space<semaphore_mem>>) src(%dma_wait3A_379 : memref<128x128xf32, #tpu.memory_space<vmem>>) dst(%dma_wait3A_375 : memref<128x128xf32, #tpu.memory_space<hbm>>)
        } else {
        }
        %mul3A_350 = arith.constant 1 : i32
        %mul3A_351 = arith.muli %add3A_306, %mul3A_350 : i32
        %add3A_352 = arith.constant 0 : i32
        %add3A_353 = arith.addi %mul3A_351, %add3A_352 : i32
        %dma_start3A_354 = arith.constant 3 : i32
        %dma_start3A_355 = arith.constant 0 : i32
        %dma_start3A_356 = arith.constant 0 : i32
        %dma_start3A_357 = tpu.memref_slice %arg6[%dma_start3A_354, %dma_start3A_355, %dma_start3A_356] : memref<5x128x128xf32, #tpu.memory_space<vmem>> -> memref<1x128x128xf32, #tpu.memory_space<vmem>>
        %dma_start3A_358 = tpu.memref_squeeze %dma_start3A_357 : memref<1x128x128xf32, #tpu.memory_space<vmem>> -> memref<128x128xf32, #tpu.memory_space<vmem>>
        %dma_start3A_359 = arith.constant 0 : i32
        %dma_start3A_360 = tpu.memref_slice %arg5[%add3A_353, %dma_start3A_359] : memref<200x128xi32, #tpu.memory_space<vmem>> -> memref<1x128xi32, #tpu.memory_space<vmem>>
        %dma_start3A_361 = tpu.memref_squeeze %dma_start3A_360 : memref<1x128xi32, #tpu.memory_space<vmem>> -> memref<128xi32, #tpu.memory_space<vmem>>
        %dma_start3A_362 = arith.constant 0 : i32
        %dma_start3A_363 = arith.constant 0 : i32
        %dma_start3A_364 = tpu.memref_slice %arg3[%dma_start3A_362, %dma_start3A_363] : memref<1000000x128xf32, #tpu.memory_space<hbm>> -> memref<1000000x128xf32, #tpu.memory_space<hbm>>
        tpu.enqueue_indirect_dma source(%dma_start3A_364 : memref<1000000x128xf32, #tpu.memory_space<hbm>>) target(%dma_start3A_358 : memref<128x128xf32, #tpu.memory_space<vmem>>) offsets(%dma_start3A_361 : memref<128xi32, #tpu.memory_space<vmem>>) semaphore(%arg10 : memref<!tpu.dma_semaphore, #tpu.memory_space<semaphore_mem>>)
      } else {
      }
      %dma_wait3A_312 = arith.constant 4 : i32
      %dma_wait3A_313 = arith.constant 0 : i32
      %dma_wait3A_314 = arith.constant 0 : i32
      %dma_wait3A_315 = tpu.memref_slice %arg6[%dma_wait3A_312, %dma_wait3A_313, %dma_wait3A_314] : memref<5x128x128xf32, #tpu.memory_space<vmem>> -> memref<1x128x128xf32, #tpu.memory_space<vmem>>
      %dma_wait3A_316 = tpu.memref_squeeze %dma_wait3A_315 : memref<1x128x128xf32, #tpu.memory_space<vmem>> -> memref<128x128xf32, #tpu.memory_space<vmem>>
      %dma_wait3A_317 = arith.constant 0 : i32
      %dma_wait3A_318 = arith.constant 0 : i32
      %dma_wait3A_319 = tpu.memref_slice %arg3[%dma_wait3A_317, %dma_wait3A_318] : memref<1000000x128xf32, #tpu.memory_space<hbm>> -> memref<128x128xf32, #tpu.memory_space<hbm>>
      %dma_wait3A_320 = arith.constant 0 : i32
      %dma_wait3A_321 = arith.constant 0 : i32
      %dma_wait3A_322 = tpu.memref_slice %arg6[%dma_wait3A_312, %dma_wait3A_320, %dma_wait3A_321] : memref<5x128x128xf32, #tpu.memory_space<vmem>> -> memref<1x128x128xf32, #tpu.memory_space<vmem>>
      %dma_wait3A_323 = tpu.memref_squeeze %dma_wait3A_322 : memref<1x128x128xf32, #tpu.memory_space<vmem>> -> memref<128x128xf32, #tpu.memory_space<vmem>>
      %dma_wait3A_324 = arith.constant 0 : i32
      %dma_wait3A_325 = arith.constant 0 : i32
      %dma_wait3A_326 = tpu.memref_slice %arg3[%dma_wait3A_324, %dma_wait3A_325] : memref<1000000x128xf32, #tpu.memory_space<hbm>> -> memref<128x128xf32, #tpu.memory_space<hbm>>
      tpu.wait_dma2 semaphore(%arg11 : memref<!tpu.dma_semaphore, #tpu.memory_space<semaphore_mem>>) src(%dma_wait3A_326 : memref<128x128xf32, #tpu.memory_space<hbm>>) dst(%dma_wait3A_323 : memref<128x128xf32, #tpu.memory_space<vmem>>)
      %parallel_loop3A_327 = arith.constant 0 : i32
      %parallel_loop3A_328 = arith.constant 128 : i32
      %parallel_loop3A_329 = arith.constant 4 : i32
      scf.for %parallel_loop3A_346 = %parallel_loop3A_327 to %parallel_loop3A_328 step %parallel_loop3A_329  : i32 {
        %parallel_loop3A_347 = arith.constant 0 : i32
        %parallel_loop3A_348 = arith.addi %parallel_loop3A_346, %parallel_loop3A_347 : i32
        %parallel_loop3A_349 = arith.constant 4 : i32
        %parallel_loop3A_350 = arith.index_cast %parallel_loop3A_349 : i32 to index
        %parallel_loop3A_351 = arith.index_cast %parallel_loop3A_348 : i32 to index
        %parallel_loop3A_352 = arith.constant 0 : index
        %parallel_loop3A_353 = tpu.vector_load %arg6[%parallel_loop3A_350, %parallel_loop3A_351, %parallel_loop3A_352] {strides = array<i32>} : memref<5x128x128xf32, #tpu.memory_space<vmem>>, vector<1x1x16xf32>,
        %parallel_loop3A_354 = vector.shape_cast %parallel_loop3A_353 : vector<1x1x16xf32> to vector<16xf32>
        %parallel_loop3A_355 = arith.constant 8.000000e+00 : f32
        %parallel_loop3A_356 = vector.broadcast %parallel_loop3A_355 : f32 to vector<16xf32>
        %parallel_loop3A_357 = arith.mulf %parallel_loop3A_354, %parallel_loop3A_356 : vector<16xf32>
        %parallel_loop3A_358 = arith.constant 0 : i32
        %parallel_loop3A_359 = arith.addi %parallel_loop3A_346, %parallel_loop3A_358 : i32
        %parallel_loop3A_360 = arith.constant 4 : i32
        %parallel_loop3A_361 = arith.index_cast %parallel_loop3A_360 : i32 to index
        %parallel_loop3A_362 = arith.index_cast %parallel_loop3A_359 : i32 to index
        %parallel_loop3A_363 = arith.constant 0 : index
        %parallel_loop3A_364 = tpu.vector_load %arg6[%parallel_loop3A_361, %parallel_loop3A_362, %parallel_loop3A_363] {strides = array<i32>} : memref<5x128x128xf32, #tpu.memory_space<vmem>>, vector<1x1x16xf32>,
        %parallel_loop3A_365 = vector.shape_cast %parallel_loop3A_364 : vector<1x1x16xf32> to vector<16xf32>
        %parallel_loop3A_366 = vector.shape_cast %parallel_loop3A_357 : vector<16xf32> to vector<1x1x16xf32>
        tpu.vector_store %arg6[%parallel_loop3A_361, %parallel_loop3A_362, %parallel_loop3A_363], %parallel_loop3A_366 {strides = array<i32>} : memref<5x128x128xf32, #tpu.memory_space<vmem>>, vector<1x1x16xf32>,
        %parallel_loop3A_367 = arith.constant 0 : i32
        %parallel_loop3A_368 = arith.addi %parallel_loop3A_346, %parallel_loop3A_367 : i32
        %parallel_loop3A_369 = arith.constant 4 : i32
        %parallel_loop3A_370 = arith.index_cast %parallel_loop3A_369 : i32 to index
        %parallel_loop3A_371 = arith.index_cast %parallel_loop3A_368 : i32 to index
        %parallel_loop3A_372 = arith.constant 16 : index
        %parallel_loop3A_373 = tpu.vector_load %arg6[%parallel_loop3A_370, %parallel_loop3A_371, %parallel_loop3A_372] {strides = array<i32>} : memref<5x128x128xf32, #tpu.memory_space<vmem>>, vector<1x1x16xf32>,
        %parallel_loop3A_374 = vector.shape_cast %parallel_loop3A_373 : vector<1x1x16xf32> to vector<16xf32>
        %parallel_loop3A_375 = arith.constant 8.000000e+00 : f32
        %parallel_loop3A_376 = vector.broadcast %parallel_loop3A_375 : f32 to vector<16xf32>
        %parallel_loop3A_377 = arith.mulf %parallel_loop3A_374, %parallel_loop3A_376 : vector<16xf32>
        %parallel_loop3A_378 = arith.constant 0 : i32
        %parallel_loop3A_379 = arith.addi %parallel_loop3A_346, %parallel_loop3A_378 : i32
        %parallel_loop3A_380 = arith.constant 4 : i32
        %parallel_loop3A_381 = arith.index_cast %parallel_loop3A_380 : i32 to index
        %parallel_loop3A_382 = arith.index_cast %parallel_loop3A_379 : i32 to index
        %parallel_loop3A_383 = arith.constant 16 : index
        %parallel_loop3A_384 = tpu.vector_load %arg6[%parallel_loop3A_381, %parallel_loop3A_382, %parallel_loop3A_383] {strides = array<i32>} : memref<5x128x128xf32, #tpu.memory_space<vmem>>, vector<1x1x16xf32>,
        %parallel_loop3A_385 = vector.shape_cast %parallel_loop3A_384 : vector<1x1x16xf32> to vector<16xf32>
        %parallel_loop3A_386 = vector.shape_cast %parallel_loop3A_377 : vector<16xf32> to vector<1x1x16xf32>
        tpu.vector_store %arg6[%parallel_loop3A_381, %parallel_loop3A_382, %parallel_loop3A_383], %parallel_loop3A_386 {strides = array<i32>} : memref<5x128x128xf32, #tpu.memory_space<vmem>>, vector<1x1x16xf32>,
        %parallel_loop3A_387 = arith.constant 0 : i32
        %parallel_loop3A_388 = arith.addi %parallel_loop3A_346, %parallel_loop3A_387 : i32
        %parallel_loop3A_389 = arith.constant 4 : i32
        %parallel_loop3A_390 = arith.index_cast %parallel_loop3A_389 : i32 to index
        %parallel_loop3A_391 = arith.index_cast %parallel_loop3A_388 : i32 to index
        %parallel_loop3A_392 = arith.constant 32 : index
        %parallel_loop3A_393 = tpu.vector_load %arg6[%parallel_loop3A_390, %parallel_loop3A_391, %parallel_loop3A_392] {strides = array<i32>} : memref<5x128x128xf32, #tpu.memory_space<vmem>>, vector<1x1x16xf32>,
        %parallel_loop3A_394 = vector.shape_cast %parallel_loop3A_393 : vector<1x1x16xf32> to vector<16xf32>
        %parallel_loop3A_395 = arith.constant 8.000000e+00 : f32
        %parallel_loop3A_396 = vector.broadcast %parallel_loop3A_395 : f32 to vector<16xf32>
        %parallel_loop3A_397 = arith.mulf %parallel_loop3A_394, %parallel_loop3A_396 : vector<16xf32>
        %parallel_loop3A_398 = arith.constant 0 : i32
        %parallel_loop3A_399 = arith.addi %parallel_loop3A_346, %parallel_loop3A_398 : i32
        %parallel_loop3A_400 = arith.constant 4 : i32
        %parallel_loop3A_401 = arith.index_cast %parallel_loop3A_400 : i32 to index
        %parallel_loop3A_402 = arith.index_cast %parallel_loop3A_399 : i32 to index
        %parallel_loop3A_403 = arith.constant 32 : index
        %parallel_loop3A_404 = tpu.vector_load %arg6[%parallel_loop3A_401, %parallel_loop3A_402, %parallel_loop3A_403] {strides = array<i32>} : memref<5x128x128xf32, #tpu.memory_space<vmem>>, vector<1x1x16xf32>,
        %parallel_loop3A_405 = vector.shape_cast %parallel_loop3A_404 : vector<1x1x16xf32> to vector<16xf32>
        %parallel_loop3A_406 = vector.shape_cast %parallel_loop3A_397 : vector<16xf32> to vector<1x1x16xf32>
        tpu.vector_store %arg6[%parallel_loop3A_401, %parallel_loop3A_402, %parallel_loop3A_403], %parallel_loop3A_406 {strides = array<i32>} : memref<5x128x128xf32, #tpu.memory_space<vmem>>, vector<1x1x16xf32>,
        %parallel_loop3A_407 = arith.constant 0 : i32
        %parallel_loop3A_408 = arith.addi %parallel_loop3A_346, %parallel_loop3A_407 : i32
        %parallel_loop3A_409 = arith.constant 4 : i32
        %parallel_loop3A_410 = arith.index_cast %parallel_loop3A_409 : i32 to index
        %parallel_loop3A_411 = arith.index_cast %parallel_loop3A_408 : i32 to index
        %parallel_loop3A_412 = arith.constant 48 : index
        %parallel_loop3A_413 = tpu.vector_load %arg6[%parallel_loop3A_410, %parallel_loop3A_411, %parallel_loop3A_412] {strides = array<i32>} : memref<5x128x128xf32, #tpu.memory_space<vmem>>, vector<1x1x16xf32>,
        %parallel_loop3A_414 = vector.shape_cast %parallel_loop3A_413 : vector<1x1x16xf32> to vector<16xf32>
        %parallel_loop3A_415 = arith.constant 8.000000e+00 : f32
        %parallel_loop3A_416 = vector.broadcast %parallel_loop3A_415 : f32 to vector<16xf32>
        %parallel_loop3A_417 = arith.mulf %parallel_loop3A_414, %parallel_loop3A_416 : vector<16xf32>
        %parallel_loop3A_418 = arith.constant 0 : i32
        %parallel_loop3A_419 = arith.addi %parallel_loop3A_346, %parallel_loop3A_418 : i32
        %parallel_loop3A_420 = arith.constant 4 : i32
        %parallel_loop3A_421 = arith.index_cast %parallel_loop3A_420 : i32 to index
        %parallel_loop3A_422 = arith.index_cast %parallel_loop3A_419 : i32 to index
        %parallel_loop3A_423 = arith.constant 48 : index
        %parallel_loop3A_424 = tpu.vector_load %arg6[%parallel_loop3A_421, %parallel_loop3A_422, %parallel_loop3A_423] {strides = array<i32>} : memref<5x128x128xf32, #tpu.memory_space<vmem>>, vector<1x1x16xf32>,
        %parallel_loop3A_425 = vector.shape_cast %parallel_loop3A_424 : vector<1x1x16xf32> to vector<16xf32>
        %parallel_loop3A_426 = vector.shape_cast %parallel_loop3A_417 : vector<16xf32> to vector<1x1x16xf32>
        tpu.vector_store %arg6[%parallel_loop3A_421, %parallel_loop3A_422, %parallel_loop3A_423], %parallel_loop3A_426 {strides = array<i32>} : memref<5x128x128xf32, #tpu.memory_space<vmem>>, vector<1x1x16xf32>,
        %parallel_loop3A_427 = arith.constant 1 : i32
        %parallel_loop3A_428 = arith.addi %parallel_loop3A_346, %parallel_loop3A_427 : i32
        %parallel_loop3A_429 = arith.constant 4 : i32
        %parallel_loop3A_430 = arith.index_cast %parallel_loop3A_429 : i32 to index
        %parallel_loop3A_431 = arith.index_cast %parallel_loop3A_428 : i32 to index
        %parallel_loop3A_432 = arith.constant 0 : index
        %parallel_loop3A_433 = tpu.vector_load %arg6[%parallel_loop3A_430, %parallel_loop3A_431, %parallel_loop3A_432] {strides = array<i32>} : memref<5x128x128xf32, #tpu.memory_space<vmem>>, vector<1x1x16xf32>,
        %parallel_loop3A_434 = vector.shape_cast %parallel_loop3A_433 : vector<1x1x16xf32> to vector<16xf32>
        %parallel_loop3A_435 = arith.constant 8.000000e+00 : f32
        %parallel_loop3A_436 = vector.broadcast %parallel_loop3A_435 : f32 to vector<16xf32>
        %parallel_loop3A_437 = arith.mulf %parallel_loop3A_434, %parallel_loop3A_436 : vector<16xf32>
        %parallel_loop3A_438 = arith.constant 1 : i32
        %parallel_loop3A_439 = arith.addi %parallel_loop3A_346, %parallel_loop3A_438 : i32
        %parallel_loop3A_440 = arith.constant 4 : i32
        %parallel_loop3A_441 = arith.index_cast %parallel_loop3A_440 : i32 to index
        %parallel_loop3A_442 = arith.index_cast %parallel_loop3A_439 : i32 to index
        %parallel_loop3A_443 = arith.constant 0 : index
        %parallel_loop3A_444 = tpu.vector_load %arg6[%parallel_loop3A_441, %parallel_loop3A_442, %parallel_loop3A_443] {strides = array<i32>} : memref<5x128x128xf32, #tpu.memory_space<vmem>>, vector<1x1x16xf32>,
        %parallel_loop3A_445 = vector.shape_cast %parallel_loop3A_444 : vector<1x1x16xf32> to vector<16xf32>
        %parallel_loop3A_446 = vector.shape_cast %parallel_loop3A_437 : vector<16xf32> to vector<1x1x16xf32>
        tpu.vector_store %arg6[%parallel_loop3A_441, %parallel_loop3A_442, %parallel_loop3A_443], %parallel_loop3A_446 {strides = array<i32>} : memref<5x128x128xf32, #tpu.memory_space<vmem>>, vector<1x1x16xf32>,
        %parallel_loop3A_447 = arith.constant 1 : i32
        %parallel_loop3A_448 = arith.addi %parallel_loop3A_346, %parallel_loop3A_447 : i32
        %parallel_loop3A_449 = arith.constant 4 : i32
        %parallel_loop3A_450 = arith.index_cast %parallel_loop3A_449 : i32 to index
        %parallel_loop3A_451 = arith.index_cast %parallel_loop3A_448 : i32 to index
        %parallel_loop3A_452 = arith.constant 16 : index
        %parallel_loop3A_453 = tpu.vector_load %arg6[%parallel_loop3A_450, %parallel_loop3A_451, %parallel_loop3A_452] {strides = array<i32>} : memref<5x128x128xf32, #tpu.memory_space<vmem>>, vector<1x1x16xf32>,
        %parallel_loop3A_454 = vector.shape_cast %parallel_loop3A_453 : vector<1x1x16xf32> to vector<16xf32>
        %parallel_loop3A_455 = arith.constant 8.000000e+00 : f32
        %parallel_loop3A_456 = vector.broadcast %parallel_loop3A_455 : f32 to vector<16xf32>
        %parallel_loop3A_457 = arith.mulf %parallel_loop3A_454, %parallel_loop3A_456 : vector<16xf32>
        %parallel_loop3A_458 = arith.constant 1 : i32
        %parallel_loop3A_459 = arith.addi %parallel_loop3A_346, %parallel_loop3A_458 : i32
        %parallel_loop3A_460 = arith.constant 4 : i32
        %parallel_loop3A_461 = arith.index_cast %parallel_loop3A_460 : i32 to index
        %parallel_loop3A_462 = arith.index_cast %parallel_loop3A_459 : i32 to index
        %parallel_loop3A_463 = arith.constant 16 : index
        %parallel_loop3A_464 = tpu.vector_load %arg6[%parallel_loop3A_461, %parallel_loop3A_462, %parallel_loop3A_463] {strides = array<i32>} : memref<5x128x128xf32, #tpu.memory_space<vmem>>, vector<1x1x16xf32>,
        %parallel_loop3A_465 = vector.shape_cast %parallel_loop3A_464 : vector<1x1x16xf32> to vector<16xf32>
        %parallel_loop3A_466 = vector.shape_cast %parallel_loop3A_457 : vector<16xf32> to vector<1x1x16xf32>
        tpu.vector_store %arg6[%parallel_loop3A_461, %parallel_loop3A_462, %parallel_loop3A_463], %parallel_loop3A_466 {strides = array<i32>} : memref<5x128x128xf32, #tpu.memory_space<vmem>>, vector<1x1x16xf32>,
        %parallel_loop3A_467 = arith.constant 1 : i32
        %parallel_loop3A_468 = arith.addi %parallel_loop3A_346, %parallel_loop3A_467 : i32
        %parallel_loop3A_469 = arith.constant 4 : i32
        %parallel_loop3A_470 = arith.index_cast %parallel_loop3A_469 : i32 to index
        %parallel_loop3A_471 = arith.index_cast %parallel_loop3A_468 : i32 to index
        %parallel_loop3A_472 = arith.constant 32 : index
        %parallel_loop3A_473 = tpu.vector_load %arg6[%parallel_loop3A_470, %parallel_loop3A_471, %parallel_loop3A_472] {strides = array<i32>} : memref<5x128x128xf32, #tpu.memory_space<vmem>>, vector<1x1x16xf32>,
        %parallel_loop3A_474 = vector.shape_cast %parallel_loop3A_473 : vector<1x1x16xf32> to vector<16xf32>
        %parallel_loop3A_475 = arith.constant 8.000000e+00 : f32
        %parallel_loop3A_476 = vector.broadcast %parallel_loop3A_475 : f32 to vector<16xf32>
        %parallel_loop3A_477 = arith.mulf %parallel_loop3A_474, %parallel_loop3A_476 : vector<16xf32>
        %parallel_loop3A_478 = arith.constant 1 : i32
        %parallel_loop3A_479 = arith.addi %parallel_loop3A_346, %parallel_loop3A_478 : i32
        %parallel_loop3A_480 = arith.constant 4 : i32
        %parallel_loop3A_481 = arith.index_cast %parallel_loop3A_480 : i32 to index
        %parallel_loop3A_482 = arith.index_cast %parallel_loop3A_479 : i32 to index
        %parallel_loop3A_483 = arith.constant 32 : index
        %parallel_loop3A_484 = tpu.vector_load %arg6[%parallel_loop3A_481, %parallel_loop3A_482, %parallel_loop3A_483] {strides = array<i32>} : memref<5x128x128xf32, #tpu.memory_space<vmem>>, vector<1x1x16xf32>,
        %parallel_loop3A_485 = vector.shape_cast %parallel_loop3A_484 : vector<1x1x16xf32> to vector<16xf32>
        %parallel_loop3A_486 = vector.shape_cast %parallel_loop3A_477 : vector<16xf32> to vector<1x1x16xf32>
        tpu.vector_store %arg6[%parallel_loop3A_481, %parallel_loop3A_482, %parallel_loop3A_483], %parallel_loop3A_486 {strides = array<i32>} : memref<5x128x128xf32, #tpu.memory_space<vmem>>, vector<1x1x16xf32>,
        %parallel_loop3A_487 = arith.constant 1 : i32
        %parallel_loop3A_488 = arith.addi %parallel_loop3A_346, %parallel_loop3A_487 : i32
        %parallel_loop3A_489 = arith.constant 4 : i32
        %parallel_loop3A_490 = arith.index_cast %parallel_loop3A_489 : i32 to index
        %parallel_loop3A_491 = arith.index_cast %parallel_loop3A_488 : i32 to index
        %parallel_loop3A_492 = arith.constant 48 : index
        %parallel_loop3A_493 = tpu.vector_load %arg6[%parallel_loop3A_490, %parallel_loop3A_491, %parallel_loop3A_492] {strides = array<i32>} : memref<5x128x128xf32, #tpu.memory_space<vmem>>, vector<1x1x16xf32>,
        %parallel_loop3A_494 = vector.shape_cast %parallel_loop3A_493 : vector<1x1x16xf32> to vector<16xf32>
        %parallel_loop3A_495 = arith.constant 8.000000e+00 : f32
        %parallel_loop3A_496 = vector.broadcast %parallel_loop3A_495 : f32 to vector<16xf32>
        %parallel_loop3A_497 = arith.mulf %parallel_loop3A_494, %parallel_loop3A_496 : vector<16xf32>
        %parallel_loop3A_498 = arith.constant 1 : i32
        %parallel_loop3A_499 = arith.addi %parallel_loop3A_346, %parallel_loop3A_498 : i32
        %parallel_loop3A_500 = arith.constant 4 : i32
        %parallel_loop3A_501 = arith.index_cast %parallel_loop3A_500 : i32 to index
        %parallel_loop3A_502 = arith.index_cast %parallel_loop3A_499 : i32 to index
        %parallel_loop3A_503 = arith.constant 48 : index
        %parallel_loop3A_504 = tpu.vector_load %arg6[%parallel_loop3A_501, %parallel_loop3A_502, %parallel_loop3A_503] {strides = array<i32>} : memref<5x128x128xf32, #tpu.memory_space<vmem>>, vector<1x1x16xf32>,
        %parallel_loop3A_505 = vector.shape_cast %parallel_loop3A_504 : vector<1x1x16xf32> to vector<16xf32>
        %parallel_loop3A_506 = vector.shape_cast %parallel_loop3A_497 : vector<16xf32> to vector<1x1x16xf32>
        tpu.vector_store %arg6[%parallel_loop3A_501, %parallel_loop3A_502, %parallel_loop3A_503], %parallel_loop3A_506 {strides = array<i32>} : memref<5x128x128xf32, #tpu.memory_space<vmem>>, vector<1x1x16xf32>,
        %parallel_loop3A_507 = arith.constant 2 : i32
        %parallel_loop3A_508 = arith.addi %parallel_loop3A_346, %parallel_loop3A_507 : i32
        %parallel_loop3A_509 = arith.constant 4 : i32
        %parallel_loop3A_510 = arith.index_cast %parallel_loop3A_509 : i32 to index
        %parallel_loop3A_511 = arith.index_cast %parallel_loop3A_508 : i32 to index
        %parallel_loop3A_512 = arith.constant 0 : index
        %parallel_loop3A_513 = tpu.vector_load %arg6[%parallel_loop3A_510, %parallel_loop3A_511, %parallel_loop3A_512] {strides = array<i32>} : memref<5x128x128xf32, #tpu.memory_space<vmem>>, vector<1x1x16xf32>,
        %parallel_loop3A_514 = vector.shape_cast %parallel_loop3A_513 : vector<1x1x16xf32> to vector<16xf32>
        %parallel_loop3A_515 = arith.constant 8.000000e+00 : f32
        %parallel_loop3A_516 = vector.broadcast %parallel_loop3A_515 : f32 to vector<16xf32>
        %parallel_loop3A_517 = arith.mulf %parallel_loop3A_514, %parallel_loop3A_516 : vector<16xf32>
        %parallel_loop3A_518 = arith.constant 2 : i32
        %parallel_loop3A_519 = arith.addi %parallel_loop3A_346, %parallel_loop3A_518 : i32
        %parallel_loop3A_520 = arith.constant 4 : i32
        %parallel_loop3A_521 = arith.index_cast %parallel_loop3A_520 : i32 to index
        %parallel_loop3A_522 = arith.index_cast %parallel_loop3A_519 : i32 to index
        %parallel_loop3A_523 = arith.constant 0 : index
        %parallel_loop3A_524 = tpu.vector_load %arg6[%parallel_loop3A_521, %parallel_loop3A_522, %parallel_loop3A_523] {strides = array<i32>} : memref<5x128x128xf32, #tpu.memory_space<vmem>>, vector<1x1x16xf32>,
        %parallel_loop3A_525 = vector.shape_cast %parallel_loop3A_524 : vector<1x1x16xf32> to vector<16xf32>
        %parallel_loop3A_526 = vector.shape_cast %parallel_loop3A_517 : vector<16xf32> to vector<1x1x16xf32>
        tpu.vector_store %arg6[%parallel_loop3A_521, %parallel_loop3A_522, %parallel_loop3A_523], %parallel_loop3A_526 {strides = array<i32>} : memref<5x128x128xf32, #tpu.memory_space<vmem>>, vector<1x1x16xf32>,
        %parallel_loop3A_527 = arith.constant 2 : i32
        %parallel_loop3A_528 = arith.addi %parallel_loop3A_346, %parallel_loop3A_527 : i32
        %parallel_loop3A_529 = arith.constant 4 : i32
        %parallel_loop3A_530 = arith.index_cast %parallel_loop3A_529 : i32 to index
        %parallel_loop3A_531 = arith.index_cast %parallel_loop3A_528 : i32 to index
        %parallel_loop3A_532 = arith.constant 16 : index
        %parallel_loop3A_533 = tpu.vector_load %arg6[%parallel_loop3A_530, %parallel_loop3A_531, %parallel_loop3A_532] {strides = array<i32>} : memref<5x128x128xf32, #tpu.memory_space<vmem>>, vector<1x1x16xf32>,
        %parallel_loop3A_534 = vector.shape_cast %parallel_loop3A_533 : vector<1x1x16xf32> to vector<16xf32>
        %parallel_loop3A_535 = arith.constant 8.000000e+00 : f32
        %parallel_loop3A_536 = vector.broadcast %parallel_loop3A_535 : f32 to vector<16xf32>
        %parallel_loop3A_537 = arith.mulf %parallel_loop3A_534, %parallel_loop3A_536 : vector<16xf32>
        %parallel_loop3A_538 = arith.constant 2 : i32
        %parallel_loop3A_539 = arith.addi %parallel_loop3A_346, %parallel_loop3A_538 : i32
        %parallel_loop3A_540 = arith.constant 4 : i32
        %parallel_loop3A_541 = arith.index_cast %parallel_loop3A_540 : i32 to index
        %parallel_loop3A_542 = arith.index_cast %parallel_loop3A_539 : i32 to index
        %parallel_loop3A_543 = arith.constant 16 : index
        %parallel_loop3A_544 = tpu.vector_load %arg6[%parallel_loop3A_541, %parallel_loop3A_542, %parallel_loop3A_543] {strides = array<i32>} : memref<5x128x128xf32, #tpu.memory_space<vmem>>, vector<1x1x16xf32>,
        %parallel_loop3A_545 = vector.shape_cast %parallel_loop3A_544 : vector<1x1x16xf32> to vector<16xf32>
        %parallel_loop3A_546 = vector.shape_cast %parallel_loop3A_537 : vector<16xf32> to vector<1x1x16xf32>
        tpu.vector_store %arg6[%parallel_loop3A_541, %parallel_loop3A_542, %parallel_loop3A_543], %parallel_loop3A_546 {strides = array<i32>} : memref<5x128x128xf32, #tpu.memory_space<vmem>>, vector<1x1x16xf32>,
        %parallel_loop3A_547 = arith.constant 2 : i32
        %parallel_loop3A_548 = arith.addi %parallel_loop3A_346, %parallel_loop3A_547 : i32
        %parallel_loop3A_549 = arith.constant 4 : i32
        %parallel_loop3A_550 = arith.index_cast %parallel_loop3A_549 : i32 to index
        %parallel_loop3A_551 = arith.index_cast %parallel_loop3A_548 : i32 to index
        %parallel_loop3A_552 = arith.constant 32 : index
        %parallel_loop3A_553 = tpu.vector_load %arg6[%parallel_loop3A_550, %parallel_loop3A_551, %parallel_loop3A_552] {strides = array<i32>} : memref<5x128x128xf32, #tpu.memory_space<vmem>>, vector<1x1x16xf32>,
        %parallel_loop3A_554 = vector.shape_cast %parallel_loop3A_553 : vector<1x1x16xf32> to vector<16xf32>
        %parallel_loop3A_555 = arith.constant 8.000000e+00 : f32
        %parallel_loop3A_556 = vector.broadcast %parallel_loop3A_555 : f32 to vector<16xf32>
        %parallel_loop3A_557 = arith.mulf %parallel_loop3A_554, %parallel_loop3A_556 : vector<16xf32>
        %parallel_loop3A_558 = arith.constant 2 : i32
        %parallel_loop3A_559 = arith.addi %parallel_loop3A_346, %parallel_loop3A_558 : i32
        %parallel_loop3A_560 = arith.constant 4 : i32
        %parallel_loop3A_561 = arith.index_cast %parallel_loop3A_560 : i32 to index
        %parallel_loop3A_562 = arith.index_cast %parallel_loop3A_559 : i32 to index
        %parallel_loop3A_563 = arith.constant 32 : index
        %parallel_loop3A_564 = tpu.vector_load %arg6[%parallel_loop3A_561, %parallel_loop3A_562, %parallel_loop3A_563] {strides = array<i32>} : memref<5x128x128xf32, #tpu.memory_space<vmem>>, vector<1x1x16xf32>,
        %parallel_loop3A_565 = vector.shape_cast %parallel_loop3A_564 : vector<1x1x16xf32> to vector<16xf32>
        %parallel_loop3A_566 = vector.shape_cast %parallel_loop3A_557 : vector<16xf32> to vector<1x1x16xf32>
        tpu.vector_store %arg6[%parallel_loop3A_561, %parallel_loop3A_562, %parallel_loop3A_563], %parallel_loop3A_566 {strides = array<i32>} : memref<5x128x128xf32, #tpu.memory_space<vmem>>, vector<1x1x16xf32>,
        %parallel_loop3A_567 = arith.constant 2 : i32
        %parallel_loop3A_568 = arith.addi %parallel_loop3A_346, %parallel_loop3A_567 : i32
        %parallel_loop3A_569 = arith.constant 4 : i32
        %parallel_loop3A_570 = arith.index_cast %parallel_loop3A_569 : i32 to index
        %parallel_loop3A_571 = arith.index_cast %parallel_loop3A_568 : i32 to index
        %parallel_loop3A_572 = arith.constant 48 : index
        %parallel_loop3A_573 = tpu.vector_load %arg6[%parallel_loop3A_570, %parallel_loop3A_571, %parallel_loop3A_572] {strides = array<i32>} : memref<5x128x128xf32, #tpu.memory_space<vmem>>, vector<1x1x16xf32>,
        %parallel_loop3A_574 = vector.shape_cast %parallel_loop3A_573 : vector<1x1x16xf32> to vector<16xf32>
        %parallel_loop3A_575 = arith.constant 8.000000e+00 : f32
        %parallel_loop3A_576 = vector.broadcast %parallel_loop3A_575 : f32 to vector<16xf32>
        %parallel_loop3A_577 = arith.mulf %parallel_loop3A_574, %parallel_loop3A_576 : vector<16xf32>
        %parallel_loop3A_578 = arith.constant 2 : i32
        %parallel_loop3A_579 = arith.addi %parallel_loop3A_346, %parallel_loop3A_578 : i32
        %parallel_loop3A_580 = arith.constant 4 : i32
        %parallel_loop3A_581 = arith.index_cast %parallel_loop3A_580 : i32 to index
        %parallel_loop3A_582 = arith.index_cast %parallel_loop3A_579 : i32 to index
        %parallel_loop3A_583 = arith.constant 48 : index
        %parallel_loop3A_584 = tpu.vector_load %arg6[%parallel_loop3A_581, %parallel_loop3A_582, %parallel_loop3A_583] {strides = array<i32>} : memref<5x128x128xf32, #tpu.memory_space<vmem>>, vector<1x1x16xf32>,
        %parallel_loop3A_585 = vector.shape_cast %parallel_loop3A_584 : vector<1x1x16xf32> to vector<16xf32>
        %parallel_loop3A_586 = vector.shape_cast %parallel_loop3A_577 : vector<16xf32> to vector<1x1x16xf32>
        tpu.vector_store %arg6[%parallel_loop3A_581, %parallel_loop3A_582, %parallel_loop3A_583], %parallel_loop3A_586 {strides = array<i32>} : memref<5x128x128xf32, #tpu.memory_space<vmem>>, vector<1x1x16xf32>,
        %parallel_loop3A_587 = arith.constant 3 : i32
        %parallel_loop3A_588 = arith.addi %parallel_loop3A_346, %parallel_loop3A_587 : i32
        %parallel_loop3A_589 = arith.constant 4 : i32
        %parallel_loop3A_590 = arith.index_cast %parallel_loop3A_589 : i32 to index
        %parallel_loop3A_591 = arith.index_cast %parallel_loop3A_588 : i32 to index
        %parallel_loop3A_592 = arith.constant 0 : index
        %parallel_loop3A_593 = tpu.vector_load %arg6[%parallel_loop3A_590, %parallel_loop3A_591, %parallel_loop3A_592] {strides = array<i32>} : memref<5x128x128xf32, #tpu.memory_space<vmem>>, vector<1x1x16xf32>,
        %parallel_loop3A_594 = vector.shape_cast %parallel_loop3A_593 : vector<1x1x16xf32> to vector<16xf32>
        %parallel_loop3A_595 = arith.constant 8.000000e+00 : f32
        %parallel_loop3A_596 = vector.broadcast %parallel_loop3A_595 : f32 to vector<16xf32>
        %parallel_loop3A_597 = arith.mulf %parallel_loop3A_594, %parallel_loop3A_596 : vector<16xf32>
        %parallel_loop3A_598 = arith.constant 3 : i32
        %parallel_loop3A_599 = arith.addi %parallel_loop3A_346, %parallel_loop3A_598 : i32
        %parallel_loop3A_600 = arith.constant 4 : i32
        %parallel_loop3A_601 = arith.index_cast %parallel_loop3A_600 : i32 to index
        %parallel_loop3A_602 = arith.index_cast %parallel_loop3A_599 : i32 to index
        %parallel_loop3A_603 = arith.constant 0 : index
        %parallel_loop3A_604 = tpu.vector_load %arg6[%parallel_loop3A_601, %parallel_loop3A_602, %parallel_loop3A_603] {strides = array<i32>} : memref<5x128x128xf32, #tpu.memory_space<vmem>>, vector<1x1x16xf32>,
        %parallel_loop3A_605 = vector.shape_cast %parallel_loop3A_604 : vector<1x1x16xf32> to vector<16xf32>
        %parallel_loop3A_606 = vector.shape_cast %parallel_loop3A_597 : vector<16xf32> to vector<1x1x16xf32>
        tpu.vector_store %arg6[%parallel_loop3A_601, %parallel_loop3A_602, %parallel_loop3A_603], %parallel_loop3A_606 {strides = array<i32>} : memref<5x128x128xf32, #tpu.memory_space<vmem>>, vector<1x1x16xf32>,
        %parallel_loop3A_607 = arith.constant 3 : i32
        %parallel_loop3A_608 = arith.addi %parallel_loop3A_346, %parallel_loop3A_607 : i32
        %parallel_loop3A_609 = arith.constant 4 : i32
        %parallel_loop3A_610 = arith.index_cast %parallel_loop3A_609 : i32 to index
        %parallel_loop3A_611 = arith.index_cast %parallel_loop3A_608 : i32 to index
        %parallel_loop3A_612 = arith.constant 16 : index
        %parallel_loop3A_613 = tpu.vector_load %arg6[%parallel_loop3A_610, %parallel_loop3A_611, %parallel_loop3A_612] {strides = array<i32>} : memref<5x128x128xf32, #tpu.memory_space<vmem>>, vector<1x1x16xf32>,
        %parallel_loop3A_614 = vector.shape_cast %parallel_loop3A_613 : vector<1x1x16xf32> to vector<16xf32>
        %parallel_loop3A_615 = arith.constant 8.000000e+00 : f32
        %parallel_loop3A_616 = vector.broadcast %parallel_loop3A_615 : f32 to vector<16xf32>
        %parallel_loop3A_617 = arith.mulf %parallel_loop3A_614, %parallel_loop3A_616 : vector<16xf32>
        %parallel_loop3A_618 = arith.constant 3 : i32
        %parallel_loop3A_619 = arith.addi %parallel_loop3A_346, %parallel_loop3A_618 : i32
        %parallel_loop3A_620 = arith.constant 4 : i32
        %parallel_loop3A_621 = arith.index_cast %parallel_loop3A_620 : i32 to index
        %parallel_loop3A_622 = arith.index_cast %parallel_loop3A_619 : i32 to index
        %parallel_loop3A_623 = arith.constant 16 : index
        %parallel_loop3A_624 = tpu.vector_load %arg6[%parallel_loop3A_621, %parallel_loop3A_622, %parallel_loop3A_623] {strides = array<i32>} : memref<5x128x128xf32, #tpu.memory_space<vmem>>, vector<1x1x16xf32>,
        %parallel_loop3A_625 = vector.shape_cast %parallel_loop3A_624 : vector<1x1x16xf32> to vector<16xf32>
        %parallel_loop3A_626 = vector.shape_cast %parallel_loop3A_617 : vector<16xf32> to vector<1x1x16xf32>
        tpu.vector_store %arg6[%parallel_loop3A_621, %parallel_loop3A_622, %parallel_loop3A_623], %parallel_loop3A_626 {strides = array<i32>} : memref<5x128x128xf32, #tpu.memory_space<vmem>>, vector<1x1x16xf32>,
        %parallel_loop3A_627 = arith.constant 3 : i32
        %parallel_loop3A_628 = arith.addi %parallel_loop3A_346, %parallel_loop3A_627 : i32
        %parallel_loop3A_629 = arith.constant 4 : i32
        %parallel_loop3A_630 = arith.index_cast %parallel_loop3A_629 : i32 to index
        %parallel_loop3A_631 = arith.index_cast %parallel_loop3A_628 : i32 to index
        %parallel_loop3A_632 = arith.constant 32 : index
        %parallel_loop3A_633 = tpu.vector_load %arg6[%parallel_loop3A_630, %parallel_loop3A_631, %parallel_loop3A_632] {strides = array<i32>} : memref<5x128x128xf32, #tpu.memory_space<vmem>>, vector<1x1x16xf32>,
        %parallel_loop3A_634 = vector.shape_cast %parallel_loop3A_633 : vector<1x1x16xf32> to vector<16xf32>
        %parallel_loop3A_635 = arith.constant 8.000000e+00 : f32
        %parallel_loop3A_636 = vector.broadcast %parallel_loop3A_635 : f32 to vector<16xf32>
        %parallel_loop3A_637 = arith.mulf %parallel_loop3A_634, %parallel_loop3A_636 : vector<16xf32>
        %parallel_loop3A_638 = arith.constant 3 : i32
        %parallel_loop3A_639 = arith.addi %parallel_loop3A_346, %parallel_loop3A_638 : i32
        %parallel_loop3A_640 = arith.constant 4 : i32
        %parallel_loop3A_641 = arith.index_cast %parallel_loop3A_640 : i32 to index
        %parallel_loop3A_642 = arith.index_cast %parallel_loop3A_639 : i32 to index
        %parallel_loop3A_643 = arith.constant 32 : index
        %parallel_loop3A_644 = tpu.vector_load %arg6[%parallel_loop3A_641, %parallel_loop3A_642, %parallel_loop3A_643] {strides = array<i32>} : memref<5x128x128xf32, #tpu.memory_space<vmem>>, vector<1x1x16xf32>,
        %parallel_loop3A_645 = vector.shape_cast %parallel_loop3A_644 : vector<1x1x16xf32> to vector<16xf32>
        %parallel_loop3A_646 = vector.shape_cast %parallel_loop3A_637 : vector<16xf32> to vector<1x1x16xf32>
        tpu.vector_store %arg6[%parallel_loop3A_641, %parallel_loop3A_642, %parallel_loop3A_643], %parallel_loop3A_646 {strides = array<i32>} : memref<5x128x128xf32, #tpu.memory_space<vmem>>, vector<1x1x16xf32>,
        %parallel_loop3A_647 = arith.constant 3 : i32
        %parallel_loop3A_648 = arith.addi %parallel_loop3A_346, %parallel_loop3A_647 : i32
        %parallel_loop3A_649 = arith.constant 4 : i32
        %parallel_loop3A_650 = arith.index_cast %parallel_loop3A_649 : i32 to index
        %parallel_loop3A_651 = arith.index_cast %parallel_loop3A_648 : i32 to index
        %parallel_loop3A_652 = arith.constant 48 : index
        %parallel_loop3A_653 = tpu.vector_load %arg6[%parallel_loop3A_650, %parallel_loop3A_651, %parallel_loop3A_652] {strides = array<i32>} : memref<5x128x128xf32, #tpu.memory_space<vmem>>, vector<1x1x16xf32>,
        %parallel_loop3A_654 = vector.shape_cast %parallel_loop3A_653 : vector<1x1x16xf32> to vector<16xf32>
        %parallel_loop3A_655 = arith.constant 8.000000e+00 : f32
        %parallel_loop3A_656 = vector.broadcast %parallel_loop3A_655 : f32 to vector<16xf32>
        %parallel_loop3A_657 = arith.mulf %parallel_loop3A_654, %parallel_loop3A_656 : vector<16xf32>
        %parallel_loop3A_658 = arith.constant 3 : i32
        %parallel_loop3A_659 = arith.addi %parallel_loop3A_346, %parallel_loop3A_658 : i32
        %parallel_loop3A_660 = arith.constant 4 : i32
        %parallel_loop3A_661 = arith.index_cast %parallel_loop3A_660 : i32 to index
        %parallel_loop3A_662 = arith.index_cast %parallel_loop3A_659 : i32 to index
        %parallel_loop3A_663 = arith.constant 48 : index
        %parallel_loop3A_664 = tpu.vector_load %arg6[%parallel_loop3A_661, %parallel_loop3A_662, %parallel_loop3A_663] {strides = array<i32>} : memref<5x128x128xf32, #tpu.memory_space<vmem>>, vector<1x1x16xf32>,
        %parallel_loop3A_665 = vector.shape_cast %parallel_loop3A_664 : vector<1x1x16xf32> to vector<16xf32>
        %parallel_loop3A_666 = vector.shape_cast %parallel_loop3A_657 : vector<16xf32> to vector<1x1x16xf32>
        tpu.vector_store %arg6[%parallel_loop3A_661, %parallel_loop3A_662, %parallel_loop3A_663], %parallel_loop3A_666 {strides = array<i32>} : memref<5x128x128xf32, #tpu.memory_space<vmem>>, vector<1x1x16xf32>,
      } {sc.loop_unroll_factor = 2 : i64, sc.parallel_access}
      %mul3A_330 = arith.constant 128 : i32
      %mul3A_331 = arith.muli %add3A_304, %mul3A_330 : i32
      %add3A_332 = arith.addi %mul3A_4, %mul3A_331 : i32
      %dma_start3A_333 = arith.constant 4 : i32
      %dma_start3A_334 = arith.constant 0 : i32
      %dma_start3A_335 = arith.constant 0 : i32
      %dma_start3A_336 = tpu.memref_slice %arg6[%dma_start3A_333, %dma_start3A_334, %dma_start3A_335] : memref<5x128x128xf32, #tpu.memory_space<vmem>> -> memref<1x128x128xf32, #tpu.memory_space<vmem>>
      %dma_start3A_337 = tpu.memref_squeeze %dma_start3A_336 : memref<1x128x128xf32, #tpu.memory_space<vmem>> -> memref<128x128xf32, #tpu.memory_space<vmem>>
      %dma_start3A_338 = arith.constant 0 : i32
      %dma_start3A_339 = tpu.memref_slice %arg4[%add3A_332, %dma_start3A_338] : memref<819200x128xf32, #tpu.memory_space<hbm>> -> memref<128x128xf32, #tpu.memory_space<hbm>>
      %dma_start3A_340 = arith.constant 0 : i32
      %dma_start3A_341 = tpu.memref_slice %arg4[%add3A_332, %dma_start3A_340] : memref<819200x128xf32, #tpu.memory_space<hbm>> -> memref<128x128xf32, #tpu.memory_space<hbm>>
      %dma_start3A_342 = arith.constant 0 : i32
      %dma_start3A_343 = arith.constant 0 : i32
      %dma_start3A_344 = tpu.memref_slice %arg6[%dma_start3A_333, %dma_start3A_342, %dma_start3A_343] : memref<5x128x128xf32, #tpu.memory_space<vmem>> -> memref<1x128x128xf32, #tpu.memory_space<vmem>>
      %dma_start3A_345 = tpu.memref_squeeze %dma_start3A_344 : memref<1x128x128xf32, #tpu.memory_space<vmem>> -> memref<128x128xf32, #tpu.memory_space<vmem>>
      tpu.enqueue_dma source(%dma_start3A_345 : memref<128x128xf32, #tpu.memory_space<vmem>>) target(%dma_start3A_341 : memref<128x128xf32, #tpu.memory_space<hbm>>) target_semaphore(%arg16 : memref<!tpu.dma_semaphore, #tpu.memory_space<semaphore_mem>>)
    }
    %scan3A_55 = arith.constant 40 : i32
    %dma_wait3A = arith.constant 0 : i32
    %dma_wait3A_56 = arith.constant 0 : i32
    %dma_wait3A_57 = arith.constant 0 : i32
    %dma_wait3A_58 = tpu.memref_slice %arg6[%dma_wait3A, %dma_wait3A_56, %dma_wait3A_57] : memref<5x128x128xf32, #tpu.memory_space<vmem>> -> memref<1x128x128xf32, #tpu.memory_space<vmem>>
    %dma_wait3A_59 = tpu.memref_squeeze %dma_wait3A_58 : memref<1x128x128xf32, #tpu.memory_space<vmem>> -> memref<128x128xf32, #tpu.memory_space<vmem>>
    %dma_wait3A_60 = arith.constant 0 : i32
    %dma_wait3A_61 = arith.constant 0 : i32
    %dma_wait3A_62 = tpu.memref_slice %arg4[%dma_wait3A_60, %dma_wait3A_61] : memref<819200x128xf32, #tpu.memory_space<hbm>> -> memref<128x128xf32, #tpu.memory_space<hbm>>
    %dma_wait3A_63 = arith.constant 0 : i32
    %dma_wait3A_64 = arith.constant 0 : i32
    %dma_wait3A_65 = tpu.memref_slice %arg4[%dma_wait3A_63, %dma_wait3A_64] : memref<819200x128xf32, #tpu.memory_space<hbm>> -> memref<128x128xf32, #tpu.memory_space<hbm>>
    %dma_wait3A_66 = arith.constant 0 : i32
    %dma_wait3A_67 = arith.constant 0 : i32
    %dma_wait3A_68 = tpu.memref_slice %arg6[%dma_wait3A, %dma_wait3A_66, %dma_wait3A_67] : memref<5x128x128xf32, #tpu.memory_space<vmem>> -> memref<1x128x128xf32, #tpu.memory_space<vmem>>
    %dma_wait3A_69 = tpu.memref_squeeze %dma_wait3A_68 : memref<1x128x128xf32, #tpu.memory_space<vmem>> -> memref<128x128xf32, #tpu.memory_space<vmem>>
    tpu.wait_dma2 semaphore(%arg12 : memref<!tpu.dma_semaphore, #tpu.memory_space<semaphore_mem>>) src(%dma_wait3A_69 : memref<128x128xf32, #tpu.memory_space<vmem>>) dst(%dma_wait3A_65 : memref<128x128xf32, #tpu.memory_space<hbm>>)
    %dma_wait3A_70 = arith.constant 1 : i32
    %dma_wait3A_71 = arith.constant 0 : i32
    %dma_wait3A_72 = arith.constant 0 : i32
    %dma_wait3A_73 = tpu.memref_slice %arg6[%dma_wait3A_70, %dma_wait3A_71, %dma_wait3A_72] : memref<5x128x128xf32, #tpu.memory_space<vmem>> -> memref<1x128x128xf32, #tpu.memory_space<vmem>>
    %dma_wait3A_74 = tpu.memref_squeeze %dma_wait3A_73 : memref<1x128x128xf32, #tpu.memory_space<vmem>> -> memref<128x128xf32, #tpu.memory_space<vmem>>
    %dma_wait3A_75 = arith.constant 0 : i32
    %dma_wait3A_76 = arith.constant 0 : i32
    %dma_wait3A_77 = tpu.memref_slice %arg4[%dma_wait3A_75, %dma_wait3A_76] : memref<819200x128xf32, #tpu.memory_space<hbm>> -> memref<128x128xf32, #tpu.memory_space<hbm>>
    %dma_wait3A_78 = arith.constant 0 : i32
    %dma_wait3A_79 = arith.constant 0 : i32
    %dma_wait3A_80 = tpu.memref_slice %arg4[%dma_wait3A_78, %dma_wait3A_79] : memref<819200x128xf32, #tpu.memory_space<hbm>> -> memref<128x128xf32, #tpu.memory_space<hbm>>
    %dma_wait3A_81 = arith.constant 0 : i32
    %dma_wait3A_82 = arith.constant 0 : i32
    %dma_wait3A_83 = tpu.memref_slice %arg6[%dma_wait3A_70, %dma_wait3A_81, %dma_wait3A_82] : memref<5x128x128xf32, #tpu.memory_space<vmem>> -> memref<1x128x128xf32, #tpu.memory_space<vmem>>
    %dma_wait3A_84 = tpu.memref_squeeze %dma_wait3A_83 : memref<1x128x128xf32, #tpu.memory_space<vmem>> -> memref<128x128xf32, #tpu.memory_space<vmem>>
    tpu.wait_dma2 semaphore(%arg13 : memref<!tpu.dma_semaphore, #tpu.memory_space<semaphore_mem>>) src(%dma_wait3A_84 : memref<128x128xf32, #tpu.memory_space<vmem>>) dst(%dma_wait3A_80 : memref<128x128xf32, #tpu.memory_space<hbm>>)
    %dma_wait3A_85 = arith.constant 2 : i32
    %dma_wait3A_86 = arith.constant 0 : i32
    %dma_wait3A_87 = arith.constant 0 : i32
    %dma_wait3A_88 = tpu.memref_slice %arg6[%dma_wait3A_85, %dma_wait3A_86, %dma_wait3A_87] : memref<5x128x128xf32, #tpu.memory_space<vmem>> -> memref<1x128x128xf32, #tpu.memory_space<vmem>>
    %dma_wait3A_89 = tpu.memref_squeeze %dma_wait3A_88 : memref<1x128x128xf32, #tpu.memory_space<vmem>> -> memref<128x128xf32, #tpu.memory_space<vmem>>
    %dma_wait3A_90 = arith.constant 0 : i32
    %dma_wait3A_91 = arith.constant 0 : i32
    %dma_wait3A_92 = tpu.memref_slice %arg4[%dma_wait3A_90, %dma_wait3A_91] : memref<819200x128xf32, #tpu.memory_space<hbm>> -> memref<128x128xf32, #tpu.memory_space<hbm>>
    %dma_wait3A_93 = arith.constant 0 : i32
    %dma_wait3A_94 = arith.constant 0 : i32
    %dma_wait3A_95 = tpu.memref_slice %arg4[%dma_wait3A_93, %dma_wait3A_94] : memref<819200x128xf32, #tpu.memory_space<hbm>> -> memref<128x128xf32, #tpu.memory_space<hbm>>
    %dma_wait3A_96 = arith.constant 0 : i32
    %dma_wait3A_97 = arith.constant 0 : i32
    %dma_wait3A_98 = tpu.memref_slice %arg6[%dma_wait3A_85, %dma_wait3A_96, %dma_wait3A_97] : memref<5x128x128xf32, #tpu.memory_space<vmem>> -> memref<1x128x128xf32, #tpu.memory_space<vmem>>
    %dma_wait3A_99 = tpu.memref_squeeze %dma_wait3A_98 : memref<1x128x128xf32, #tpu.memory_space<vmem>> -> memref<128x128xf32, #tpu.memory_space<vmem>>
    tpu.wait_dma2 semaphore(%arg14 : memref<!tpu.dma_semaphore, #tpu.memory_space<semaphore_mem>>) src(%dma_wait3A_99 : memref<128x128xf32, #tpu.memory_space<vmem>>) dst(%dma_wait3A_95 : memref<128x128xf32, #tpu.memory_space<hbm>>)
    %dma_wait3A_100 = arith.constant 3 : i32
    %dma_wait3A_101 = arith.constant 0 : i32
    %dma_wait3A_102 = arith.constant 0 : i32
    %dma_wait3A_103 = tpu.memref_slice %arg6[%dma_wait3A_100, %dma_wait3A_101, %dma_wait3A_102] : memref<5x128x128xf32, #tpu.memory_space<vmem>> -> memref<1x128x128xf32, #tpu.memory_space<vmem>>
    %dma_wait3A_104 = tpu.memref_squeeze %dma_wait3A_103 : memref<1x128x128xf32, #tpu.memory_space<vmem>> -> memref<128x128xf32, #tpu.memory_space<vmem>>
    %dma_wait3A_105 = arith.constant 0 : i32
    %dma_wait3A_106 = arith.constant 0 : i32
    %dma_wait3A_107 = tpu.memref_slice %arg4[%dma_wait3A_105, %dma_wait3A_106] : memref<819200x128xf32, #tpu.memory_space<hbm>> -> memref<128x128xf32, #tpu.memory_space<hbm>>
    %dma_wait3A_108 = arith.constant 0 : i32
    %dma_wait3A_109 = arith.constant 0 : i32
    %dma_wait3A_110 = tpu.memref_slice %arg4[%dma_wait3A_108, %dma_wait3A_109] : memref<819200x128xf32, #tpu.memory_space<hbm>> -> memref<128x128xf32, #tpu.memory_space<hbm>>
    %dma_wait3A_111 = arith.constant 0 : i32
    %dma_wait3A_112 = arith.constant 0 : i32
    %dma_wait3A_113 = tpu.memref_slice %arg6[%dma_wait3A_100, %dma_wait3A_111, %dma_wait3A_112] : memref<5x128x128xf32, #tpu.memory_space<vmem>> -> memref<1x128x128xf32, #tpu.memory_space<vmem>>
    %dma_wait3A_114 = tpu.memref_squeeze %dma_wait3A_113 : memref<1x128x128xf32, #tpu.memory_space<vmem>> -> memref<128x128xf32, #tpu.memory_space<vmem>>
    tpu.wait_dma2 semaphore(%arg15 : memref<!tpu.dma_semaphore, #tpu.memory_space<semaphore_mem>>) src(%dma_wait3A_114 : memref<128x128xf32, #tpu.memory_space<vmem>>) dst(%dma_wait3A_110 : memref<128x128xf32, #tpu.memory_space<hbm>>)
    %dma_wait3A_115 = arith.constant 4 : i32
    %dma_wait3A_116 = arith.constant 0 : i32
    %dma_wait3A_117 = arith.constant 0 : i32
    %dma_wait3A_118 = tpu.memref_slice %arg6[%dma_wait3A_115, %dma_wait3A_116, %dma_wait3A_117] : memref<5x128x128xf32, #tpu.memory_space<vmem>> -> memref<1x128x128xf32, #tpu.memory_space<vmem>>
    %dma_wait3A_119 = tpu.memref_squeeze %dma_wait3A_118 : memref<1x128x128xf32, #tpu.memory_space<vmem>> -> memref<128x128xf32, #tpu.memory_space<vmem>>
    %dma_wait3A_120 = arith.constant 0 : i32
    %dma_wait3A_121 = arith.constant 0 : i32
    %dma_wait3A_122 = tpu.memref_slice %arg4[%dma_wait3A_120, %dma_wait3A_121] : memref<819200x128xf32, #tpu.memory_space<hbm>> -> memref<128x128xf32, #tpu.memory_space<hbm>>
    %dma_wait3A_123 = arith.constant 0 : i32
    %dma_wait3A_124 = arith.constant 0 : i32
    %dma_wait3A_125 = tpu.memref_slice %arg4[%dma_wait3A_123, %dma_wait3A_124] : memref<819200x128xf32, #tpu.memory_space<hbm>> -> memref<128x128xf32, #tpu.memory_space<hbm>>
    %dma_wait3A_126 = arith.constant 0 : i32
    %dma_wait3A_127 = arith.constant 0 : i32
    %dma_wait3A_128 = tpu.memref_slice %arg6[%dma_wait3A_115, %dma_wait3A_126, %dma_wait3A_127] : memref<5x128x128xf32, #tpu.memory_space<vmem>> -> memref<1x128x128xf32, #tpu.memory_space<vmem>>
    %dma_wait3A_129 = tpu.memref_squeeze %dma_wait3A_128 : memref<1x128x128xf32, #tpu.memory_space<vmem>> -> memref<128x128xf32, #tpu.memory_space<vmem>>
    tpu.wait_dma2 semaphore(%arg16 : memref<!tpu.dma_semaphore, #tpu.memory_space<semaphore_mem>>) src(%dma_wait3A_129 : memref<128x128xf32, #tpu.memory_space<vmem>>) dst(%dma_wait3A_125 : memref<128x128xf32, #tpu.memory_space<hbm>>)
    return
  }
}

</mosaic_0001>

<sc_bundles>
// kernel: kernel.3.cloned.1.call-start
scs
__scs_entry_jumppad:
0x0: {  	(pc) =	sbr.rel $0x88, $3  }
0x1: {  	(tag) =	ssettag $0x0;
	lr =	simm.s32 $0x1  }
0x2: {  	[smem:$0x3F9F] =	sst lr;
	_ =	strace $0xD0000000  }
0x3: {  	_ = 	snop  }
0x4: {  	_ = 	snop  }
0x5: {  	_ = 	snop  }
0x6: {  	_ = 	snop  }
0x7: {  	_ = 	snop  }
__scs_overlays_trampoline_lowered:
0x8: {  	[smem:$0x3FAE] =	sst s0  }
0x9: {  	[smem:$0x3FAF] =	sst s1  }
0xa: {  	[smem:$0x3FB0] =	sst s2  }
0xb: {  	[smem:$0x3FB1] =	sst s3  }
0xc: {  	[smem:$0x3FB2] =	sst s4  }
0xd: {  	[smem:$0x3FB3] =	sst s5  }
0xe: {  	[smem:$0x3FB4] =	sst s6  }
0xf: {  	[smem:$0x3FB5] =	sst s7  }
0x10: {  	[smem:$0x3FB6] =	sst s8  }
0x11: {  	[smem:$0x3FB7] =	sst s9;
	s0 =	simm.s32 @!p0 $0x0  }
0x12: {  	s1 =	sld [smem:$0x3F9D];
	s0 =	simm.s32 @p0 $0x1  }
0x13: {  	[smem:$0x3FB8] =	sst s0;
	s0 =	simm.s32 @!p1 $0x0  }
0x14: {  	s2 =	sld [smem:$0x3F9C];
	s0 =	simm.s32 @p1 $0x1  }
0x15: {  	[smem:$0x3FB9] =	sst s0;
	s0 =	simm.s32 @!p2 $0x0  }
0x16: {  	s3 =	sld [smem:$0x3FDB];
	s0 =	simm.s32 @p2 $0x1  }
0x17: {  	s4 =	simm.s32 $0x1BF5;
	[smem:$0x3FBB] =	sst s0  }
0x18: {  	s0 =	sld [smem:$0x3F9E];
	_ =	swait.ge [sflag:s4], $0x0  }
0x19: {  	s7 =	sld [smem:$0x3F9F]  }
0x1a: {  	s8 =	sadd.s32 $0xFFFFE003, lr  }
0x1b: {  	s9 =	sadd.s32 $0xFFFFFEF7, lr;
	s5 =	simm.s32 $0xFFFFFFFF;
	p2 =	slt.u32 s8, $0xFFFFF086  }
0x1c: {  	p1 =	slt.u32 s9, $0xF7A;
	s5 =	simm.s32 @!p2 $0x0  }
0x1d: {  	s5 =	simm.s32 @p1 $0x1;
	p0 =	seq.s32 s7, s2  }
0x1e: {  	s7 =	smul.u32 @!p0 $0xF7A, s2;
	p2 =	seq.s32 @!p0 s5, $0x0  }
0x1f: {  	s9 =	smul.u32 $0xF7A, s1;
	s8 =	simm.s32 @!p0 $0x1BF5;
	p2 =	por !p2, p0  }
0x20: {  	[sflag:s8] =	ssyncset.s32 @!p0 $0xFFFFF086;
	s6 =	sadd.s32 @!p0 s3, s7;
	s7 =	simm.s32 @!p0 $0x108  }
0x21: {  	s3 =	sadd.s32 s3, s9;
	s6 =	sadd.s32 @!p0 $0x88, s6;
	s7 =	simm.s32 @p2 $0x1082  }
0x22: {  	[simem:s7], [sflag:s8] =	dma.local @!p0 [hbm:s6], $0xF7A  }
0x23: {  	s9 =	sor.u32 $0xD0000000, s2;
	s6 =	simm.s32 $0x108;
	_ =	swait.ge @!p0 [sflag:s8], $0x0  }
0x24: {  	s3 =	sadd.s32 $0x88, s3;
	s6 =	simm.s32 @!p1 $0x1082;
	[sflag:s4] =	ssyncset.s32 $0xFFFFF086  }
0x25: {  	[simem:s6], [sflag:s4] =	dma.local [hbm:s3], $0xF7A  }
0x26: {  	[smem:$0x3F9F] =	sst s1;
	(tag) =	ssettag s2;
	_ =	strace s9  }
0x27: {  	s1 =	sld [smem:$0x3FAF]  }
0x28: {  	s2 =	sld [smem:$0x3FB0]  }
0x29: {  	s4 =	sld [smem:$0x3FB2]  }
0x2a: {  	p0 =	seq.s32 s5, $0x0;
	s5 =	sld [smem:$0x3FB3]  }
0x2b: {  	s6 =	sld [smem:$0x3FB4]  }
0x2c: {  	s7 =	sld [smem:$0x3FB5]  }
0x2d: {  	s3 =	simm.s32 $0x108;
	s8 =	sld [smem:$0x3FB6]  }
0x2e: {  	s3 =	simm.s32 @!p0 $0x1082;
	s9 =	sld [smem:$0x3FB7]  }
0x2f: {  	lr =	sadd.s32 s0, s3;
	s0 =	sld [smem:$0x3FAE]  }
0x30: {  	s3 =	sld [smem:$0x3FB1]  }
0x31: {  	[smem:$0x3FBA] =	sst s10  }
0x32: {  	s10 =	sld [smem:$0x3FB8];
	_ =	sdelay $0x3  }
0x33: {  	p0 =	seq.s32 s10, $0x1;
	s10 =	sld [smem:$0x3FBA];
	_ =	sdelay $0x3  }
0x34: {  	[smem:$0x3FBA] =	sst s10  }
0x35: {  	s10 =	sld [smem:$0x3FB9];
	_ =	sdelay $0x3  }
0x36: {  	p1 =	seq.s32 s10, $0x1;
	s10 =	sld [smem:$0x3FBA];
	_ =	sdelay $0x3  }
0x37: {  	[smem:$0x3FBA] =	sst s10  }
0x38: {  	s10 =	sld [smem:$0x3FBB]  }
0x39: {  	_ = 	snop;
	(pc) =	sbr.ind lr, $3  }
0x3a: {  	_ = 	snop  }
0x3b: {  	_ = 	snop  }
0x3c: {  	p2 =	seq.s32 s10, $0x1;
	s10 =	sld [smem:$0x3FBA]  }
0x3d: {  	_ =	shalt  }
0x3e: {  	_ =	shalt  }
0x3f: {  	_ =	shalt  }
0x40: {  	_ =	shalt  }
0x41: {  	_ =	shalt  }
0x42: {  	_ =	shalt  }
0x43: {  	_ =	shalt  }
0x44: {  	_ =	shalt  }
0x45: {  	_ =	shalt  }
0x46: {  	_ =	shalt  }
0x47: {  	_ =	shalt  }
0x48: {  	_ =	shalt  }
0x49: {  	_ =	shalt  }
0x4a: {  	_ =	shalt  }
0x4b: {  	_ =	shalt  }
0x4c: {  	_ =	shalt  }
0x4d: {  	_ =	shalt  }
0x4e: {  	_ =	shalt  }
0x4f: {  	_ =	shalt  }
0x50: {  	_ =	shalt  }
0x51: {  	_ =	shalt  }
0x52: {  	_ =	shalt  }
0x53: {  	_ =	shalt  }
0x54: {  	_ =	shalt  }
0x55: {  	_ =	shalt  }
0x56: {  	_ =	shalt  }
0x57: {  	_ =	shalt  }
0x58: {  	_ =	shalt  }
0x59: {  	_ =	shalt  }
0x5a: {  	_ =	shalt  }
0x5b: {  	_ =	shalt  }
0x5c: {  	_ =	shalt  }
0x5d: {  	_ =	shalt  }
0x5e: {  	_ =	shalt  }
0x5f: {  	_ =	shalt  }
0x60: {  	_ =	shalt  }
0x61: {  	_ =	shalt  }
0x62: {  	_ =	shalt  }
0x63: {  	_ =	shalt  }
0x64: {  	_ =	shalt  }
0x65: {  	_ =	shalt  }
0x66: {  	_ =	shalt  }
0x67: {  	_ =	shalt  }
0x68: {  	_ =	shalt  }
0x69: {  	_ =	shalt  }
0x6a: {  	_ =	shalt  }
0x6b: {  	_ =	shalt  }
0x6c: {  	_ =	shalt  }
0x6d: {  	_ =	shalt  }
0x6e: {  	_ =	shalt  }
0x6f: {  	_ =	shalt  }
0x70: {  	_ =	shalt  }
0x71: {  	_ =	shalt  }
0x72: {  	_ =	shalt  }
0x73: {  	_ =	shalt  }
0x74: {  	_ =	shalt  }
0x75: {  	_ =	shalt  }
0x76: {  	_ =	shalt  }
0x77: {  	_ =	shalt  }
0x78: {  	_ =	shalt  }
0x79: {  	_ =	shalt  }
0x7a: {  	_ =	shalt  }
0x7b: {  	_ =	shalt  }
0x7c: {  	_ =	shalt  }
0x7d: {  	_ =	shalt  }
0x7e: {  	_ =	shalt  }
0x7f: {  	_ =	shalt  }
0x80: {  	_ =	shalt  }
0x81: {  	_ =	shalt  }
0x82: {  	_ =	shalt  }
0x83: {  	_ =	shalt  }
0x84: {  	_ =	shalt  }
0x85: {  	_ =	shalt  }
0x86: {  	_ =	shalt  }
0x87: {  	_ =	shalt  }
.Lfunc_end0:
.L_simem_size_0:
called_computation.1_lowered:
.L_overlay_start_0:
0x88: {  	s2 =	sld [smem:$0x3FD9]  }
0x89: {  	s3 =	sld [smem:$0x3FFE];
	_ =	sdelay $0x1  }
0x8a: {  	s1 =	srdreg.scid  }
0x8b: {  	s0 =	sand.u32 $0x1, s1  }
0x8c: {  	s17 =	sshll.u32 s0, $0xA;
	s2 =	sadd.s32 s3, s2  }
0x8d: {  	s2 =	sadd.s32 s2, s17  }
0x8e: {  	[smem:$0x3FC6] =	sst s2  }
0x8f: {  	_ = 	snop  }
0x90: {  	s2 =	sld [smem:$0x3FD0];
	(tm) =	ssettm $0x1  }
0x91: {  	s18 =	sld [smem:$0x3FFB];
	_ =	sdelay $0x3  }
0x92: {  	_ =	strace s18  }
0x93: {  	s3 =	sld [smem:$0x3FFC];
	_ =	sdelay $0x3  }
0x94: {  	_ =	strace s3  }
0x95: {  	s3 =	sld [smem:$0x3FFD];
	_ =	sdelay $0x3  }
0x96: {  	_ =	strace s3  }
0x97: {  	_ =	strace $0x8FFFFFFF  }
0x98: {  	s19 =	sld [smem:$0x3FDB];
	_ =	sdelay $0x1  }
0x99: {  	s4 =	simm.s32 $_scs_section_size  }
0x9a: {  	s5 =	simm.s32 $_size__tile_overlayer_lowered;
	s6 =	simm.s32 $_tile_overlayer_lowered  }
0x9b: {  	s22 =	simm.s32 $0x1BFF;
	s21 =	sshll.u32 s6, $0x1;
	s3 =	sadd.s32 s4, s19  }
0x9c: {  	s7 =	simm.s32 $0x0;
	s20 =	sshll.u32 s5, $0x1;
	s5 =	sadd.s32 s21, s3  }
0x9d: {  	[timem:s7], [sflag:s22] =	dma.local [hbm:s5], s20  }
0x9e: {  	_ =	swait.ge [sflag:s22], s20  }
0x9f: {  	s4 =	ssub.s32 $0x0, s20;
	[sflag:s22] =	ssyncset.done $0x0  }
0xa0: {  	[sflag:s22] =	ssyncadd.s32 s4;
	_ =	sdelay $0x1  }
0xa1: {  	s23 =	simm.s32 $0x1B8B  }
0xa2: {  	_ =	swait.ge [sflag:s23], $0x1  }
0xa3: {  	[sflag:s23] =	ssyncset.done $0x0  }
0xa4: {  	s25 =	simm.s32 $0x1B8E;
	s24 =	sld [smem:$0x3FFE];
	[sflag:s23] =	ssyncadd.s32 $0xFFFFFFFF  }
0xa5: {  	s26 =	simm.s32 $execute0_lowered;
	[smem:$0x3FD2] =	sst s25  }
0xa6: {  	s5 =	sshll.u32 s26, $0x1;
	_ =	strace $0x80000046;
	[dreg:$0x1] =	wrdreg $0xFFFFFFFF  }
0xa7: {  	s28 =	simm.s32 $_size_execute0_lowered;
	s3 =	sadd.s32 s3, s5;
	[dreg:$0x0] =	wrdreg $0x0  }
0xa8: {  	s5 =	sshll.u32 s28, $0x1;
	[dreg:$0x2] =	wrdreg s3  }
0xa9: {  	[dreg:$0x3] =	wrdreg s5  }
0xaa: {  	[dreg:$0x4] =	wrdreg $0xC0  }
0xab: {  	_ =	task [dreg:s7], $0x5FFFF  }
0xac: {  	[dreg:$0x1] =	wrdreg $0xFFFFFFFF  }
0xad: {  	[dreg:$0x0] =	wrdreg $0x60  }
0xae: {  	[dreg:$0x2] =	wrdreg s2  }
0xaf: {  	[dreg:$0x3] =	wrdreg s24  }
0xb0: {  	[dreg:$0x4] =	wrdreg $0x9  }
0xb1: {  	_ =	task.clear_ibuf [dreg:s7], $0x5FFFF;
	_ =	strace $0x90000046  }
0xb2: {  	s29 =	simm.s32 $0x9;
	_ =	strace $0x80000048  }
0xb3: {  	_ =	swait.ge [sflag:s29], $0x1  }
0xb4: {  	[sflag:s29] =	ssyncadd.s32 $0xFFFFFFFF  }
0xb5: {  	_ =	strace $0x90000048  }
0xb6: {  	_ =	sfence  }
0xb7: {  	s30 =	sld [smem:$0x0];
	_ =	sdelay $0x2  }
0xb8: {  	s31 =	sshll.u32 s1, $0xD;
	s1 =	sshrl.u32 s1, $0x2  }
0xb9: {  	s3 =	sand.u32 $0x4000, s31;
	s1 =	sadd.s32 s1, s30  }
0xba: {  	s0 =	sor.u32 s3, s0;
	s1 =	sshll.u32 s1, $0x11  }
0xbb: {  	s0 =	sor.u32 s1, s0  }
0xbc: {  	s0 =	sadd.s32 $0x8F2B, s0  }
0xbd: {  	[sflag:s0] =	ssyncadd.remote.s32 $0x1  }
0xbe: {  	_ =	sfence.sel $0xFFFF  }
0xbf: {  	[dreg:$0x0] =	wrdreg $0xFFFFFFFF;
	(pc) =	sbr.abs _section_cstart, $3  }
0xc0: {  	[dreg:$0x1] =	wrdreg $0xFFFFFFFF  }
0xc1: {  	_ =	task.clear_ibuf [dreg:s7], $0x2FFFF;
	_ =	strace $0x9FFFFFFF  }
0xc2: {  	(tm) =	ssettm $0x7FFFFFFF  }
0xc3: {  	_ =	shalt  }
tec
execute0_lowered:
.L_overlay_start_1:
0x0: {  	(tag) =	ssettag $0x1  }
0x1: {  	s0 =	rddreg [dreg:$0x0];
	s1 =	srdreg.scid  }
0x2: {  	s2 =	stileid.u32;
	s6 =	rddreg [dreg:$0x1];
	s13 =	simm.s32 $0x80  }
0x3: {  	s14 =	simm.s32 $0x6400;
	s15 =	simm.s32 $0xA400;
	s17 =	simm.s32 $0xE400  }
0x4: {  	s19 =	simm.s32 $0x12400;
	s20 =	simm.s32 $0x16400;
	s21 =	simm.s32 $0x1  }
0x5: {  	s22 =	simm.s32 $0x2;
	s23 =	simm.s32 $0x3;
	s24 =	simm.s32 $0x4  }
0x6: {  	s25 =	simm.s32 $0x5;
	s28 =	simm.s32 $0x7;
	s29 =	simm.s32 $0x8  }
0x7: {  	s30 =	simm.s32 $0x9;
	s1 =	sand.u32 $0x1, s1;
	s3 =	sshll.u32 s2, $0x1  }
0x8: {  	s31 =	simm.s32 $0xA;
	s2 =	simm.s32 $0x0;
	s5 =	sor.u32 s1, s3  }
0x9: {  	s4 =	sadd.s32 $0xF42E00, s6;
	s6 =	sadd.s32 $0xA00, s6;
	s3 =	smul.u32 $0x6400, s5  }
0xa: {  	[smem:$0x7FF] =	sst s2;
	s1 =	ssub.s32 $0x2, s1;
	s7 =	smul.u32 $0xC80, s5  }
0xb: {  	_ =	strace $0x80000047;
	s8 =	sshrl.u32 s1, $0x1;
	s5 =	smul.u32 $0x320000, s5  }
0xc: {  	s1 =	ssub.s32 s1, s8;
	s0 =	sadd.s32 s0, s7;
	s8 =	sor.u32 $0x80, s3  }
0xd: {  	s9 =	sor.u32 $0x8000, s5;
	s26 =	smax.u32 s1, $0x1;
	[dreg:$0x3] =	wrdreg s0  }
0xe: {  	s10 =	sor.u32 $0xC000, s5;
	s1 =	simm.s32 $0x0;
	[dreg:$0x4] =	wrdreg s26  }
.LBB2_1:
0xf: {  	s0 =	rddreg [dreg:$0x3];
	s16 =	simm.s32 $0xB  }
0x10: {  	[tilespmem:s2], [sflag:$0xB] =	stream.linear.gather [hbm4b:s0+s2], $0x6400, $0x38;
	[tilespmem:$0x1A400] =	vst v63  }
0x11: {  	_ =	swait.ge [sflag:s16], $0x6400  }
0x12: {  	[sflag:s16] =	ssyncset.done $0x0  }
0x13: {  	[sflag:s16] =	ssyncadd.s32 $0xFFFF9C00  }
0x14: {  	[tilespmem:s14], [sflag:$0x1] =	stream.indirect.gather [hbm4b:s4+s13], $0x80, s2, s13, $0xb8;
	[tilespmem:$0x1A400] =	vst v63  }
0x15: {  	_ = 	snop  }
0x16: {  	[tilespmem:s15], [sflag:$0x2] =	stream.indirect.gather [hbm4b:s4+s13], $0x80, s13, s13, $0xb8;
	[tilespmem:$0x1A400] =	vst v63  }
0x17: {  	s18 =	simm.s32 $0x100  }
0x18: {  	[tilespmem:s17], [sflag:$0x3] =	stream.indirect.gather [hbm4b:s4+s13], $0x80, s18, s13, $0xb8;
	[tilespmem:$0x1A400] =	vst v63  }
0x19: {  	s26 =	simm.s32 $0x180;
	s0 =	simm.s32 $0x0  }
0x1a: {  	[tilespmem:s19], [sflag:$0x4] =	stream.indirect.gather [hbm4b:s4+s13], $0x80, s26, s13, $0xb8;
	[tilespmem:$0x1A400] =	vst v63  }
.LBB2_2:
0x1b: {  	s7 =	smul.u32 $0x5, s0;
	p0 =	seq.s32 s0, $0x0  }
0x1c: {  	s11 =	simm.s32 @!p0 $0xA  }
0x1d: {  	s16 =	sadd.s32 $0x4, s7;
	_ =	swait.ge @!p0 [sflag:s11], $0x4000  }
0x1e: {  	[sflag:s11] =	ssyncset.done @!p0 $0x0;
	s7 =	sshll.u32 s16, $0x7  }
0x1f: {  	[sflag:s11] =	ssyncadd.s32 @!p0 $0xFFFFC000;
	s7 =	sand.u32 $0x3FFFFF80, s7  }
0x20: {  	[tilespmem:s20], [sflag:$0x5] =	stream.indirect.gather [hbm4b:s4+s13], $0x80, s7, s13, $0xb8;
	[tilespmem:$0x1A400] =	vst v63  }
0x21: {  	_ =	swait.ge [sflag:s21], $0x4000  }
0x22: {  	[sflag:s21] =	ssyncset.done $0x0  }
0x23: {  	s18 =	simm.s32 $0x6600;
	[sflag:s21] =	ssyncadd.s32 $0xFFFFC000  }
0x24: {  	v0 =	vld [tilespmem:s18+$0xFFFFFE10]  }
0x25: {  	v1 =	vld [tilespmem:s18+$0xFFFFFE20]  }
0x26: {  	v2 =	vld [tilespmem:s18+$0xFFFFFE30]  }
0x27: {  	v5 =	vld [tilespmem:s18+$0xFFFFFEA0]  }
0x28: {  	v3 =	vld [tilespmem:s18+$0xFFFFFE80]  }
0x29: {  	v4 =	vld [tilespmem:s18+$0xFFFFFE90]  }
0x2a: {  	v6 =	vld [tilespmem:s18+$0xFFFFFEB0];
	v0 =	vmul.f32 $8.000000000e+00, v0  }
0x2b: {  	v7 =	vld [tilespmem:s18+$0x1B0];
	v1 =	vmul.f32 $8.000000000e+00, v1  }
0x2c: {  	v8 =	vld [tilespmem:s18+$0x10];
	v5 =	vmul.f32 $8.000000000e+00, v5;
	[tilespmem:s18+$0xFFFFFE10] =	vst v0  }
0x2d: {  	v9 =	vld [tilespmem:s18+$0x20];
	v2 =	vmul.f32 $8.000000000e+00, v2;
	[tilespmem:s18+$0xFFFFFE20] =	vst v1  }
0x2e: {  	v3 =	vmul.f32 $8.000000000e+00, v3;
	[tilespmem:s18+$0xFFFFFEA0] =	vst v5;
	v5 =	vld [tilespmem:s18+$0x0]  }
0x2f: {  	v4 =	vmul.f32 $8.000000000e+00, v4;
	v0 =	vld [tilespmem:s18+$0xFFFFFF00];
	[tilespmem:s18+$0xFFFFFE30] =	vst v2  }
0x30: {  	v6 =	vmul.f32 $8.000000000e+00, v6;
	v1 =	vld [tilespmem:s18+$0xFFFFFF10];
	[tilespmem:s18+$0xFFFFFE80] =	vst v3  }
0x31: {  	v8 =	vmul.f32 $8.000000000e+00, v8;
	v2 =	vld [tilespmem:s18+$0xFFFFFF20];
	[tilespmem:s18+$0xFFFFFE90] =	vst v4  }
0x32: {  	v10 =	vld [tilespmem:s18+$0x30];
	v4 =	vmul.f32 $8.000000000e+00, v7;
	[tilespmem:s18+$0xFFFFFEB0] =	vst v6  }
0x33: {  	v3 =	vld [tilespmem:s18+$0xFFFFFF30];
	[tilespmem:s18+$0x10] =	vst v8;
	v5 =	vmul.f32 $8.000000000e+00, v5  }
0x34: {  	v7 =	vld [tilespmem:s18+$0xFFFFFF80];
	[tilespmem:s18+$0x1B0] =	vst v4;
	v0 =	vmul.f32 $8.000000000e+00, v0  }
0x35: {  	v4 =	vld [tilespmem:s18+$0xFFFFFF90];
	v1 =	vmul.f32 $8.000000000e+00, v1;
	[tilespmem:s18+$0x0] =	vst v5  }
0x36: {  	v11 =	vld [tilespmem:s18+$0x80];
	v2 =	vmul.f32 $8.000000000e+00, v2;
	[tilespmem:s18+$0xFFFFFF00] =	vst v0  }
0x37: {  	v12 =	vld [tilespmem:s18+$0x90];
	v0 =	vmul.f32 $8.000000000e+00, v9;
	[tilespmem:s18+$0xFFFFFF10] =	vst v1  }
0x38: {  	v6 =	vld [tilespmem:s18+$0xA0];
	v1 =	vmul.f32 $8.000000000e+00, v3;
	[tilespmem:s18+$0xFFFFFF20] =	vst v2  }
0x39: {  	v13 =	vld [tilespmem:s18+$0xB0];
	v2 =	vmul.f32 $8.000000000e+00, v7;
	[tilespmem:s18+$0x20] =	vst v0  }
0x3a: {  	v62 =	vld [tilespmem:s18+$0x100];
	v3 =	vmul.f32 $8.000000000e+00, v4;
	[tilespmem:s18+$0xFFFFFF30] =	vst v1  }
0x3b: {  	v8 =	vld [tilespmem:s18+$0xFFFFFFB0];
	v0 =	vmul.f32 $8.000000000e+00, v10;
	[tilespmem:s18+$0xFFFFFF80] =	vst v2  }
0x3c: {  	v5 =	vld [tilespmem:s18+$0xFFFFFFA0];
	v1 =	vmul.f32 $8.000000000e+00, v12;
	[tilespmem:s18+$0xFFFFFF90] =	vst v3  }
0x3d: {  	v2 =	vmul.f32 $8.000000000e+00, v6;
	[tilespmem:s18+$0x30] =	vst v0  }
0x3e: {  	v63 =	vld [tilespmem:s18+$0x110];
	v0 =	vmul.f32 $8.000000000e+00, v11;
	[tilespmem:s18+$0x90] =	vst v1  }
0x3f: {  	v7 =	vld [tilespmem:s18+$0x120];
	v3 =	vmul.f32 $8.000000000e+00, v13;
	[tilespmem:s18+$0xA0] =	vst v2  }
0x40: {  	v6 =	vmul.f32 $8.000000000e+00, v62;
	[tilespmem:s18+$0x80] =	vst v0;
	v0 =	vld [tilespmem:s18+$0x130]  }
0x41: {  	v1 =	vld [tilespmem:s18+$0x180];
	[tilespmem:s18+$0xB0] =	vst v3;
	v4 =	vmul.f32 $8.000000000e+00, v5;
	v5 =	vmul.f32 $8.000000000e+00, v8  }
0x42: {  	v2 =	vld [tilespmem:s18+$0x190];
	[tilespmem:s18+$0x100] =	vst v6  }
0x43: {  	v3 =	vld [tilespmem:s18+$0x1A0];
	[tilespmem:s18+$0xFFFFFFB0] =	vst v5;
	v5 =	vmul.f32 $8.000000000e+00, v63  }
0x44: {  	s11 =	simm.s32 $0x6A00;
	s7 =	simm.s32 $0x0;
	v6 =	vmul.f32 $8.000000000e+00, v7;
	[tilespmem:s18+$0xFFFFFFA0] =	vst v4;
	v4 =	vld [tilespmem:s18+$0xFFFFFE00]  }
.LBB2_3:
0x45: {  	v7 =	vld [tilespmem:s11+$0x1B0];
	s7 =	sadd.s32 $0x8, s7;
	[tilespmem:s18+$0x110] =	vst v5;
	v0 =	vmul.f32 $8.000000000e+00, v0  }
0x46: {  	v5 =	vld [tilespmem:s11+$0xFFFFFE10];
	p0 =	slt.u32 s7, $0x78;
	[tilespmem:s18+$0x120] =	vst v6;
	v1 =	vmul.f32 $8.000000000e+00, v1  }
0x47: {  	v6 =	vld [tilespmem:s11+$0xFFFFFE20];
	[tilespmem:s18+$0x130] =	vst v0;
	v0 =	vmul.f32 $8.000000000e+00, v2  }
0x48: {  	v2 =	vld [tilespmem:s11+$0xFFFFFE30];
	[tilespmem:s18+$0x180] =	vst v1;
	v1 =	vmul.f32 $8.000000000e+00, v3  }
0x49: {  	v3 =	vld [tilespmem:s11+$0xFFFFFE80];
	v4 =	vmul.f32 $8.000000000e+00, v4;
	[tilespmem:s18+$0x190] =	vst v0  }
0x4a: {  	v0 =	vld [tilespmem:s11+$0xFFFFFE90];
	v7 =	vmul.f32 $8.000000000e+00, v7;
	[tilespmem:s18+$0x1A0] =	vst v1  }
0x4b: {  	v1 =	vmul.f32 $8.000000000e+00, v5;
	v5 =	vld [tilespmem:s11+$0xFFFFFEA0];
	[tilespmem:s18+$0xFFFFFE00] =	vst v4;
	s18 =	smov.u32 s11  }
0x4c: {  	v4 =	vmul.f32 $8.000000000e+00, v6;
	v6 =	vld [tilespmem:s11+$0xFFFFFEB0];
	[tilespmem:s11+$0x1B0] =	vst v7  }
0x4d: {  	[tilespmem:s11+$0xFFFFFE10] =	vst v1;
	v1 =	vmul.f32 $8.000000000e+00, v2;
	v2 =	vld [tilespmem:s11+$0xFFFFFF00]  }
0x4e: {  	[tilespmem:s11+$0xFFFFFE20] =	vst v4;
	v3 =	vmul.f32 $8.000000000e+00, v3;
	v4 =	vld [tilespmem:s11+$0xFFFFFF10]  }
0x4f: {  	[tilespmem:s11+$0xFFFFFE30] =	vst v1;
	v0 =	vmul.f32 $8.000000000e+00, v0;
	v1 =	vld [tilespmem:s11+$0xFFFFFF20]  }
0x50: {  	[tilespmem:s11+$0xFFFFFE80] =	vst v3;
	v3 =	vmul.f32 $8.000000000e+00, v5;
	v5 =	vld [tilespmem:s11+$0xFFFFFF30]  }
0x51: {  	[tilespmem:s11+$0xFFFFFE90] =	vst v0;
	v0 =	vmul.f32 $8.000000000e+00, v6;
	v6 =	vld [tilespmem:s11+$0xFFFFFF80]  }
0x52: {  	[tilespmem:s11+$0xFFFFFEA0] =	vst v3;
	v2 =	vmul.f32 $8.000000000e+00, v2;
	v3 =	vld [tilespmem:s11+$0xFFFFFF90]  }
0x53: {  	[tilespmem:s11+$0xFFFFFEB0] =	vst v0;
	v0 =	vmul.f32 $8.000000000e+00, v4;
	v4 =	vld [tilespmem:s11+$0xFFFFFFA0]  }
0x54: {  	[tilespmem:s11+$0xFFFFFF00] =	vst v2;
	v1 =	vmul.f32 $8.000000000e+00, v1;
	v2 =	vld [tilespmem:s11+$0xFFFFFFB0]  }
0x55: {  	[tilespmem:s11+$0xFFFFFF10] =	vst v0;
	v0 =	vmul.f32 $8.000000000e+00, v5;
	v5 =	vld [tilespmem:s11+$0x0]  }
0x56: {  	[tilespmem:s11+$0xFFFFFF20] =	vst v1;
	v1 =	vmul.f32 $8.000000000e+00, v6;
	v6 =	vld [tilespmem:s11+$0x10]  }
0x57: {  	[tilespmem:s11+$0xFFFFFF30] =	vst v0;
	v0 =	vmul.f32 $8.000000000e+00, v3;
	v3 =	vld [tilespmem:s11+$0x20]  }
0x58: {  	[tilespmem:s11+$0xFFFFFF80] =	vst v1;
	v1 =	vmul.f32 $8.000000000e+00, v4;
	v4 =	vld [tilespmem:s11+$0x30]  }
0x59: {  	[tilespmem:s11+$0xFFFFFF90] =	vst v0;
	v0 =	vmul.f32 $8.000000000e+00, v2;
	v2 =	vld [tilespmem:s11+$0x80]  }
0x5a: {  	[tilespmem:s11+$0xFFFFFFA0] =	vst v1;
	v1 =	vmul.f32 $8.000000000e+00, v5;
	v5 =	vld [tilespmem:s11+$0x90]  }
0x5b: {  	[tilespmem:s11+$0xFFFFFFB0] =	vst v0;
	v0 =	vmul.f32 $8.000000000e+00, v6;
	v6 =	vld [tilespmem:s11+$0xA0]  }
0x5c: {  	[tilespmem:s11+$0x0] =	vst v1;
	v1 =	vmul.f32 $8.000000000e+00, v3;
	v3 =	vld [tilespmem:s11+$0xB0]  }
0x5d: {  	[tilespmem:s11+$0x10] =	vst v0;
	v0 =	vmul.f32 $8.000000000e+00, v4;
	v4 =	vld [tilespmem:s11+$0x100]  }
0x5e: {  	[tilespmem:s11+$0x20] =	vst v1;
	v1 =	vmul.f32 $8.000000000e+00, v2;
	v7 =	vld [tilespmem:s11+$0x110]  }
0x5f: {  	[tilespmem:s11+$0x30] =	vst v0;
	v2 =	vmul.f32 $8.000000000e+00, v5;
	v8 =	vld [tilespmem:s11+$0x120]  }
.Ltmp0:
0x60: {  	[tilespmem:s11+$0x80] =	vst v1;
	v5 =	vmul.f32 $8.000000000e+00, v6;
	v0 =	vld [tilespmem:s11+$0x130];
	(pc) =	sbr.rel @p0 .LBB2_3-.Ltmp0, $4  }
0x61: {  	[tilespmem:s11+$0x90] =	vst v2;
	v3 =	vmul.f32 $8.000000000e+00, v3;
	v1 =	vld [tilespmem:s11+$0x180]  }
0x62: {  	[tilespmem:s11+$0xA0] =	vst v5;
	v6 =	vmul.f32 $8.000000000e+00, v4;
	v2 =	vld [tilespmem:s11+$0x190]  }
0x63: {  	[tilespmem:s11+$0xB0] =	vst v3;
	v5 =	vmul.f32 $8.000000000e+00, v7;
	v3 =	vld [tilespmem:s11+$0x1A0]  }
0x64: {  	s11 =	sadd.s32 $0x400, s11;
	v4 =	vld [tilespmem:s18+$0xFFFFFE00];
	[tilespmem:s18+$0x100] =	vst v6;
	v6 =	vmul.f32 $8.000000000e+00, v8  }
0x65: {  	[tilespmem:s18+$0x110] =	vst v5;
	v0 =	vmul.f32 $8.000000000e+00, v0  }
0x66: {  	[tilespmem:s18+$0x120] =	vst v6;
	v1 =	vmul.f32 $8.000000000e+00, v1  }
0x67: {  	s7 =	smul.u32 $0x280, s0;
	[tilespmem:s18+$0x130] =	vst v0;
	v0 =	vmul.f32 $8.000000000e+00, v2  }
0x68: {  	[tilespmem:s18+$0x180] =	vst v1;
	v1 =	vmul.f32 $8.000000000e+00, v3  }
0x69: {  	s11 =	sadd.s32 s3, s7;
	v2 =	vmul.f32 $8.000000000e+00, v4;
	[tilespmem:s18+$0x190] =	vst v0  }
0x6a: {  	s11 =	sshll.u32 s11, $0x4;
	[tilespmem:s18+$0x1A0] =	vst v1  }
0x6b: {  	p0 =	seq.s32 s0, $0x27;
	s11 =	sadd.s32 s6, s11;
	[tilespmem:s18+$0xFFFFFE00] =	vst v2  }
0x6c: {  	[hbm4b:s11+s2] =	stream.linear.scatter [tilespmem:s14], [sflag:$0x6], $0x4000, $0x38;
	[tilespmem:$0x1A400] =	vst v63  }
0x6d: {  	s12 =	smul.u32 @!p0 $0xA00, s0;
	s11 =	simm.s32 @!p0 $0x6  }
0x6e: {  	_ =	swait.ge @!p0 [sflag:s11], $0x4000  }
0x6f: {  	s26 =	simm.s32 @!p0 $0x6400;
	s18 =	sshra.s32 @!p0 s12, $0x2;
	[sflag:s11] =	ssyncset.done @!p0 $0x0  }
0x70: {  	s12 =	simm.s32 @!p0 $0x80;
	[sflag:s11] =	ssyncadd.s32 @!p0 $0xFFFFC000;
	s11 =	sadd.s32 @!p0 $0x280, s18  }
0x71: {  	[tilespmem:s26], [sflag:$0x1] =	stream.indirect.gather @!p0 [hbm4b:s4+s12], $0x80, s11, s12, $0xb8;
	[tilespmem:$0x1A400] =	vst v63  }
0x72: {  	_ =	swait.ge [sflag:s22], $0x4000  }
0x73: {  	[sflag:s22] =	ssyncset.done $0x0  }
0x74: {  	s11 =	simm.s32 $0xA400;
	[sflag:s22] =	ssyncadd.s32 $0xFFFFC000  }
0x75: {  	v0 =	vld [tilespmem:s11+$0x10]  }
0x76: {  	v1 =	vld [tilespmem:s11+$0x20]  }
0x77: {  	v2 =	vld [tilespmem:s11+$0x30]  }
0x78: {  	v5 =	vld [tilespmem:s11+$0xA0]  }
0x79: {  	v3 =	vld [tilespmem:s11+$0x80]  }
0x7a: {  	v4 =	vld [tilespmem:s11+$0x90]  }
0x7b: {  	v6 =	vld [tilespmem:s11+$0xB0];
	v0 =	vmul.f32 $8.000000000e+00, v0  }
0x7c: {  	v7 =	vld [tilespmem:s11+$0x3B0];
	v1 =	vmul.f32 $8.000000000e+00, v1  }
0x7d: {  	v8 =	vld [tilespmem:s11+$0x210];
	v5 =	vmul.f32 $8.000000000e+00, v5;
	[tilespmem:s11+$0x10] =	vst v0  }
0x7e: {  	v9 =	vld [tilespmem:s11+$0x220];
	v2 =	vmul.f32 $8.000000000e+00, v2;
	[tilespmem:s11+$0x20] =	vst v1  }
0x7f: {  	v3 =	vmul.f32 $8.000000000e+00, v3;
	[tilespmem:s11+$0xA0] =	vst v5;
	v5 =	vld [tilespmem:s11+$0x200]  }
0x80: {  	v4 =	vmul.f32 $8.000000000e+00, v4;
	v0 =	vld [tilespmem:s11+$0x100];
	[tilespmem:s11+$0x30] =	vst v2  }
0x81: {  	v6 =	vmul.f32 $8.000000000e+00, v6;
	v1 =	vld [tilespmem:s11+$0x110];
	[tilespmem:s11+$0x80] =	vst v3  }
0x82: {  	v8 =	vmul.f32 $8.000000000e+00, v8;
	v2 =	vld [tilespmem:s11+$0x120];
	[tilespmem:s11+$0x90] =	vst v4  }
0x83: {  	v10 =	vld [tilespmem:s11+$0x230];
	v4 =	vmul.f32 $8.000000000e+00, v7;
	[tilespmem:s11+$0xB0] =	vst v6  }
0x84: {  	v3 =	vld [tilespmem:s11+$0x130];
	[tilespmem:s11+$0x210] =	vst v8;
	v5 =	vmul.f32 $8.000000000e+00, v5  }
0x85: {  	v7 =	vld [tilespmem:s11+$0x180];
	[tilespmem:s11+$0x3B0] =	vst v4;
	v0 =	vmul.f32 $8.000000000e+00, v0  }
0x86: {  	v4 =	vld [tilespmem:s11+$0x190];
	v1 =	vmul.f32 $8.000000000e+00, v1;
	[tilespmem:s11+$0x200] =	vst v5  }
0x87: {  	v11 =	vld [tilespmem:s11+$0x280];
	v2 =	vmul.f32 $8.000000000e+00, v2;
	[tilespmem:s11+$0x100] =	vst v0  }
0x88: {  	v12 =	vld [tilespmem:s11+$0x290];
	v0 =	vmul.f32 $8.000000000e+00, v9;
	[tilespmem:s11+$0x110] =	vst v1  }
0x89: {  	v6 =	vld [tilespmem:s11+$0x2A0];
	v1 =	vmul.f32 $8.000000000e+00, v3;
	[tilespmem:s11+$0x120] =	vst v2  }
0x8a: {  	v13 =	vld [tilespmem:s11+$0x2B0];
	v2 =	vmul.f32 $8.000000000e+00, v7;
	[tilespmem:s11+$0x220] =	vst v0  }
0x8b: {  	v62 =	vld [tilespmem:s11+$0x300];
	v3 =	vmul.f32 $8.000000000e+00, v4;
	[tilespmem:s11+$0x130] =	vst v1  }
0x8c: {  	v8 =	vld [tilespmem:s11+$0x1B0];
	v0 =	vmul.f32 $8.000000000e+00, v10;
	[tilespmem:s11+$0x180] =	vst v2  }
0x8d: {  	v5 =	vld [tilespmem:s11+$0x1A0];
	v1 =	vmul.f32 $8.000000000e+00, v12;
	[tilespmem:s11+$0x190] =	vst v3  }
0x8e: {  	v2 =	vmul.f32 $8.000000000e+00, v6;
	[tilespmem:s11+$0x230] =	vst v0  }
0x8f: {  	v63 =	vld [tilespmem:s11+$0x310];
	v0 =	vmul.f32 $8.000000000e+00, v11;
	[tilespmem:s11+$0x290] =	vst v1  }
0x90: {  	v7 =	vld [tilespmem:s11+$0x320];
	v3 =	vmul.f32 $8.000000000e+00, v13;
	[tilespmem:s11+$0x2A0] =	vst v2  }
0x91: {  	v6 =	vmul.f32 $8.000000000e+00, v62;
	[tilespmem:s11+$0x280] =	vst v0;
	v0 =	vld [tilespmem:s11+$0x330]  }
0x92: {  	v1 =	vld [tilespmem:s11+$0x380];
	[tilespmem:s11+$0x2B0] =	vst v3;
	v4 =	vmul.f32 $8.000000000e+00, v5;
	v5 =	vmul.f32 $8.000000000e+00, v8  }
0x93: {  	v2 =	vld [tilespmem:s11+$0x390];
	[tilespmem:s11+$0x300] =	vst v6  }
0x94: {  	v3 =	vld [tilespmem:s11+$0x3A0];
	[tilespmem:s11+$0x1B0] =	vst v5;
	v5 =	vmul.f32 $8.000000000e+00, v63  }
0x95: {  	s12 =	simm.s32 $0x0;
	s26 =	simm.s32 $0xA800;
	v6 =	vmul.f32 $8.000000000e+00, v7;
	[tilespmem:s11+$0x1A0] =	vst v4;
	v4 =	vld [tilespmem:s11+$0x0]  }
.LBB2_5:
0x96: {  	v7 =	vld [tilespmem:s26+$0x3B0];
	s12 =	sadd.s32 $0x8, s12;
	[tilespmem:s11+$0x310] =	vst v5;
	v0 =	vmul.f32 $8.000000000e+00, v0  }
0x97: {  	v5 =	vld [tilespmem:s26+$0x10];
	p1 =	slt.u32 s12, $0x78;
	[tilespmem:s11+$0x320] =	vst v6;
	v1 =	vmul.f32 $8.000000000e+00, v1  }
0x98: {  	v6 =	vld [tilespmem:s26+$0x20];
	[tilespmem:s11+$0x330] =	vst v0;
	v0 =	vmul.f32 $8.000000000e+00, v2  }
0x99: {  	v2 =	vld [tilespmem:s26+$0x30];
	[tilespmem:s11+$0x380] =	vst v1;
	v1 =	vmul.f32 $8.000000000e+00, v3  }
0x9a: {  	v3 =	vld [tilespmem:s26+$0x80];
	v4 =	vmul.f32 $8.000000000e+00, v4;
	[tilespmem:s11+$0x390] =	vst v0  }
0x9b: {  	v0 =	vld [tilespmem:s26+$0x90];
	v7 =	vmul.f32 $8.000000000e+00, v7;
	[tilespmem:s11+$0x3A0] =	vst v1  }
0x9c: {  	v1 =	vmul.f32 $8.000000000e+00, v5;
	v5 =	vld [tilespmem:s26+$0xA0];
	[tilespmem:s11+$0x0] =	vst v4;
	s11 =	smov.u32 s26  }
0x9d: {  	v4 =	vmul.f32 $8.000000000e+00, v6;
	v6 =	vld [tilespmem:s26+$0xB0];
	[tilespmem:s26+$0x3B0] =	vst v7  }
0x9e: {  	[tilespmem:s26+$0x10] =	vst v1;
	v1 =	vmul.f32 $8.000000000e+00, v2;
	v2 =	vld [tilespmem:s26+$0x100]  }
0x9f: {  	[tilespmem:s26+$0x20] =	vst v4;
	v3 =	vmul.f32 $8.000000000e+00, v3;
	v4 =	vld [tilespmem:s26+$0x110]  }
0xa0: {  	[tilespmem:s26+$0x30] =	vst v1;
	v0 =	vmul.f32 $8.000000000e+00, v0;
	v1 =	vld [tilespmem:s26+$0x120]  }
0xa1: {  	[tilespmem:s26+$0x80] =	vst v3;
	v3 =	vmul.f32 $8.000000000e+00, v5;
	v5 =	vld [tilespmem:s26+$0x130]  }
0xa2: {  	[tilespmem:s26+$0x90] =	vst v0;
	v0 =	vmul.f32 $8.000000000e+00, v6;
	v6 =	vld [tilespmem:s26+$0x180]  }
0xa3: {  	[tilespmem:s26+$0xA0] =	vst v3;
	v2 =	vmul.f32 $8.000000000e+00, v2;
	v3 =	vld [tilespmem:s26+$0x190]  }
0xa4: {  	[tilespmem:s26+$0xB0] =	vst v0;
	v0 =	vmul.f32 $8.000000000e+00, v4;
	v4 =	vld [tilespmem:s26+$0x1A0]  }
0xa5: {  	[tilespmem:s26+$0x100] =	vst v2;
	v1 =	vmul.f32 $8.000000000e+00, v1;
	v2 =	vld [tilespmem:s26+$0x1B0]  }
0xa6: {  	[tilespmem:s26+$0x110] =	vst v0;
	v0 =	vmul.f32 $8.000000000e+00, v5;
	v5 =	vld [tilespmem:s26+$0x200]  }
0xa7: {  	[tilespmem:s26+$0x120] =	vst v1;
	v1 =	vmul.f32 $8.000000000e+00, v6;
	v6 =	vld [tilespmem:s26+$0x210]  }
0xa8: {  	[tilespmem:s26+$0x130] =	vst v0;
	v0 =	vmul.f32 $8.000000000e+00, v3;
	v3 =	vld [tilespmem:s26+$0x220]  }
0xa9: {  	[tilespmem:s26+$0x180] =	vst v1;
	v1 =	vmul.f32 $8.000000000e+00, v4;
	v4 =	vld [tilespmem:s26+$0x230]  }
0xaa: {  	[tilespmem:s26+$0x190] =	vst v0;
	v0 =	vmul.f32 $8.000000000e+00, v2;
	v2 =	vld [tilespmem:s26+$0x280]  }
0xab: {  	[tilespmem:s26+$0x1A0] =	vst v1;
	v1 =	vmul.f32 $8.000000000e+00, v5;
	v5 =	vld [tilespmem:s26+$0x290]  }
0xac: {  	[tilespmem:s26+$0x1B0] =	vst v0;
	v0 =	vmul.f32 $8.000000000e+00, v6;
	v6 =	vld [tilespmem:s26+$0x2A0]  }
0xad: {  	[tilespmem:s26+$0x200] =	vst v1;
	v1 =	vmul.f32 $8.000000000e+00, v3;
	v3 =	vld [tilespmem:s26+$0x2B0]  }
0xae: {  	[tilespmem:s26+$0x210] =	vst v0;
	v0 =	vmul.f32 $8.000000000e+00, v4;
	v4 =	vld [tilespmem:s26+$0x300]  }
0xaf: {  	[tilespmem:s26+$0x220] =	vst v1;
	v1 =	vmul.f32 $8.000000000e+00, v2;
	v7 =	vld [tilespmem:s26+$0x310]  }
0xb0: {  	[tilespmem:s26+$0x230] =	vst v0;
	v2 =	vmul.f32 $8.000000000e+00, v5;
	v8 =	vld [tilespmem:s26+$0x320]  }
.Ltmp1:
0xb1: {  	[tilespmem:s26+$0x280] =	vst v1;
	v5 =	vmul.f32 $8.000000000e+00, v6;
	v0 =	vld [tilespmem:s26+$0x330];
	(pc) =	sbr.rel @p1 .LBB2_5-.Ltmp1, $4  }
0xb2: {  	[tilespmem:s26+$0x290] =	vst v2;
	v3 =	vmul.f32 $8.000000000e+00, v3;
	v1 =	vld [tilespmem:s26+$0x380]  }
0xb3: {  	[tilespmem:s26+$0x2A0] =	vst v5;
	v6 =	vmul.f32 $8.000000000e+00, v4;
	v2 =	vld [tilespmem:s26+$0x390]  }
0xb4: {  	[tilespmem:s26+$0x2B0] =	vst v3;
	v5 =	vmul.f32 $8.000000000e+00, v7;
	v3 =	vld [tilespmem:s26+$0x3A0]  }
0xb5: {  	s26 =	sadd.s32 $0x400, s26;
	v4 =	vld [tilespmem:s11+$0x0];
	[tilespmem:s11+$0x300] =	vst v6;
	v6 =	vmul.f32 $8.000000000e+00, v8  }
0xb6: {  	[tilespmem:s11+$0x310] =	vst v5;
	v0 =	vmul.f32 $8.000000000e+00, v0  }
0xb7: {  	[tilespmem:s11+$0x320] =	vst v6;
	v1 =	vmul.f32 $8.000000000e+00, v1  }
0xb8: {  	[tilespmem:s11+$0x330] =	vst v0;
	v0 =	vmul.f32 $8.000000000e+00, v2  }
0xb9: {  	[tilespmem:s11+$0x380] =	vst v1;
	v1 =	vmul.f32 $8.000000000e+00, v3  }
0xba: {  	s7 =	sadd.s32 s7, s8;
	v2 =	vmul.f32 $8.000000000e+00, v4;
	[tilespmem:s11+$0x390] =	vst v0  }
0xbb: {  	s7 =	sshll.u32 s7, $0x4;
	[tilespmem:s11+$0x3A0] =	vst v1  }
0xbc: {  	s7 =	sadd.s32 s6, s7;
	[tilespmem:s11+$0x0] =	vst v2  }
0xbd: {  	[hbm4b:s7+s2] =	stream.linear.scatter [tilespmem:s15], [sflag:$0x7], $0x4000, $0x38;
	[tilespmem:$0x1A400] =	vst v63  }
0xbe: {  	s7 =	simm.s32 @!p0 $0x7  }
0xbf: {  	_ =	swait.ge @!p0 [sflag:s7], $0x4000  }
0xc0: {  	s12 =	simm.s32 @!p0 $0xA400;
	[sflag:s7] =	ssyncset.done @!p0 $0x0  }
0xc1: {  	s11 =	simm.s32 @!p0 $0x80;
	[sflag:s7] =	ssyncadd.s32 @!p0 $0xFFFFC000;
	s7 =	sadd.s32 @!p0 $0x300, s18  }
0xc2: {  	[tilespmem:s12], [sflag:$0x2] =	stream.indirect.gather @!p0 [hbm4b:s4+s11], $0x80, s7, s11, $0xb8;
	[tilespmem:$0x1A400] =	vst v63  }
0xc3: {  	_ =	swait.ge [sflag:s23], $0x4000  }
0xc4: {  	[sflag:s23] =	ssyncset.done $0x0  }
0xc5: {  	s11 =	simm.s32 $0xE400;
	[sflag:s23] =	ssyncadd.s32 $0xFFFFC000  }
0xc6: {  	v0 =	vld [tilespmem:s11+$0x10]  }
0xc7: {  	v1 =	vld [tilespmem:s11+$0x20]  }
0xc8: {  	v2 =	vld [tilespmem:s11+$0x30]  }
0xc9: {  	v5 =	vld [tilespmem:s11+$0xA0]  }
0xca: {  	v3 =	vld [tilespmem:s11+$0x80]  }
0xcb: {  	v4 =	vld [tilespmem:s11+$0x90]  }
0xcc: {  	v6 =	vld [tilespmem:s11+$0xB0];
	v0 =	vmul.f32 $8.000000000e+00, v0  }
0xcd: {  	v7 =	vld [tilespmem:s11+$0x3B0];
	v1 =	vmul.f32 $8.000000000e+00, v1  }
0xce: {  	v8 =	vld [tilespmem:s11+$0x210];
	v5 =	vmul.f32 $8.000000000e+00, v5;
	[tilespmem:s11+$0x10] =	vst v0  }
0xcf: {  	v9 =	vld [tilespmem:s11+$0x220];
	v2 =	vmul.f32 $8.000000000e+00, v2;
	[tilespmem:s11+$0x20] =	vst v1  }
0xd0: {  	v3 =	vmul.f32 $8.000000000e+00, v3;
	[tilespmem:s11+$0xA0] =	vst v5;
	v5 =	vld [tilespmem:s11+$0x200]  }
0xd1: {  	v4 =	vmul.f32 $8.000000000e+00, v4;
	v0 =	vld [tilespmem:s11+$0x100];
	[tilespmem:s11+$0x30] =	vst v2  }
0xd2: {  	v6 =	vmul.f32 $8.000000000e+00, v6;
	v1 =	vld [tilespmem:s11+$0x110];
	[tilespmem:s11+$0x80] =	vst v3  }
0xd3: {  	v8 =	vmul.f32 $8.000000000e+00, v8;
	v2 =	vld [tilespmem:s11+$0x120];
	[tilespmem:s11+$0x90] =	vst v4  }
0xd4: {  	v10 =	vld [tilespmem:s11+$0x230];
	v4 =	vmul.f32 $8.000000000e+00, v7;
	[tilespmem:s11+$0xB0] =	vst v6  }
0xd5: {  	v3 =	vld [tilespmem:s11+$0x130];
	[tilespmem:s11+$0x210] =	vst v8;
	v5 =	vmul.f32 $8.000000000e+00, v5  }
0xd6: {  	v7 =	vld [tilespmem:s11+$0x180];
	[tilespmem:s11+$0x3B0] =	vst v4;
	v0 =	vmul.f32 $8.000000000e+00, v0  }
0xd7: {  	v4 =	vld [tilespmem:s11+$0x190];
	v1 =	vmul.f32 $8.000000000e+00, v1;
	[tilespmem:s11+$0x200] =	vst v5  }
0xd8: {  	v11 =	vld [tilespmem:s11+$0x280];
	v2 =	vmul.f32 $8.000000000e+00, v2;
	[tilespmem:s11+$0x100] =	vst v0  }
0xd9: {  	v12 =	vld [tilespmem:s11+$0x290];
	v0 =	vmul.f32 $8.000000000e+00, v9;
	[tilespmem:s11+$0x110] =	vst v1  }
0xda: {  	v6 =	vld [tilespmem:s11+$0x2A0];
	v1 =	vmul.f32 $8.000000000e+00, v3;
	[tilespmem:s11+$0x120] =	vst v2  }
0xdb: {  	v13 =	vld [tilespmem:s11+$0x2B0];
	v2 =	vmul.f32 $8.000000000e+00, v7;
	[tilespmem:s11+$0x220] =	vst v0  }
0xdc: {  	v62 =	vld [tilespmem:s11+$0x300];
	v3 =	vmul.f32 $8.000000000e+00, v4;
	[tilespmem:s11+$0x130] =	vst v1  }
0xdd: {  	v8 =	vld [tilespmem:s11+$0x1B0];
	v0 =	vmul.f32 $8.000000000e+00, v10;
	[tilespmem:s11+$0x180] =	vst v2  }
0xde: {  	v5 =	vld [tilespmem:s11+$0x1A0];
	v1 =	vmul.f32 $8.000000000e+00, v12;
	[tilespmem:s11+$0x190] =	vst v3  }
0xdf: {  	v2 =	vmul.f32 $8.000000000e+00, v6;
	[tilespmem:s11+$0x230] =	vst v0  }
0xe0: {  	v63 =	vld [tilespmem:s11+$0x310];
	v0 =	vmul.f32 $8.000000000e+00, v11;
	[tilespmem:s11+$0x290] =	vst v1  }
0xe1: {  	v7 =	vld [tilespmem:s11+$0x320];
	v3 =	vmul.f32 $8.000000000e+00, v13;
	[tilespmem:s11+$0x2A0] =	vst v2  }
0xe2: {  	v6 =	vmul.f32 $8.000000000e+00, v62;
	[tilespmem:s11+$0x280] =	vst v0;
	v0 =	vld [tilespmem:s11+$0x330]  }
0xe3: {  	v1 =	vld [tilespmem:s11+$0x380];
	[tilespmem:s11+$0x2B0] =	vst v3;
	v4 =	vmul.f32 $8.000000000e+00, v5;
	v5 =	vmul.f32 $8.000000000e+00, v8  }
0xe4: {  	v2 =	vld [tilespmem:s11+$0x390];
	[tilespmem:s11+$0x300] =	vst v6  }
0xe5: {  	v3 =	vld [tilespmem:s11+$0x3A0];
	[tilespmem:s11+$0x1B0] =	vst v5;
	v5 =	vmul.f32 $8.000000000e+00, v63  }
0xe6: {  	s7 =	simm.s32 $0x0;
	s12 =	simm.s32 $0xE800;
	v6 =	vmul.f32 $8.000000000e+00, v7;
	[tilespmem:s11+$0x1A0] =	vst v4;
	v4 =	vld [tilespmem:s11+$0x0]  }
.LBB2_7:
0xe7: {  	v7 =	vld [tilespmem:s12+$0x3B0];
	s7 =	sadd.s32 $0x8, s7;
	[tilespmem:s11+$0x310] =	vst v5;
	v0 =	vmul.f32 $8.000000000e+00, v0  }
0xe8: {  	v5 =	vld [tilespmem:s12+$0x10];
	p1 =	slt.u32 s7, $0x78;
	[tilespmem:s11+$0x320] =	vst v6;
	v1 =	vmul.f32 $8.000000000e+00, v1  }
0xe9: {  	v6 =	vld [tilespmem:s12+$0x20];
	[tilespmem:s11+$0x330] =	vst v0;
	v0 =	vmul.f32 $8.000000000e+00, v2  }
0xea: {  	v2 =	vld [tilespmem:s12+$0x30];
	[tilespmem:s11+$0x380] =	vst v1;
	v1 =	vmul.f32 $8.000000000e+00, v3  }
0xeb: {  	v3 =	vld [tilespmem:s12+$0x80];
	v4 =	vmul.f32 $8.000000000e+00, v4;
	[tilespmem:s11+$0x390] =	vst v0  }
0xec: {  	v0 =	vld [tilespmem:s12+$0x90];
	v7 =	vmul.f32 $8.000000000e+00, v7;
	[tilespmem:s11+$0x3A0] =	vst v1  }
0xed: {  	v1 =	vmul.f32 $8.000000000e+00, v5;
	v5 =	vld [tilespmem:s12+$0xA0];
	[tilespmem:s11+$0x0] =	vst v4;
	s11 =	smov.u32 s12  }
0xee: {  	v4 =	vmul.f32 $8.000000000e+00, v6;
	v6 =	vld [tilespmem:s12+$0xB0];
	[tilespmem:s12+$0x3B0] =	vst v7  }
0xef: {  	[tilespmem:s12+$0x10] =	vst v1;
	v1 =	vmul.f32 $8.000000000e+00, v2;
	v2 =	vld [tilespmem:s12+$0x100]  }
0xf0: {  	[tilespmem:s12+$0x20] =	vst v4;
	v3 =	vmul.f32 $8.000000000e+00, v3;
	v4 =	vld [tilespmem:s12+$0x110]  }
0xf1: {  	[tilespmem:s12+$0x30] =	vst v1;
	v0 =	vmul.f32 $8.000000000e+00, v0;
	v1 =	vld [tilespmem:s12+$0x120]  }
0xf2: {  	[tilespmem:s12+$0x80] =	vst v3;
	v3 =	vmul.f32 $8.000000000e+00, v5;
	v5 =	vld [tilespmem:s12+$0x130]  }
0xf3: {  	[tilespmem:s12+$0x90] =	vst v0;
	v0 =	vmul.f32 $8.000000000e+00, v6;
	v6 =	vld [tilespmem:s12+$0x180]  }
0xf4: {  	[tilespmem:s12+$0xA0] =	vst v3;
	v2 =	vmul.f32 $8.000000000e+00, v2;
	v3 =	vld [tilespmem:s12+$0x190]  }
0xf5: {  	[tilespmem:s12+$0xB0] =	vst v0;
	v0 =	vmul.f32 $8.000000000e+00, v4;
	v4 =	vld [tilespmem:s12+$0x1A0]  }
0xf6: {  	[tilespmem:s12+$0x100] =	vst v2;
	v1 =	vmul.f32 $8.000000000e+00, v1;
	v2 =	vld [tilespmem:s12+$0x1B0]  }
0xf7: {  	[tilespmem:s12+$0x110] =	vst v0;
	v0 =	vmul.f32 $8.000000000e+00, v5;
	v5 =	vld [tilespmem:s12+$0x200]  }
0xf8: {  	[tilespmem:s12+$0x120] =	vst v1;
	v1 =	vmul.f32 $8.000000000e+00, v6;
	v6 =	vld [tilespmem:s12+$0x210]  }
0xf9: {  	[tilespmem:s12+$0x130] =	vst v0;
	v0 =	vmul.f32 $8.000000000e+00, v3;
	v3 =	vld [tilespmem:s12+$0x220]  }
0xfa: {  	[tilespmem:s12+$0x180] =	vst v1;
	v1 =	vmul.f32 $8.000000000e+00, v4;
	v4 =	vld [tilespmem:s12+$0x230]  }
0xfb: {  	[tilespmem:s12+$0x190] =	vst v0;
	v0 =	vmul.f32 $8.000000000e+00, v2;
	v2 =	vld [tilespmem:s12+$0x280]  }
0xfc: {  	[tilespmem:s12+$0x1A0] =	vst v1;
	v1 =	vmul.f32 $8.000000000e+00, v5;
	v5 =	vld [tilespmem:s12+$0x290]  }
0xfd: {  	[tilespmem:s12+$0x1B0] =	vst v0;
	v0 =	vmul.f32 $8.000000000e+00, v6;
	v6 =	vld [tilespmem:s12+$0x2A0]  }
0xfe: {  	[tilespmem:s12+$0x200] =	vst v1;
	v1 =	vmul.f32 $8.000000000e+00, v3;
	v3 =	vld [tilespmem:s12+$0x2B0]  }
0xff: {  	[tilespmem:s12+$0x210] =	vst v0;
	v0 =	vmul.f32 $8.000000000e+00, v4;
	v4 =	vld [tilespmem:s12+$0x300]  }
0x100: {  	[tilespmem:s12+$0x220] =	vst v1;
	v1 =	vmul.f32 $8.000000000e+00, v2;
	v7 =	vld [tilespmem:s12+$0x310]  }
0x101: {  	[tilespmem:s12+$0x230] =	vst v0;
	v2 =	vmul.f32 $8.000000000e+00, v5;
	v8 =	vld [tilespmem:s12+$0x320]  }
.Ltmp2:
0x102: {  	[tilespmem:s12+$0x280] =	vst v1;
	v5 =	vmul.f32 $8.000000000e+00, v6;
	v0 =	vld [tilespmem:s12+$0x330];
	(pc) =	sbr.rel @p1 .LBB2_7-.Ltmp2, $4  }
0x103: {  	[tilespmem:s12+$0x290] =	vst v2;
	v3 =	vmul.f32 $8.000000000e+00, v3;
	v1 =	vld [tilespmem:s12+$0x380]  }
0x104: {  	[tilespmem:s12+$0x2A0] =	vst v5;
	v6 =	vmul.f32 $8.000000000e+00, v4;
	v2 =	vld [tilespmem:s12+$0x390]  }
0x105: {  	[tilespmem:s12+$0x2B0] =	vst v3;
	v5 =	vmul.f32 $8.000000000e+00, v7;
	v3 =	vld [tilespmem:s12+$0x3A0]  }
0x106: {  	s12 =	sadd.s32 $0x400, s12;
	v4 =	vld [tilespmem:s11+$0x0];
	[tilespmem:s11+$0x300] =	vst v6;
	v6 =	vmul.f32 $8.000000000e+00, v8  }
0x107: {  	[tilespmem:s11+$0x310] =	vst v5;
	v0 =	vmul.f32 $8.000000000e+00, v0  }
0x108: {  	[tilespmem:s11+$0x320] =	vst v6;
	v1 =	vmul.f32 $8.000000000e+00, v1  }
0x109: {  	s7 =	smul.u32 $0x14000, s0;
	[tilespmem:s11+$0x330] =	vst v0;
	v0 =	vmul.f32 $8.000000000e+00, v2  }
0x10a: {  	[tilespmem:s11+$0x380] =	vst v1;
	v1 =	vmul.f32 $8.000000000e+00, v3  }
0x10b: {  	s12 =	sadd.s32 s9, s7;
	v2 =	vmul.f32 $8.000000000e+00, v4;
	[tilespmem:s11+$0x390] =	vst v0  }
0x10c: {  	s12 =	sshrl.u32 s12, $0x3;
	[tilespmem:s11+$0x3A0] =	vst v1  }
0x10d: {  	s26 =	sadd.s32 s6, s12;
	[tilespmem:s11+$0x0] =	vst v2;
	s11 =	simm.s32 @!p0 $0x8  }
0x10e: {  	[hbm4b:s26+s2] =	stream.linear.scatter [tilespmem:s17], [sflag:$0x8], $0x4000, $0x38;
	[tilespmem:$0x1A400] =	vst v63  }
0x10f: {  	_ =	swait.ge @!p0 [sflag:s11], $0x4000  }
0x110: {  	s12 =	simm.s32 @!p0 $0x80;
	[sflag:s11] =	ssyncset.done @!p0 $0x0  }
0x111: {  	s26 =	simm.s32 @!p0 $0xE400;
	[sflag:s11] =	ssyncadd.s32 @!p0 $0xFFFFC000;
	s11 =	sadd.s32 @!p0 $0x380, s18  }
0x112: {  	[tilespmem:s26], [sflag:$0x3] =	stream.indirect.gather @!p0 [hbm4b:s4+s12], $0x80, s11, s12, $0xb8;
	[tilespmem:$0x1A400] =	vst v63  }
0x113: {  	_ =	swait.ge [sflag:s24], $0x4000  }
0x114: {  	[sflag:s24] =	ssyncset.done $0x0  }
0x115: {  	s11 =	simm.s32 $0x12400;
	[sflag:s24] =	ssyncadd.s32 $0xFFFFC000  }
0x116: {  	v0 =	vld [tilespmem:s11+$0x10]  }
0x117: {  	v1 =	vld [tilespmem:s11+$0x20]  }
0x118: {  	v2 =	vld [tilespmem:s11+$0x30]  }
0x119: {  	v5 =	vld [tilespmem:s11+$0xA0]  }
0x11a: {  	v3 =	vld [tilespmem:s11+$0x80]  }
0x11b: {  	v4 =	vld [tilespmem:s11+$0x90]  }
0x11c: {  	v6 =	vld [tilespmem:s11+$0xB0];
	v0 =	vmul.f32 $8.000000000e+00, v0  }
0x11d: {  	v7 =	vld [tilespmem:s11+$0x3B0];
	v1 =	vmul.f32 $8.000000000e+00, v1  }
0x11e: {  	v8 =	vld [tilespmem:s11+$0x210];
	v5 =	vmul.f32 $8.000000000e+00, v5;
	[tilespmem:s11+$0x10] =	vst v0  }
0x11f: {  	v9 =	vld [tilespmem:s11+$0x220];
	v2 =	vmul.f32 $8.000000000e+00, v2;
	[tilespmem:s11+$0x20] =	vst v1  }
0x120: {  	v3 =	vmul.f32 $8.000000000e+00, v3;
	[tilespmem:s11+$0xA0] =	vst v5;
	v5 =	vld [tilespmem:s11+$0x200]  }
0x121: {  	v4 =	vmul.f32 $8.000000000e+00, v4;
	v0 =	vld [tilespmem:s11+$0x100];
	[tilespmem:s11+$0x30] =	vst v2  }
0x122: {  	v6 =	vmul.f32 $8.000000000e+00, v6;
	v1 =	vld [tilespmem:s11+$0x110];
	[tilespmem:s11+$0x80] =	vst v3  }
0x123: {  	v8 =	vmul.f32 $8.000000000e+00, v8;
	v2 =	vld [tilespmem:s11+$0x120];
	[tilespmem:s11+$0x90] =	vst v4  }
0x124: {  	v10 =	vld [tilespmem:s11+$0x230];
	v4 =	vmul.f32 $8.000000000e+00, v7;
	[tilespmem:s11+$0xB0] =	vst v6  }
0x125: {  	v3 =	vld [tilespmem:s11+$0x130];
	[tilespmem:s11+$0x210] =	vst v8;
	v5 =	vmul.f32 $8.000000000e+00, v5  }
0x126: {  	v7 =	vld [tilespmem:s11+$0x180];
	[tilespmem:s11+$0x3B0] =	vst v4;
	v0 =	vmul.f32 $8.000000000e+00, v0  }
0x127: {  	v4 =	vld [tilespmem:s11+$0x190];
	v1 =	vmul.f32 $8.000000000e+00, v1;
	[tilespmem:s11+$0x200] =	vst v5  }
0x128: {  	v11 =	vld [tilespmem:s11+$0x280];
	v2 =	vmul.f32 $8.000000000e+00, v2;
	[tilespmem:s11+$0x100] =	vst v0  }
0x129: {  	v12 =	vld [tilespmem:s11+$0x290];
	v0 =	vmul.f32 $8.000000000e+00, v9;
	[tilespmem:s11+$0x110] =	vst v1  }
0x12a: {  	v6 =	vld [tilespmem:s11+$0x2A0];
	v1 =	vmul.f32 $8.000000000e+00, v3;
	[tilespmem:s11+$0x120] =	vst v2  }
0x12b: {  	v13 =	vld [tilespmem:s11+$0x2B0];
	v2 =	vmul.f32 $8.000000000e+00, v7;
	[tilespmem:s11+$0x220] =	vst v0  }
0x12c: {  	v62 =	vld [tilespmem:s11+$0x300];
	v3 =	vmul.f32 $8.000000000e+00, v4;
	[tilespmem:s11+$0x130] =	vst v1  }
0x12d: {  	v8 =	vld [tilespmem:s11+$0x1B0];
	v0 =	vmul.f32 $8.000000000e+00, v10;
	[tilespmem:s11+$0x180] =	vst v2  }
0x12e: {  	v5 =	vld [tilespmem:s11+$0x1A0];
	v1 =	vmul.f32 $8.000000000e+00, v12;
	[tilespmem:s11+$0x190] =	vst v3  }
0x12f: {  	v2 =	vmul.f32 $8.000000000e+00, v6;
	[tilespmem:s11+$0x230] =	vst v0  }
0x130: {  	v63 =	vld [tilespmem:s11+$0x310];
	v0 =	vmul.f32 $8.000000000e+00, v11;
	[tilespmem:s11+$0x290] =	vst v1  }
0x131: {  	v7 =	vld [tilespmem:s11+$0x320];
	v3 =	vmul.f32 $8.000000000e+00, v13;
	[tilespmem:s11+$0x2A0] =	vst v2  }
0x132: {  	v6 =	vmul.f32 $8.000000000e+00, v62;
	[tilespmem:s11+$0x280] =	vst v0;
	v0 =	vld [tilespmem:s11+$0x330]  }
0x133: {  	v1 =	vld [tilespmem:s11+$0x380];
	[tilespmem:s11+$0x2B0] =	vst v3;
	v4 =	vmul.f32 $8.000000000e+00, v5;
	v5 =	vmul.f32 $8.000000000e+00, v8  }
0x134: {  	v2 =	vld [tilespmem:s11+$0x390];
	[tilespmem:s11+$0x300] =	vst v6  }
0x135: {  	v3 =	vld [tilespmem:s11+$0x3A0];
	[tilespmem:s11+$0x1B0] =	vst v5;
	v5 =	vmul.f32 $8.000000000e+00, v63  }
0x136: {  	s12 =	simm.s32 $0x0;
	s26 =	simm.s32 $0x12800;
	v6 =	vmul.f32 $8.000000000e+00, v7;
	[tilespmem:s11+$0x1A0] =	vst v4;
	v4 =	vld [tilespmem:s11+$0x0]  }
.LBB2_9:
0x137: {  	v7 =	vld [tilespmem:s26+$0x3B0];
	s12 =	sadd.s32 $0x8, s12;
	[tilespmem:s11+$0x310] =	vst v5;
	v0 =	vmul.f32 $8.000000000e+00, v0  }
0x138: {  	v5 =	vld [tilespmem:s26+$0x10];
	p1 =	slt.u32 s12, $0x78;
	[tilespmem:s11+$0x320] =	vst v6;
	v1 =	vmul.f32 $8.000000000e+00, v1  }
0x139: {  	v6 =	vld [tilespmem:s26+$0x20];
	[tilespmem:s11+$0x330] =	vst v0;
	v0 =	vmul.f32 $8.000000000e+00, v2  }
0x13a: {  	v2 =	vld [tilespmem:s26+$0x30];
	[tilespmem:s11+$0x380] =	vst v1;
	v1 =	vmul.f32 $8.000000000e+00, v3  }
0x13b: {  	v3 =	vld [tilespmem:s26+$0x80];
	v4 =	vmul.f32 $8.000000000e+00, v4;
	[tilespmem:s11+$0x390] =	vst v0  }
0x13c: {  	v0 =	vld [tilespmem:s26+$0x90];
	v7 =	vmul.f32 $8.000000000e+00, v7;
	[tilespmem:s11+$0x3A0] =	vst v1  }
0x13d: {  	v1 =	vmul.f32 $8.000000000e+00, v5;
	v5 =	vld [tilespmem:s26+$0xA0];
	[tilespmem:s11+$0x0] =	vst v4;
	s11 =	smov.u32 s26  }
0x13e: {  	v4 =	vmul.f32 $8.000000000e+00, v6;
	v6 =	vld [tilespmem:s26+$0xB0];
	[tilespmem:s26+$0x3B0] =	vst v7  }
0x13f: {  	[tilespmem:s26+$0x10] =	vst v1;
	v1 =	vmul.f32 $8.000000000e+00, v2;
	v2 =	vld [tilespmem:s26+$0x100]  }
0x140: {  	[tilespmem:s26+$0x20] =	vst v4;
	v3 =	vmul.f32 $8.000000000e+00, v3;
	v4 =	vld [tilespmem:s26+$0x110]  }
0x141: {  	[tilespmem:s26+$0x30] =	vst v1;
	v0 =	vmul.f32 $8.000000000e+00, v0;
	v1 =	vld [tilespmem:s26+$0x120]  }
0x142: {  	[tilespmem:s26+$0x80] =	vst v3;
	v3 =	vmul.f32 $8.000000000e+00, v5;
	v5 =	vld [tilespmem:s26+$0x130]  }
0x143: {  	[tilespmem:s26+$0x90] =	vst v0;
	v0 =	vmul.f32 $8.000000000e+00, v6;
	v6 =	vld [tilespmem:s26+$0x180]  }
0x144: {  	[tilespmem:s26+$0xA0] =	vst v3;
	v2 =	vmul.f32 $8.000000000e+00, v2;
	v3 =	vld [tilespmem:s26+$0x190]  }
0x145: {  	[tilespmem:s26+$0xB0] =	vst v0;
	v0 =	vmul.f32 $8.000000000e+00, v4;
	v4 =	vld [tilespmem:s26+$0x1A0]  }
0x146: {  	[tilespmem:s26+$0x100] =	vst v2;
	v1 =	vmul.f32 $8.000000000e+00, v1;
	v2 =	vld [tilespmem:s26+$0x1B0]  }
0x147: {  	[tilespmem:s26+$0x110] =	vst v0;
	v0 =	vmul.f32 $8.000000000e+00, v5;
	v5 =	vld [tilespmem:s26+$0x200]  }
0x148: {  	[tilespmem:s26+$0x120] =	vst v1;
	v1 =	vmul.f32 $8.000000000e+00, v6;
	v6 =	vld [tilespmem:s26+$0x210]  }
0x149: {  	[tilespmem:s26+$0x130] =	vst v0;
	v0 =	vmul.f32 $8.000000000e+00, v3;
	v3 =	vld [tilespmem:s26+$0x220]  }
0x14a: {  	[tilespmem:s26+$0x180] =	vst v1;
	v1 =	vmul.f32 $8.000000000e+00, v4;
	v4 =	vld [tilespmem:s26+$0x230]  }
0x14b: {  	[tilespmem:s26+$0x190] =	vst v0;
	v0 =	vmul.f32 $8.000000000e+00, v2;
	v2 =	vld [tilespmem:s26+$0x280]  }
0x14c: {  	[tilespmem:s26+$0x1A0] =	vst v1;
	v1 =	vmul.f32 $8.000000000e+00, v5;
	v5 =	vld [tilespmem:s26+$0x290]  }
0x14d: {  	[tilespmem:s26+$0x1B0] =	vst v0;
	v0 =	vmul.f32 $8.000000000e+00, v6;
	v6 =	vld [tilespmem:s26+$0x2A0]  }
0x14e: {  	[tilespmem:s26+$0x200] =	vst v1;
	v1 =	vmul.f32 $8.000000000e+00, v3;
	v3 =	vld [tilespmem:s26+$0x2B0]  }
0x14f: {  	[tilespmem:s26+$0x210] =	vst v0;
	v0 =	vmul.f32 $8.000000000e+00, v4;
	v4 =	vld [tilespmem:s26+$0x300]  }
0x150: {  	[tilespmem:s26+$0x220] =	vst v1;
	v1 =	vmul.f32 $8.000000000e+00, v2;
	v7 =	vld [tilespmem:s26+$0x310]  }
0x151: {  	[tilespmem:s26+$0x230] =	vst v0;
	v2 =	vmul.f32 $8.000000000e+00, v5;
	v8 =	vld [tilespmem:s26+$0x320]  }
.Ltmp3:
0x152: {  	[tilespmem:s26+$0x280] =	vst v1;
	v5 =	vmul.f32 $8.000000000e+00, v6;
	v0 =	vld [tilespmem:s26+$0x330];
	(pc) =	sbr.rel @p1 .LBB2_9-.Ltmp3, $4  }
0x153: {  	[tilespmem:s26+$0x290] =	vst v2;
	v3 =	vmul.f32 $8.000000000e+00, v3;
	v1 =	vld [tilespmem:s26+$0x380]  }
0x154: {  	[tilespmem:s26+$0x2A0] =	vst v5;
	v6 =	vmul.f32 $8.000000000e+00, v4;
	v2 =	vld [tilespmem:s26+$0x390]  }
0x155: {  	[tilespmem:s26+$0x2B0] =	vst v3;
	v5 =	vmul.f32 $8.000000000e+00, v7;
	v3 =	vld [tilespmem:s26+$0x3A0]  }
0x156: {  	s26 =	sadd.s32 $0x400, s26;
	v4 =	vld [tilespmem:s11+$0x0];
	[tilespmem:s11+$0x300] =	vst v6;
	v6 =	vmul.f32 $8.000000000e+00, v8  }
0x157: {  	[tilespmem:s11+$0x310] =	vst v5;
	v0 =	vmul.f32 $8.000000000e+00, v0  }
0x158: {  	[tilespmem:s11+$0x320] =	vst v6;
	v1 =	vmul.f32 $8.000000000e+00, v1  }
0x159: {  	[tilespmem:s11+$0x330] =	vst v0;
	v0 =	vmul.f32 $8.000000000e+00, v2  }
0x15a: {  	[tilespmem:s11+$0x380] =	vst v1;
	v1 =	vmul.f32 $8.000000000e+00, v3  }
0x15b: {  	s7 =	sadd.s32 s10, s7;
	v2 =	vmul.f32 $8.000000000e+00, v4;
	[tilespmem:s11+$0x390] =	vst v0  }
0x15c: {  	s7 =	sshrl.u32 s7, $0x3;
	[tilespmem:s11+$0x3A0] =	vst v1  }
0x15d: {  	s7 =	sadd.s32 s6, s7;
	[tilespmem:s11+$0x0] =	vst v2  }
0x15e: {  	[hbm4b:s7+s2] =	stream.linear.scatter [tilespmem:s19], [sflag:$0x9], $0x4000, $0x38;
	[tilespmem:$0x1A400] =	vst v63  }
0x15f: {  	s7 =	simm.s32 @!p0 $0x9  }
0x160: {  	_ =	swait.ge @!p0 [sflag:s7], $0x4000  }
0x161: {  	s12 =	simm.s32 @!p0 $0x12400;
	[sflag:s7] =	ssyncset.done @!p0 $0x0  }
0x162: {  	s11 =	simm.s32 @!p0 $0x80;
	[sflag:s7] =	ssyncadd.s32 @!p0 $0xFFFFC000;
	s7 =	sadd.s32 @!p0 $0x400, s18  }
0x163: {  	[tilespmem:s12], [sflag:$0x4] =	stream.indirect.gather @!p0 [hbm4b:s4+s11], $0x80, s7, s11, $0xb8;
	[tilespmem:$0x1A400] =	vst v63  }
0x164: {  	_ =	swait.ge [sflag:s25], $0x4000  }
0x165: {  	[sflag:s25] =	ssyncset.done $0x0  }
0x166: {  	s7 =	simm.s32 $0x16400;
	[sflag:s25] =	ssyncadd.s32 $0xFFFFC000  }
0x167: {  	v0 =	vld [tilespmem:s7+$0x10]  }
0x168: {  	v1 =	vld [tilespmem:s7+$0x20]  }
0x169: {  	v2 =	vld [tilespmem:s7+$0x30]  }
0x16a: {  	v5 =	vld [tilespmem:s7+$0xA0]  }
0x16b: {  	v3 =	vld [tilespmem:s7+$0x80]  }
0x16c: {  	v4 =	vld [tilespmem:s7+$0x90]  }
0x16d: {  	v6 =	vld [tilespmem:s7+$0xB0];
	v0 =	vmul.f32 $8.000000000e+00, v0  }
0x16e: {  	v7 =	vld [tilespmem:s7+$0x3B0];
	v1 =	vmul.f32 $8.000000000e+00, v1  }
0x16f: {  	v8 =	vld [tilespmem:s7+$0x210];
	v5 =	vmul.f32 $8.000000000e+00, v5;
	[tilespmem:s7+$0x10] =	vst v0  }
0x170: {  	v9 =	vld [tilespmem:s7+$0x220];
	v2 =	vmul.f32 $8.000000000e+00, v2;
	[tilespmem:s7+$0x20] =	vst v1  }
0x171: {  	v3 =	vmul.f32 $8.000000000e+00, v3;
	[tilespmem:s7+$0xA0] =	vst v5;
	v5 =	vld [tilespmem:s7+$0x200]  }
0x172: {  	v4 =	vmul.f32 $8.000000000e+00, v4;
	v0 =	vld [tilespmem:s7+$0x100];
	[tilespmem:s7+$0x30] =	vst v2  }
0x173: {  	v6 =	vmul.f32 $8.000000000e+00, v6;
	v1 =	vld [tilespmem:s7+$0x110];
	[tilespmem:s7+$0x80] =	vst v3  }
0x174: {  	v8 =	vmul.f32 $8.000000000e+00, v8;
	v2 =	vld [tilespmem:s7+$0x120];
	[tilespmem:s7+$0x90] =	vst v4  }
0x175: {  	v10 =	vld [tilespmem:s7+$0x230];
	v4 =	vmul.f32 $8.000000000e+00, v7;
	[tilespmem:s7+$0xB0] =	vst v6  }
0x176: {  	v3 =	vld [tilespmem:s7+$0x130];
	[tilespmem:s7+$0x210] =	vst v8;
	v5 =	vmul.f32 $8.000000000e+00, v5  }
0x177: {  	v7 =	vld [tilespmem:s7+$0x180];
	[tilespmem:s7+$0x3B0] =	vst v4;
	v0 =	vmul.f32 $8.000000000e+00, v0  }
0x178: {  	v4 =	vld [tilespmem:s7+$0x190];
	v1 =	vmul.f32 $8.000000000e+00, v1;
	[tilespmem:s7+$0x200] =	vst v5  }
0x179: {  	v11 =	vld [tilespmem:s7+$0x280];
	v2 =	vmul.f32 $8.000000000e+00, v2;
	[tilespmem:s7+$0x100] =	vst v0  }
0x17a: {  	v12 =	vld [tilespmem:s7+$0x290];
	v0 =	vmul.f32 $8.000000000e+00, v9;
	[tilespmem:s7+$0x110] =	vst v1  }
0x17b: {  	v6 =	vld [tilespmem:s7+$0x2A0];
	v1 =	vmul.f32 $8.000000000e+00, v3;
	[tilespmem:s7+$0x120] =	vst v2  }
0x17c: {  	v13 =	vld [tilespmem:s7+$0x2B0];
	v2 =	vmul.f32 $8.000000000e+00, v7;
	[tilespmem:s7+$0x220] =	vst v0  }
0x17d: {  	v62 =	vld [tilespmem:s7+$0x300];
	v3 =	vmul.f32 $8.000000000e+00, v4;
	[tilespmem:s7+$0x130] =	vst v1  }
0x17e: {  	v8 =	vld [tilespmem:s7+$0x1B0];
	v0 =	vmul.f32 $8.000000000e+00, v10;
	[tilespmem:s7+$0x180] =	vst v2  }
0x17f: {  	v5 =	vld [tilespmem:s7+$0x1A0];
	v1 =	vmul.f32 $8.000000000e+00, v12;
	[tilespmem:s7+$0x190] =	vst v3  }
0x180: {  	v2 =	vmul.f32 $8.000000000e+00, v6;
	[tilespmem:s7+$0x230] =	vst v0  }
0x181: {  	v63 =	vld [tilespmem:s7+$0x310];
	v0 =	vmul.f32 $8.000000000e+00, v11;
	[tilespmem:s7+$0x290] =	vst v1  }
0x182: {  	v7 =	vld [tilespmem:s7+$0x320];
	v3 =	vmul.f32 $8.000000000e+00, v13;
	[tilespmem:s7+$0x2A0] =	vst v2  }
0x183: {  	v6 =	vmul.f32 $8.000000000e+00, v62;
	[tilespmem:s7+$0x280] =	vst v0;
	v0 =	vld [tilespmem:s7+$0x330]  }
0x184: {  	v1 =	vld [tilespmem:s7+$0x380];
	[tilespmem:s7+$0x2B0] =	vst v3;
	v4 =	vmul.f32 $8.000000000e+00, v5;
	v5 =	vmul.f32 $8.000000000e+00, v8  }
0x185: {  	v2 =	vld [tilespmem:s7+$0x390];
	[tilespmem:s7+$0x300] =	vst v6  }
0x186: {  	v3 =	vld [tilespmem:s7+$0x3A0];
	[tilespmem:s7+$0x1B0] =	vst v5;
	v5 =	vmul.f32 $8.000000000e+00, v63  }
0x187: {  	s11 =	simm.s32 $0x0;
	s12 =	simm.s32 $0x16800;
	v6 =	vmul.f32 $8.000000000e+00, v7;
	[tilespmem:s7+$0x1A0] =	vst v4;
	v4 =	vld [tilespmem:s7+$0x0]  }
.LBB2_11:
0x188: {  	v7 =	vld [tilespmem:s12+$0x3B0];
	s11 =	sadd.s32 $0x8, s11;
	[tilespmem:s7+$0x310] =	vst v5;
	v0 =	vmul.f32 $8.000000000e+00, v0  }
0x189: {  	v5 =	vld [tilespmem:s12+$0x10];
	p0 =	slt.u32 s11, $0x78;
	[tilespmem:s7+$0x320] =	vst v6;
	v1 =	vmul.f32 $8.000000000e+00, v1  }
0x18a: {  	v6 =	vld [tilespmem:s12+$0x20];
	[tilespmem:s7+$0x330] =	vst v0;
	v0 =	vmul.f32 $8.000000000e+00, v2  }
0x18b: {  	v2 =	vld [tilespmem:s12+$0x30];
	[tilespmem:s7+$0x380] =	vst v1;
	v1 =	vmul.f32 $8.000000000e+00, v3  }
0x18c: {  	v3 =	vld [tilespmem:s12+$0x80];
	v4 =	vmul.f32 $8.000000000e+00, v4;
	[tilespmem:s7+$0x390] =	vst v0  }
0x18d: {  	v0 =	vld [tilespmem:s12+$0x90];
	v7 =	vmul.f32 $8.000000000e+00, v7;
	[tilespmem:s7+$0x3A0] =	vst v1  }
0x18e: {  	v1 =	vmul.f32 $8.000000000e+00, v5;
	v5 =	vld [tilespmem:s12+$0xA0];
	[tilespmem:s7+$0x0] =	vst v4;
	s7 =	smov.u32 s12  }
0x18f: {  	v4 =	vmul.f32 $8.000000000e+00, v6;
	v6 =	vld [tilespmem:s12+$0xB0];
	[tilespmem:s12+$0x3B0] =	vst v7  }
0x190: {  	[tilespmem:s12+$0x10] =	vst v1;
	v1 =	vmul.f32 $8.000000000e+00, v2;
	v2 =	vld [tilespmem:s12+$0x100]  }
0x191: {  	[tilespmem:s12+$0x20] =	vst v4;
	v3 =	vmul.f32 $8.000000000e+00, v3;
	v4 =	vld [tilespmem:s12+$0x110]  }
0x192: {  	[tilespmem:s12+$0x30] =	vst v1;
	v0 =	vmul.f32 $8.000000000e+00, v0;
	v1 =	vld [tilespmem:s12+$0x120]  }
0x193: {  	[tilespmem:s12+$0x80] =	vst v3;
	v3 =	vmul.f32 $8.000000000e+00, v5;
	v5 =	vld [tilespmem:s12+$0x130]  }
0x194: {  	[tilespmem:s12+$0x90] =	vst v0;
	v0 =	vmul.f32 $8.000000000e+00, v6;
	v6 =	vld [tilespmem:s12+$0x180]  }
0x195: {  	[tilespmem:s12+$0xA0] =	vst v3;
	v2 =	vmul.f32 $8.000000000e+00, v2;
	v3 =	vld [tilespmem:s12+$0x190]  }
0x196: {  	[tilespmem:s12+$0xB0] =	vst v0;
	v0 =	vmul.f32 $8.000000000e+00, v4;
	v4 =	vld [tilespmem:s12+$0x1A0]  }
0x197: {  	[tilespmem:s12+$0x100] =	vst v2;
	v1 =	vmul.f32 $8.000000000e+00, v1;
	v2 =	vld [tilespmem:s12+$0x1B0]  }
0x198: {  	[tilespmem:s12+$0x110] =	vst v0;
	v0 =	vmul.f32 $8.000000000e+00, v5;
	v5 =	vld [tilespmem:s12+$0x200]  }
0x199: {  	[tilespmem:s12+$0x120] =	vst v1;
	v1 =	vmul.f32 $8.000000000e+00, v6;
	v6 =	vld [tilespmem:s12+$0x210]  }
0x19a: {  	[tilespmem:s12+$0x130] =	vst v0;
	v0 =	vmul.f32 $8.000000000e+00, v3;
	v3 =	vld [tilespmem:s12+$0x220]  }
0x19b: {  	[tilespmem:s12+$0x180] =	vst v1;
	v1 =	vmul.f32 $8.000000000e+00, v4;
	v4 =	vld [tilespmem:s12+$0x230]  }
0x19c: {  	[tilespmem:s12+$0x190] =	vst v0;
	v0 =	vmul.f32 $8.000000000e+00, v2;
	v2 =	vld [tilespmem:s12+$0x280]  }
0x19d: {  	[tilespmem:s12+$0x1A0] =	vst v1;
	v1 =	vmul.f32 $8.000000000e+00, v5;
	v5 =	vld [tilespmem:s12+$0x290]  }
0x19e: {  	[tilespmem:s12+$0x1B0] =	vst v0;
	v0 =	vmul.f32 $8.000000000e+00, v6;
	v6 =	vld [tilespmem:s12+$0x2A0]  }
0x19f: {  	[tilespmem:s12+$0x200] =	vst v1;
	v1 =	vmul.f32 $8.000000000e+00, v3;
	v3 =	vld [tilespmem:s12+$0x2B0]  }
0x1a0: {  	[tilespmem:s12+$0x210] =	vst v0;
	v0 =	vmul.f32 $8.000000000e+00, v4;
	v4 =	vld [tilespmem:s12+$0x300]  }
0x1a1: {  	[tilespmem:s12+$0x220] =	vst v1;
	v1 =	vmul.f32 $8.000000000e+00, v2;
	v7 =	vld [tilespmem:s12+$0x310]  }
0x1a2: {  	[tilespmem:s12+$0x230] =	vst v0;
	v2 =	vmul.f32 $8.000000000e+00, v5;
	v8 =	vld [tilespmem:s12+$0x320]  }
.Ltmp4:
0x1a3: {  	[tilespmem:s12+$0x280] =	vst v1;
	v5 =	vmul.f32 $8.000000000e+00, v6;
	v0 =	vld [tilespmem:s12+$0x330];
	(pc) =	sbr.rel @p0 .LBB2_11-.Ltmp4, $4  }
0x1a4: {  	[tilespmem:s12+$0x290] =	vst v2;
	v3 =	vmul.f32 $8.000000000e+00, v3;
	v1 =	vld [tilespmem:s12+$0x380]  }
0x1a5: {  	[tilespmem:s12+$0x2A0] =	vst v5;
	v6 =	vmul.f32 $8.000000000e+00, v4;
	v2 =	vld [tilespmem:s12+$0x390]  }
0x1a6: {  	[tilespmem:s12+$0x2B0] =	vst v3;
	v5 =	vmul.f32 $8.000000000e+00, v7;
	v3 =	vld [tilespmem:s12+$0x3A0]  }
0x1a7: {  	s12 =	sadd.s32 $0x400, s12;
	v4 =	vld [tilespmem:s7+$0x0];
	[tilespmem:s7+$0x300] =	vst v6;
	v6 =	vmul.f32 $8.000000000e+00, v8  }
0x1a8: {  	[tilespmem:s7+$0x310] =	vst v5;
	v0 =	vmul.f32 $8.000000000e+00, v0  }
0x1a9: {  	s0 =	sadd.s32 $0x1, s0;
	[tilespmem:s7+$0x320] =	vst v6;
	v1 =	vmul.f32 $8.000000000e+00, v1  }
0x1aa: {  	p0 =	sne.s32 s0, $0x28;
	[tilespmem:s7+$0x330] =	vst v0;
	v61 =	vmul.f32 $8.000000000e+00, v2  }
.Ltmp5:
0x1ab: {  	s11 =	sshll.u32 s16, $0xE;
	[tilespmem:s7+$0x380] =	vst v1;
	v62 =	vmul.f32 $8.000000000e+00, v3;
	(pc) =	sbr.rel @p0 .LBB2_2-.Ltmp5, $4  }
0x1ac: {  	s11 =	sadd.s32 s5, s11;
	v63 =	vmul.f32 $8.000000000e+00, v4;
	[tilespmem:s7+$0x390] =	vst v61  }
0x1ad: {  	s11 =	sshrl.u32 s11, $0x3;
	[tilespmem:s7+$0x3A0] =	vst v62  }
0x1ae: {  	s26 =	sadd.s32 s6, s11;
	[tilespmem:s7+$0x0] =	vst v63  }
0x1af: {  	[hbm4b:s26+s2] =	stream.linear.scatter [tilespmem:s20], [sflag:$0xA], $0x4000, $0x38;
	[tilespmem:$0x1A400] =	vst v63  }
0x1b0: {  	s0 =	simm.s32 $0x6  }
0x1b1: {  	_ =	swait.ge [sflag:s0], $0x4000  }
0x1b2: {  	[sflag:s0] =	ssyncset.done $0x0  }
0x1b3: {  	[sflag:s0] =	ssyncadd.s32 $0xFFFFC000  }
0x1b4: {  	_ =	swait.ge [sflag:s28], $0x4000  }
0x1b5: {  	[sflag:s28] =	ssyncset.done $0x0  }
0x1b6: {  	[sflag:s28] =	ssyncadd.s32 $0xFFFFC000  }
0x1b7: {  	_ =	swait.ge [sflag:s29], $0x4000  }
0x1b8: {  	[sflag:s29] =	ssyncset.done $0x0  }
0x1b9: {  	[sflag:s29] =	ssyncadd.s32 $0xFFFFC000  }
0x1ba: {  	_ =	swait.ge [sflag:s30], $0x4000  }
0x1bb: {  	[sflag:s30] =	ssyncset.done $0x0  }
0x1bc: {  	[sflag:s30] =	ssyncadd.s32 $0xFFFFC000  }
0x1bd: {  	_ =	swait.ge [sflag:s31], $0x4000  }
0x1be: {  	s1 =	sadd.s32 $0x1, s1;
	s26 =	rddreg [dreg:$0x4]  }
0x1bf: {  	p0 =	sne.s32 s1, s26  }
.Ltmp6:
0x1c0: {  	_ = 	snop;
	(pc) =	sbr.rel @p0 .LBB2_1-.Ltmp6, $3  }
0x1c1: {  	_ =	sdelay $0x1  }
0x1c2: {  	[sflag:s31] =	ssyncset.done $0x0  }
0x1c3: {  	[sflag:s31] =	ssyncadd.s32 $0xFFFFC000  }
0x1c4: {  	_ =	sfence.sel $0x180000  }
0x1c5: {  	[bflag:$0x0] =	sbarrier.arrive $0xFFFF  }
0x1c6: {  	_ =	strace $0x90000047  }
0x1c7: {  	s0 =	stileid.u32;
	[bflag:$0x2] =	sbarrier.arrive $0xFFFF  }
0x1c8: {  	p0 =	sne.s32 s0, $0x0;
	s0 =	rddreg [dreg:$0x2]  }
0x1c9: {  	s0 =	sadd.s32 @!p0 $0x100000, s0  }
0x1ca: {  	[sflag:s0] =	ssyncadd.tile.s32 @!p0 $0x1;
	_ =	shalt  }
.Lfunc_end2:
_tile_overlayer_lowered:
.L_overlay_start_2:
0x1cb: {  	(tag) =	ssettag $0x2  }
0x1cc: {  	s0 =	rddreg [dreg:$0x0];
	s2 =	stileid.u32  }
0x1cd: {  	s1 =	rddreg [dreg:$0x1];
	p0 =	sne.s32 s2, $0x0  }
0x1ce: {  	s3 =	rddreg [dreg:$0x2];
	[bflag:$0x3] =	sbarrier.arrive $0xFFFF;
	s2 =	simm.s32 @!p0 $0x1C0B  }
0x1cf: {  	[timem:s3], [sflag:s2] =	dma.local @!p0 [hbm:s0], s1  }
0x1d0: {  	s0 =	simm.s32 @!p0 $0xB  }
0x1d1: {  	_ =	swait.ge @!p0 [sflag:s0], s1  }
0x1d2: {  	s1 =	ssub.s32 @!p0 $0x0, s1;
	[sflag:s0] =	ssyncset.done @!p0 $0x0  }
0x1d3: {  	[sflag:s0] =	ssyncadd.s32 @!p0 s1  }
0x1d4: {  	[bflag:$0x3] =	sbarrier.arrive $0xFFFF  }
0x1d5: {  	_ =	shalt  }

// kernel: sparse-core-data-format-call.cloned.1.call-start
scs
called_computation_lowered:
.L_overlay_start_0:
0x0: {  	s2 =	sld [smem:$0x3FD9]  }
0x1: {  	s3 =	sld [smem:$0x3FFE];
	_ =	sdelay $0x1  }
0x2: {  	s1 =	srdreg.scid  }
0x3: {  	s0 =	sand.u32 $0x1, s1  }
0x4: {  	s18 =	sshll.u32 s0, $0xA;
	s2 =	sadd.s32 s3, s2  }
0x5: {  	s2 =	sadd.s32 s2, s18  }
0x6: {  	[smem:$0x3FC6] =	sst s2  }
0x7: {  	_ = 	snop  }
0x8: {  	s2 =	sld [smem:$0x3FD0];
	(tm) =	ssettm $0x1  }
0x9: {  	s19 =	sld [smem:$0x3FFB];
	_ =	sdelay $0x3  }
0xa: {  	_ =	strace s19  }
0xb: {  	s3 =	sld [smem:$0x3FFC];
	_ =	sdelay $0x3  }
0xc: {  	_ =	strace s3  }
0xd: {  	s3 =	sld [smem:$0x3FFD];
	_ =	sdelay $0x3  }
0xe: {  	_ =	strace s3  }
0xf: {  	_ =	strace $0x8FFFFFFF  }
0x10: {  	s20 =	sld [smem:$0x3FDB];
	_ =	sdelay $0x1  }
0x11: {  	s4 =	simm.s32 $_scs_section_size  }
0x12: {  	s5 =	simm.s32 $_size__tile_overlayer_lowered;
	s6 =	simm.s32 $_tile_overlayer_lowered  }
0x13: {  	s23 =	simm.s32 $0x1BFF;
	s22 =	sshll.u32 s6, $0x1;
	s3 =	sadd.s32 s4, s20  }
0x14: {  	s7 =	simm.s32 $0x0;
	s21 =	sshll.u32 s5, $0x1;
	s5 =	sadd.s32 s22, s3  }
0x15: {  	[timem:s7], [sflag:s23] =	dma.local [hbm:s5], s21  }
0x16: {  	_ =	swait.ge [sflag:s23], s21  }
0x17: {  	s4 =	ssub.s32 $0x0, s21;
	[sflag:s23] =	ssyncset.done $0x0  }
0x18: {  	[sflag:s23] =	ssyncadd.s32 s4;
	_ =	sdelay $0x1  }
0x19: {  	s24 =	simm.s32 $0x1B8B  }
0x1a: {  	_ =	swait.ge [sflag:s24], $0x1  }
0x1b: {  	[sflag:s24] =	ssyncset.done $0x0  }
0x1c: {  	s26 =	simm.s32 $0x1B8E;
	s25 =	sld [smem:$0x3FFE];
	[sflag:s24] =	ssyncadd.s32 $0xFFFFFFFF  }
0x1d: {  	s27 =	simm.s32 $execute0_lowered;
	[smem:$0x3FD2] =	sst s26  }
0x1e: {  	s5 =	sshll.u32 s27, $0x1;
	_ =	strace $0x80000049;
	[dreg:$0x1] =	wrdreg $0xFFFFFFFF  }
0x1f: {  	s28 =	simm.s32 $_size_execute0_lowered;
	s3 =	sadd.s32 s3, s5;
	[dreg:$0x0] =	wrdreg $0x0  }
0x20: {  	s5 =	sshll.u32 s28, $0x1;
	[dreg:$0x2] =	wrdreg s3  }
0x21: {  	[dreg:$0x3] =	wrdreg s5  }
0x22: {  	[dreg:$0x4] =	wrdreg $0xC0  }
0x23: {  	_ =	task [dreg:s7], $0x5FFFF  }
0x24: {  	[dreg:$0x1] =	wrdreg $0xFFFFFFFF  }
0x25: {  	[dreg:$0x0] =	wrdreg $0x60  }
0x26: {  	[dreg:$0x2] =	wrdreg s25  }
0x27: {  	[dreg:$0x3] =	wrdreg s2  }
0x28: {  	[dreg:$0x4] =	wrdreg $0x9  }
0x29: {  	_ =	task.clear_ibuf [dreg:s7], $0x5FFFF;
	_ =	strace $0x90000049  }
0x2a: {  	s29 =	simm.s32 $0x9;
	_ =	strace $0x8000004B  }
0x2b: {  	_ =	swait.ge [sflag:s29], $0x1  }
0x2c: {  	[sflag:s29] =	ssyncadd.s32 $0xFFFFFFFF  }
0x2d: {  	_ =	strace $0x9000004B  }
0x2e: {  	_ =	sfence  }
0x2f: {  	s30 =	sld [smem:$0x0];
	_ =	sdelay $0x2  }
0x30: {  	s31 =	sshll.u32 s1, $0xD;
	s1 =	sshrl.u32 s1, $0x2  }
0x31: {  	s3 =	sand.u32 $0x4000, s31;
	s1 =	sadd.s32 s1, s30  }
0x32: {  	s0 =	sor.u32 s3, s0;
	s1 =	sshll.u32 s1, $0x11  }
0x33: {  	s0 =	sor.u32 s1, s0  }
0x34: {  	s0 =	sadd.s32 $0x8F2B, s0  }
0x35: {  	[sflag:s0] =	ssyncadd.remote.s32 $0x1  }
0x36: {  	_ =	sfence.sel $0xFFFF  }
0x37: {  	[dreg:$0x0] =	wrdreg $0xFFFFFFFF;
	(pc) =	sbr.abs _section_cstart, $3  }
0x38: {  	[dreg:$0x1] =	wrdreg $0xFFFFFFFF  }
0x39: {  	_ =	task.clear_ibuf [dreg:s7], $0x2FFFF;
	_ =	strace $0x9FFFFFFF  }
0x3a: {  	(tm) =	ssettm $0x7FFFFFFF  }
0x3b: {  	_ =	shalt  }
tec
execute0_lowered:
.L_overlay_start_1:
0x0: {  	(tag) =	ssettag $0x1  }
0x1: {  	s0 =	srdreg.scid  }
0x2: {  	s1 =	sshll.u32 s0, $0x4  }
0x3: {  	s5 =	rddreg [dreg:$0x0];
	s0 =	stileid.u32;
	s1 =	sand.u32 $0x10, s1  }
0x4: {  	s3 =	rddreg [dreg:$0x1];
	s31 =	simm.s32 $0x2;
	s4 =	sor.u32 s0, s1  }
0x5: {  	s13 =	simm.s32 $0x0;
	s9 =	simm.s32 $0x400;
	s2 =	sshll.u32 s4, $0x7  }
0x6: {  	s10 =	simm.s32 $0x8000;
	s14 =	simm.s32 $0x0;
	s6 =	ssub.s32 $0x1000, s2  }
0x7: {  	s1 =	rddreg [dreg:$0x2];
	_ =	strace $0x8000004A;
	s7 =	sand.u32 $0xF80, s6  }
0x8: {  	s4 =	sshll.u32 s4, $0xB;
	p0 =	sne.s32 s7, $0x0;
	s7 =	simm.s32 $0x1  }
.Ltmp0:
0x9: {  	s6 =	sshrl.u32 s6, $0xC;
	s7 =	simm.s32 @!p0 $0x0;
	(pc) =	sbr.rel .LBB1_1-.Ltmp0, $4  }
0xa: {  	s8 =	sadd.s32 s4, s5;
	s4 =	simm.s32 $0x1;
	s30 =	sadd.s32 s7, s6  }
0xb: {  	s11 =	simm.s32 $0x0;
	[sflag:s4] =	ssyncpa.u1 $0x0;
	s5 =	smul.u32 $0x64, s30  }
0xc: {  	s12 =	simm.s32 $0x0;
	[sflag:s31] =	ssyncpa.u1 $0x0;
	p0 =	por $0x0, $0x0  }
0xd: {  	s6 =	sadd.s32 $0xA00, s8;
	s7 =	sadd.s32 $0x10A00, s8;
	s8 =	sor.u32 $0x1, s5  }
.LBB1_7:
0xe: {  	s15 =	sadd.s32 $0x2, s11  }
0xf: {  	p2 =	sgt.s32 s15, $0xC7  }
0x10: {  	s15 =	simm.s32 @p2 $0x0;
	p2 =	sne.s32 s12, s8  }
.Ltmp1:
0x11: {  	p1 =	slt.u32 s12, $0x2;
	(pc) =	sbr.rel @!p2 .LBB1_8-.Ltmp1, $4  }
0x12: {  	s13 =	simm.s32 @!p1 $0x2  }
0x13: {  	s16 =	sadd.s32 $0x1, s12;
	s14 =	smov.u32 s11;
	_ =	swait.ge @!p1 [sflag:s13], $0x4000  }
0x14: {  	p0 =	por !p0, !p0;
	s12 =	smov.u32 s16;
	[sflag:s13] =	ssyncset.done @!p1 $0x0  }
0x15: {  	s11 =	smov.u32 s15;
	[sflag:s13] =	ssyncadd.s32 @!p1 $0xFFFFC000;
	s13 =	smov.u32 s2  }
.LBB1_1:
0x16: {  	p1 =	sge.u32 s12, s5  }
0x17: {  	s15 =	sxor.u32 @!p1 $0xFFFFFFFF, s12  }
0x18: {  	s16 =	sshll.u32 @!p1 s11, $0x10;
	s18 =	simm.s32 @!p1 $0x40;
	s15 =	sshll.u32 @!p1 s15, $0xE  }
0x19: {  	s19 =	simm.s32 @!p1 $0x80;
	s17 =	sadd.s32 @!p1 s16, s6;
	s15 =	sand.u32 @!p1 $0x4000, s15  }
0x1a: {  	[tilespmem:s15], [sflag:$0x1] =	stream.strided.gather @!p1 [hbm4b:s17+s18], $0x2000, s19, s18, $0x38;
	[tilespmem:$0x10100] =	vst v63  }
0x1b: {  	s31 =	sadd.s32 $0xFFFFFFFF, s12;
	s16 =	sadd.s32 @!p1 s16, s7;
	s15 =	sor.u32 @!p1 $0x2000, s15  }
0x1c: {  	[tilespmem:s15], [sflag:$0x1] =	stream.strided.gather @!p1 [hbm4b:s16+s18], $0x2000, s19, s18, $0x38;
	[tilespmem:$0x10100] =	vst v63  }
0x1d: {  	p1 =	sge.u32 s31, s5  }
.Ltmp2:
0x1e: {  	_ = 	snop;
	(pc) =	sbr.rel @p1 .LBB1_7-.Ltmp2, $1  }
0x1f: {  	_ =	sdelay $0x3  }
0x20: {  	s15 =	simm.s32 $0x1;
	s17 =	sand.u32 $0x1, s12  }
0x21: {  	_ =	swait.ge [sflag:s4], $0x4000;
	s15 =	simm.s32 @!p0 $0x0;
	s17 =	smul.u32 $0x10200, s17  }
0x22: {  	p2 =	por $0x1, $0x1;
	[sflag:s4] =	ssyncset.done $0x0;
	s16 =	smul.u32 $0x10200, s15  }
0x23: {  	s18 =	sshll.u32 s15, $0x10;
	[sflag:s4] =	ssyncadd.s32 $0xFFFFC000;
	s30 =	sshrl.u32 s17, $0x2  }
0x24: {  	s31 =	sshrl.u32 s18, $0x2;
	s18 =	simm.s32 $0x0;
	s16 =	sshrl.u32 s16, $0x2  }
0x25: {  	s15 =	sor.u32 $0x8000, s30;
	s17 =	sadd.s32 $0x20, s31;
	s16 =	sor.u32 $0x8000, s16  }
.LBB1_3:
0x26: {  	s19 =	sshll.u32 s18, $0xD  }
0x27: {  	s19 =	sand.u32 $0x3FFFE000, s19  }
0x28: {  	s21 =	sadd.s32 s19, s17  }
0x29: {  	s31 =	smul.u32 $0x8100, s18;
	v3 =	vld [tilespmem:s21+$0x10]  }
0x2a: {  	v1 =	vld [tilespmem:s21+$0xFFFFFFF0]  }
0x2b: {  	s18 =	sshra.s32 s31, $0x2;
	v0 =	vld [tilespmem:s21+$0x0]  }
0x2c: {  	s18 =	sadd.s32 s18, s16;
	v2 =	vld [tilespmem:s21+$0xFFFFFFE0]  }
0x2d: {  	s19 =	sadd.s32 $0x0, s18  }
0x2e: {  	p1 =	por p2, p2;
	s20 =	simm.s32 $0x4;
	s21 =	sadd.s32 $0x40, s21;
	[tilespmem:s19+$0x1830 ss:$0x81] =	vst.msk $0xffff, v3  }
.LBB1_4:
0x2f: {  	v3 =	vld [tilespmem:s21+$0x10];
	p2 =	sne.s32 s20, $0x1FC;
	[tilespmem:s19+$0x810 ss:$0x81] =	vst.msk $0xffff, v1;
	s22 =	smov.u32 s20;
	s20 =	sadd.s32 $0x4, s20  }
.Ltmp3:
0x30: {  	v1 =	vld [tilespmem:s21+$0xFFFFFFF0];
	[tilespmem:s19+$0x1020 ss:$0x81] =	vst.msk $0xffff, v0;
	(pc) =	sbr.rel @p2 .LBB1_4-.Ltmp3, $4  }
0x31: {  	v0 =	vld [tilespmem:s21+$0x0];
	[tilespmem:s19+$0x0 ss:$0x81] =	vst.msk $0xffff, v2  }
0x32: {  	s19 =	sshra.s32 s22, $0x2;
	v2 =	vld [tilespmem:s21+$0xFFFFFFE0]  }
0x33: {  	s19 =	sadd.s32 s19, s18  }
0x34: {  	s21 =	sadd.s32 $0x40, s21;
	[tilespmem:s19+$0x1830 ss:$0x81] =	vst.msk $0xffff, v3  }
.Ltmp4:
0x35: {  	(pc) =	sbr.rel @p1 .LBB1_3-.Ltmp4, $4  }
0x36: {  	_ = 	snop  }
0x37: {  	[tilespmem:s19+$0x810 ss:$0x81] =	vst.msk $0xffff, v1  }
0x38: {  	[tilespmem:s19+$0x1020 ss:$0x81] =	vst.msk $0xffff, v0  }
0x39: {  	s18 =	simm.s32 $0x1;
	p2 =	por $0x0, $0x0;
	[tilespmem:s19+$0x0 ss:$0x81] =	vst.msk $0xffff, v2  }
.Ltmp5:
0x3a: {  	(pc) =	sbr.rel .LBB1_7-.Ltmp5, $4  }
0x3b: {  	s14 =	sshll.u32 s14, $0xF  }
0x3c: {  	s14 =	sadd.s32 s3, s14  }
0x3d: {  	s13 =	sadd.s32 s13, s14  }
0x3e: {  	[hbm4b:s13+s9] =	stream.strided.scatter [tilespmem:s15], [sflag:$0x2], $0x4000, s10, s9, $0x20;
	[tilespmem:$0x10100] =	vst v63  }
.LBB1_8:
0x3f: {  	_ =	sfence.sel $0x180000  }
0x40: {  	s2 =	simm.s32 $0x1;
	[bflag:$0x0] =	sbarrier.arrive $0xFFFF  }
0x41: {  	s31 =	simm.s32 $0x2;
	[sflag:s2] =	ssyncpa.u1 $0x1  }
0x42: {  	[sflag:s31] =	ssyncpa.u1 $0x1  }
0x43: {  	p0 =	sne.s32 s0, $0x0;
	_ =	strace $0x9000004A  }
0x44: {  	s0 =	sadd.s32 @!p0 $0x100000, s1;
	[bflag:$0x2] =	sbarrier.arrive $0xFFFF  }
0x45: {  	[sflag:s0] =	ssyncadd.tile.s32 @!p0 $0x1;
	_ =	shalt  }
.Lfunc_end1:
_tile_overlayer_lowered:
.L_overlay_start_2:
0x46: {  	(tag) =	ssettag $0x2  }
0x47: {  	s0 =	rddreg [dreg:$0x0];
	s2 =	stileid.u32  }
0x48: {  	s1 =	rddreg [dreg:$0x1];
	p0 =	sne.s32 s2, $0x0  }
0x49: {  	s3 =	rddreg [dreg:$0x2];
	[bflag:$0x3] =	sbarrier.arrive $0xFFFF;
	s2 =	simm.s32 @!p0 $0x1C01  }
0x4a: {  	[timem:s3], [sflag:s2] =	dma.local @!p0 [hbm:s0], s1  }
0x4b: {  	s0 =	simm.s32 @!p0 $0x1  }
0x4c: {  	_ =	swait.ge @!p0 [sflag:s0], s1  }
0x4d: {  	s1 =	ssub.s32 @!p0 $0x0, s1;
	[sflag:s0] =	ssyncset.done @!p0 $0x0  }
0x4e: {  	[sflag:s0] =	ssyncadd.s32 @!p0 s1  }
0x4f: {  	[bflag:$0x3] =	sbarrier.arrive $0xFFFF  }
0x50: {  	_ =	shalt  }

</sc_bundles>
